<compile_context>
chip_gen: v7x
topology: tpu7x:2x2x1
jax: 0.10.2.dev20260603
libtpu: 0.0.44.dev20260713+nightly
codegen_flags: <defaults>
</compile_context>

<pallas_src>
import functools

import jax
import jax.numpy as jnp
from jax import lax
from jax.experimental import pallas as pl
from jax.experimental.pallas import tpu as pltpu
from jax.experimental.pallas import tpu_sc as plsc

NC = 2
NS = 16
NW = NC * NS
GSZ = 128


def _proj_body(x_ref, ws_ref, wd_ref, os_ref, od_ref):
    xb = x_ref[...]
    os_ref[...] = jnp.dot(xb, ws_ref[...], preferred_element_type=jnp.float32)
    od_ref[...] = jnp.dot(xb, wd_ref[...], preferred_element_type=jnp.float32)


def _node_proj(x, Wes, Wed):
    n, d = x.shape
    de = Wes.shape[1]
    nb = 5
    r = n // nb
    return pl.pallas_call(
        _proj_body,
        grid=(nb,),
        in_specs=[
            pl.BlockSpec((r, d), lambda i: (i, 0)),
            pl.BlockSpec((d, de), lambda i: (0, 0)),
            pl.BlockSpec((d, de), lambda i: (0, 0)),
        ],
        out_specs=[
            pl.BlockSpec((r, de), lambda i: (i, 0)),
            pl.BlockSpec((r, de), lambda i: (i, 0)),
        ],
        out_shape=[
            jax.ShapeDtypeStruct((n, de), jnp.float32),
            jax.ShapeDtypeStruct((n, de), jnp.float32),
        ],
    )(x, Wes, Wed)


def _ebase_body(eat_ref, weet_ref, weut_ref, uc_ref, bet_ref, o_ref):
    cut = jnp.dot(weut_ref[...], uc_ref[...], preferred_element_type=jnp.float32)
    o_ref[...] = (
        jnp.dot(weet_ref[...], eat_ref[...], preferred_element_type=jnp.float32)
        + cut + bet_ref[...]
    )


def _edge_base(eaT, WeeT, WeuT, uc, beT):
    de, e = eaT.shape
    du = uc.shape[0]
    nb = 10
    c = e // nb
    return pl.pallas_call(
        _ebase_body,
        grid=(nb,),
        in_specs=[
            pl.BlockSpec((de, c), lambda i: (0, i)),
            pl.BlockSpec((de, de), lambda i: (0, 0)),
            pl.BlockSpec((de, du), lambda i: (0, 0)),
            pl.BlockSpec((du, 1), lambda i: (0, 0)),
            pl.BlockSpec((de, 1), lambda i: (0, 0)),
        ],
        out_specs=pl.BlockSpec((de, c), lambda i: (0, i)),
        out_shape=jax.ShapeDtypeStruct((de, e), jnp.float32),
    )(eaT, WeeT, WeuT, uc, beT)


def _edge_sc(xs, xd, eb4, ei3, n, e, de):
    g = e // GSZ
    gmax = ((g + NW - 1) // NW + 7) // 8 * 8
    n_pad = ((n + 8 * NS - 1) // (8 * NS)) * 8 * NS
    rpt = n_pad // NS

    mesh = plsc.VectorSubcoreMesh(
        core_axis_name="c", subcore_axis_name="s", num_cores=NC, num_subcores=NS)

    @functools.partial(
        pl.kernel,
        mesh=mesh,
        compiler_params=pltpu.CompilerParams(
            use_tc_tiling_on_sc=False, needs_layout_passes=False),
        out_type=[
            jax.ShapeDtypeStruct((de // 8, e // GSZ, 8, GSZ), jnp.float32),
            jax.ShapeDtypeStruct((NC, n_pad, de), jnp.float32),
            jax.ShapeDtypeStruct((NC, n_pad, de), jnp.float32),
        ],
        scratch_types=[
            pltpu.VMEM((gmax, GSZ), jnp.int32),
            pltpu.VMEM((gmax, GSZ), jnp.int32),
            pltpu.VMEM((3, GSZ, de), jnp.float32),
            pltpu.VMEM((3, GSZ, de), jnp.float32),
            pltpu.VMEM((3, de, GSZ + 1), jnp.float32),
            pltpu.VMEM((3, GSZ, de), jnp.float32),
            pltpu.VMEM((rpt, de), jnp.float32),
            pltpu.VMEM_SHARED((n_pad, de), jnp.float32),
            pltpu.VMEM_SHARED((n_pad, de), jnp.float32),
            pltpu.SemaphoreType.DMA((3,)),
            pltpu.SemaphoreType.DMA((3,)),
            pltpu.SemaphoreType.DMA((3,)),
            pltpu.SemaphoreType.DMA((3,)),
        ],
    )
    def body(xs_h, xd_h, eb_h, ei_h, enew_h, ain_h, aout_h,
             si_v, di_v, gs_v, gd_v, ebp_v, en_v, st_v, ain_s, aout_s,
             sem_l, sem_g, sem_s, sem_a):
        c = lax.axis_index("c")
        s = lax.axis_index("s")
        w = c * NS + s
        g0 = gmax * w
        ng = jnp.clip(g - g0, 0, gmax)

        def zrow(i, _):
            st_v[i, :] = jnp.zeros((de,), jnp.float32)
            return 0
        lax.fori_loop(0, rpt, zrow, 0)
        pltpu.sync_copy(st_v, ain_s.at[pl.ds(s * rpt, rpt)])
        pltpu.sync_copy(st_v, aout_s.at[pl.ds(s * rpt, rpt)])
        plsc.subcore_barrier()

        pltpu.sync_copy(ei_h.at[pl.ds(g0, gmax), 0], si_v)
        pltpu.sync_copy(ei_h.at[pl.ds(g0, gmax), 1], di_v)

        feat = lax.iota(jnp.int32, de)

        def issue_in(j, b):
            gg = g0 + j
            pltpu.async_copy(eb_h.at[0, gg],
                             ebp_v.at[b, pl.ds(0, 8), pl.ds(0, GSZ)],
                             sem_l.at[b])
            pltpu.async_copy(eb_h.at[1, gg],
                             ebp_v.at[b, pl.ds(8, 8), pl.ds(0, GSZ)],
                             sem_l.at[b])
            pltpu.async_copy(xs_h.at[si_v.at[j]], gs_v.at[b], sem_g.at[b])
            pltpu.async_copy(xd_h.at[di_v.at[j]], gd_v.at[b], sem_g.at[b])

        def wait_in(b):
            for h in range(2):
                pltpu.make_async_copy(
                    eb_h.at[h, 0],
                    ebp_v.at[b, pl.ds(8 * h, 8), pl.ds(0, GSZ)],
                    sem_l.at[b]).wait()
            pltpu.make_async_copy(xs_h.at[si_v.at[0]], gs_v.at[b],
                                  sem_g.at[b]).wait()
            pltpu.make_async_copy(xd_h.at[di_v.at[0]], gd_v.at[b],
                                  sem_g.at[b]).wait()

        def wait_out(b):
            for h in range(2):
                pltpu.make_async_copy(
                    ebp_v.at[b, pl.ds(8 * h, 8), pl.ds(0, GSZ)],
                    enew_h.at[h, 0],
                    sem_s.at[b]).wait()
            pltpu.make_async_copy(en_v.at[b], ain_s.at[di_v.at[0]],
                                  sem_a.at[b]).wait()
            pltpu.make_async_copy(en_v.at[b], aout_s.at[si_v.at[0]],
                                  sem_a.at[b]).wait()

        issue_in(0, 0)
        issue_in(jnp.minimum(1, ng - 1), 1)

        def grp(j, _):
            p = lax.rem(j, 3)
            np_ = lax.rem(j + 2, 3)
            jn = jnp.minimum(j + 2, ng - 1)

            @pl.when(j >= 1)
            def _():
                wait_out(np_)
            issue_in(jn, np_)
            wait_in(p)

            def rowf(r, _):
                for t in range(8):
                    i = r * 8 + t
                    ci = jnp.full((de,), i, jnp.int32)
                    v = (plsc.load_gather(ebp_v.at[p], [feat, ci])
                         + gs_v[p, i, :] + gd_v[p, i, :])
                    v = jnp.maximum(v, 0.0)
                    plsc.store_scatter(ebp_v.at[p], [feat, ci], v)
                    en_v[p, i, :] = v
                return 0
            lax.fori_loop(0, GSZ // 8, rowf, 0)

            gg = g0 + j
            pltpu.async_copy(ebp_v.at[p, pl.ds(0, 8), pl.ds(0, GSZ)],
                             enew_h.at[0, gg], sem_s.at[p])
            pltpu.async_copy(ebp_v.at[p, pl.ds(8, 8), pl.ds(0, GSZ)],
                             enew_h.at[1, gg], sem_s.at[p])
            pltpu.async_copy(en_v.at[p], ain_s.at[di_v.at[j]],
                             sem_a.at[p], add=True)
            pltpu.async_copy(en_v.at[p], aout_s.at[si_v.at[j]],
                             sem_a.at[p], add=True)
            return 0
        lax.fori_loop(0, ng, grp, 0)

        wait_in(lax.rem(ng, 3))
        wait_in(lax.rem(ng + 1, 3))
        wait_out(lax.rem(ng - 1, 3))
        plsc.subcore_barrier()

        pltpu.sync_copy(ain_s.at[pl.ds(s * rpt, rpt)], st_v)
        pltpu.sync_copy(st_v, ain_h.at[c, pl.ds(s * rpt, rpt)])
        pltpu.sync_copy(aout_s.at[pl.ds(s * rpt, rpt)], st_v)
        pltpu.sync_copy(st_v, aout_h.at[c, pl.ds(s * rpt, rpt)])

    return body(xs, xd, eb4, ei3)


def _node_body(n_nodes, n_edges,
               x_ref, ai_ref, ao_ref, wvx_ref, wvi_ref, wvo_ref, u_ref,
               wvu_ref, bv_ref, wgx_ref, wge_ref, wgu_ref, bg_ref,
               xn_ref, un_ref, accx, acce):
    i = pl.program_id(0)
    nb = pl.num_programs(0)

    @pl.when(i == 0)
    def _():
        accx[...] = jnp.zeros_like(accx)
        acce[...] = jnp.zeros_like(acce)

    a_in = ai_ref[0] + ai_ref[1]
    a_out = ao_ref[0] + ao_ref[1]
    cv = jnp.dot(u_ref[...], wvu_ref[...], preferred_element_type=jnp.float32)
    h = (jnp.dot(x_ref[...], wvx_ref[...], preferred_element_type=jnp.float32)
         + jnp.dot(a_in, wvi_ref[...], preferred_element_type=jnp.float32)
         + jnp.dot(a_out, wvo_ref[...], preferred_element_type=jnp.float32)
         + cv + bv_ref[...])
    xn = jnp.maximum(h, 0.0)
    xn_ref[...] = xn
    accx[...] += jnp.sum(xn, axis=0, keepdims=True)
    acce[...] += jnp.sum(a_in, axis=0, keepdims=True)

    @pl.when(i == nb - 1)
    def _():
        mx = accx[...] * (1.0 / n_nodes)
        me = acce[...] * (1.0 / n_edges)
        gg = (jnp.dot(mx, wgx_ref[...], preferred_element_type=jnp.float32)
              + jnp.dot(me, wge_ref[...], preferred_element_type=jnp.float32)
              + jnp.dot(u_ref[...], wgu_ref[...], preferred_element_type=jnp.float32)
              + bg_ref[...])
        un_ref[...] = jnp.maximum(gg, 0.0)


def _node_global(x, ain2, aout2, Wvx, Wvi, Wvo, u2, Wvu, bv2,
                 Wgx, Wge, Wgu, bg2, n_edges):
    n, d = x.shape
    de = Wvi.shape[0]
    du = u2.shape[1]
    nb = 5
    r = n // nb
    const = lambda i: (0, 0)
    return pl.pallas_call(
        functools.partial(_node_body, n, n_edges),
        grid=(nb,),
        in_specs=[
            pl.BlockSpec((r, d), lambda i: (i, 0)),
            pl.BlockSpec((NC, r, de), lambda i: (0, i, 0)),
            pl.BlockSpec((NC, r, de), lambda i: (0, i, 0)),
            pl.BlockSpec((d, d), const),
            pl.BlockSpec((de, d), const),
            pl.BlockSpec((de, d), const),
            pl.BlockSpec((1, du), const),
            pl.BlockSpec((du, d), const),
            pl.BlockSpec((1, d), const),
            pl.BlockSpec((d, du), const),
            pl.BlockSpec((de, du), const),
            pl.BlockSpec((du, du), const),
            pl.BlockSpec((1, du), const),
        ],
        out_specs=[
            pl.BlockSpec((r, d), lambda i: (i, 0)),
            pl.BlockSpec((1, du), const),
        ],
        out_shape=[
            jax.ShapeDtypeStruct((n, d), jnp.float32),
            jax.ShapeDtypeStruct((1, du), jnp.float32),
        ],
        scratch_shapes=[
            pltpu.VMEM((1, d), jnp.float32),
            pltpu.VMEM((1, de), jnp.float32),
        ],
    )(x, ain2, aout2, Wvx, Wvi, Wvo, u2, Wvu, bv2, Wgx, Wge, Wgu, bg2)


def kernel(x, edge_attr, edge_index, u, We, be, Wv, bv, Wg, bg):
    n, d = x.shape
    e, de = edge_attr.shape
    du = u.shape[0]

    Wee, Wes, Wed, Weu = We[:de], We[de:de + d], We[de + d:de + 2 * d], We[de + 2 * d:]
    Wvx, Wvi, Wvo, Wvu = Wv[:d], Wv[d:d + de], Wv[d + de:d + 2 * de], Wv[d + 2 * de:]
    Wgx, Wge, Wgu = Wg[:d], Wg[d:d + de], Wg[d + de:]
    u2 = u.reshape(1, du)
    be2 = be.reshape(1, de)
    bv2 = bv.reshape(1, d)
    bg2 = bg.reshape(1, du)

    g = e // GSZ
    gmax = ((g + NW - 1) // NW + 7) // 8 * 8
    pad = gmax * NW - g
    ei3 = edge_index.reshape(2, g, GSZ).transpose(1, 0, 2)
    ei3 = jnp.pad(ei3, ((0, pad), (0, 0), (0, 0)))

    eaT = edge_attr.T
    WeeT = Wee.T
    WeuT = Weu.T
    uc = u.reshape(du, 1)
    beT = be.reshape(de, 1)

    xs, xd = _node_proj(x, Wes, Wed)
    e_baseT = _edge_base(eaT, WeeT, WeuT, uc, beT)
    eb4 = e_baseT.reshape(de // 8, 8, e // GSZ, GSZ).transpose(0, 2, 1, 3)
    e_new4, ain2, aout2 = _edge_sc(xs, xd, eb4, ei3, n, e, de)
    e_new = e_new4.transpose(0, 2, 1, 3).reshape(de, e).T
    x_new, u_new = _node_global(x, ain2, aout2, Wvx, Wvi, Wvo, u2, Wvu, bv2,
                                Wgx, Wge, Wgu, bg2, e)
    return x_new, e_new, u_new.reshape(du)

# --- scband reference (transcript-rebuilt; emitter-appended) ---
"""Pipeline reference for scband-gnconv-16449724745530 (READ-ONLY COPY).

The authoritative reference and input builder live on the scoring server;
editing this copy changes nothing except your own understanding.
"""

import jax, jax.numpy as jnp
import numpy as np

N = 10000
E = 320000
D = 128      # node feature dim
DE = 16      # edge feature dim
DU = 128     # global feature dim


def setup_inputs(seed: int = 0) -> dict:
    key = jax.random.key(seed)
    ks = jax.random.split(key, 10)
    x = jax.random.normal(ks[0], (N, D), dtype=jnp.float32)
    edge_attr = jax.random.normal(ks[1], (E, DE), dtype=jnp.float32)
    edge_index = jax.random.randint(ks[2], (2, E), 0, N, dtype=jnp.int32)
    u = jax.random.normal(ks[3], (DU,), dtype=jnp.float32)
    # Edge model: f_e(h_ij, h_i, h_j, u) -> Linear(DE + D + D + DU -> DE) + ReLU
    We = jax.random.normal(ks[4], (DE + D + D + DU, DE), dtype=jnp.float32) * 0.05
    be = jnp.zeros((DE,), dtype=jnp.float32)
    # Node model: f_v(h_i, AGG_in(e), AGG_out(e), u) -> Linear(D + DE + DE + DU -> D) + ReLU
    Wv = jax.random.normal(ks[5], (D + DE + DE + DU, D), dtype=jnp.float32) * 0.05
    bv = jnp.zeros((D,), dtype=jnp.float32)
    # Global model: f_g(AGG(nodes), AGG(edges), u) -> Linear(D + DE + DU -> DU) + ReLU
    Wg = jax.random.normal(ks[6], (D + DE + DU, DU), dtype=jnp.float32) * 0.05
    bg = jnp.zeros((DU,), dtype=jnp.float32)
    return {"x": x, "edge_attr": edge_attr, "edge_index": edge_index, "u": u,
            "We": We, "be": be, "Wv": Wv, "bv": bv, "Wg": Wg, "bg": bg}


def reference(x, edge_attr, edge_index, u, We, be, Wv, bv, Wg, bg):
    src = edge_index[0]
    dst = edge_index[1]
    n_nodes = x.shape[0]
    n_edges = edge_attr.shape[0]
    # ---- 1. edge block: f_e(h_ij, h_i, h_j, u) ----
    h_src = jnp.take(x, src, axis=0)
    h_dst = jnp.take(x, dst, axis=0)
    u_e = jnp.broadcast_to(u[None, :], (n_edges, u.shape[0]))
    e_in = jnp.concatenate([edge_attr, h_src, h_dst, u_e], axis=-1)
    e_new = jax.nn.relu(e_in @ We + be)
    # ---- 2. node block: f_v(h_i, AGG(h_ji incoming), AGG(h_ij outgoing), u) ----
    agg_in = jax.ops.segment_sum(e_new, dst, num_segments=n_nodes)
    agg_out = jax.ops.segment_sum(e_new, src, num_segments=n_nodes)
    u_n = jnp.broadcast_to(u[None, :], (n_nodes, u.shape[0]))
    n_in = jnp.concatenate([x, agg_in, agg_out, u_n], axis=-1)
    x_new = jax.nn.relu(n_in @ Wv + bv)
    # ---- 3. global block: f_g(AGG(all nodes), AGG(all edges), u) ----
    g_in = jnp.concatenate([x_new.mean(axis=0), e_new.mean(axis=0), u], axis=-1)
    u_new = jax.nn.relu(g_in @ Wg + bg)
    # updated graph attributes
    return x_new, e_new, u_new

if __name__ == "__main__":
    import jax
    _d = setup_inputs()
    print(jax.jit(kernel)(*tuple(_d.values())))

</pallas_src>

<mosaic_0001>
#map = affine_map<(d0, d1) -> (0, 0)>
#map1 = affine_map<(d0, d1) -> (0, 0, 0, 0)>
#map2 = affine_map<(d0, d1) -> (0, 0, 0)>
module attributes {stable_mosaic.version = 14 : i64} {
  func.func @body(%arg0: i32, %arg1: i32, %arg2: memref<10000x16xf32, #tpu.memory_space<hbm>>, %arg3: memref<10000x16xf32, #tpu.memory_space<hbm>>, %arg4: memref<2x2500x8x128xf32, #tpu.memory_space<hbm>>, %arg5: memref<2560x2x128xi32, #tpu.memory_space<hbm>>, %arg6: memref<2x2500x8x128xf32, #tpu.memory_space<hbm>>, %arg7: memref<2x10112x16xf32, #tpu.memory_space<hbm>>, %arg8: memref<2x10112x16xf32, #tpu.memory_space<hbm>>, %arg9: memref<80x128xi32, #tpu.memory_space<vmem>>, %arg10: memref<80x128xi32, #tpu.memory_space<vmem>>, %arg11: memref<3x128x16xf32, #tpu.memory_space<vmem>>, %arg12: memref<3x128x16xf32, #tpu.memory_space<vmem>>, %arg13: memref<3x16x129xf32, #tpu.memory_space<vmem>>, %arg14: memref<3x128x16xf32, #tpu.memory_space<vmem>>, %arg15: memref<632x16xf32, #tpu.memory_space<vmem>>, %arg16: memref<10112x16xf32, #tpu.memory_space<vmem_shared>>, %arg17: memref<10112x16xf32, #tpu.memory_space<vmem_shared>>, %arg18: memref<3x!tpu.dma_semaphore, #tpu.memory_space<semaphore_mem>>, %arg19: memref<3x!tpu.dma_semaphore, #tpu.memory_space<semaphore_mem>>, %arg20: memref<3x!tpu.dma_semaphore, #tpu.memory_space<semaphore_mem>>, %arg21: memref<3x!tpu.dma_semaphore, #tpu.memory_space<semaphore_mem>>) attributes {dimension_semantics = [#tpu.dimension_semantics<core_parallel>, #tpu.dimension_semantics<subcore_parallel>], iteration_bounds = array<i64: 2, 16>, scalar_prefetch = 0 : i64, scratch_operands = 13 : i64, tpu.core_type = #tpu.core_type<sc_vector_subcore>, window_params = [{transform_indices = #map}, {transform_indices = #map}, {transform_indices = #map1}, {transform_indices = #map2}, {transform_indices = #map1}, {transform_indices = #map2}, {transform_indices = #map2}]} {
    %mul3A = arith.constant 16 : i32
    %mul3A_0 = arith.muli %arg0, %mul3A : i32
    %add3A = arith.addi %mul3A_0, %arg1 : i32
    %mul3A_1 = arith.constant 80 : i32
    %mul3A_2 = arith.muli %mul3A_1, %add3A : i32
    %sub3A = arith.constant 2500 : i32
    %sub3A_3 = arith.subi %sub3A, %mul3A_2 : i32
    %jit3A = arith.constant 0 : i32
    %jit3A_4 = arith.constant 80 : i32
    %max3A = arith.maxsi %jit3A, %sub3A_3 : i32
    %min3A = arith.minsi %jit3A_4, %max3A : i32
    %scan3A = arith.constant 0 : i32
    %scan3A_5 = arith.constant 0 : i32
    %scan3A_6 = arith.constant 632 : i32
    %scan3A_7 = arith.addi %scan3A_5, %scan3A_6 : i32
    %scan3A_8 = arith.constant 1 : i32
    %scan3A_9 = scf.for %scan3A_390 = %scan3A_5 to %scan3A_7 step %scan3A_8 iter_args(%scan3A_391 = %scan3A) -> (i32)  : i32 {
      %broadcast_in_dim3A = arith.constant 0.000000e+00 : f32
      %broadcast_in_dim3A_392 = vector.broadcast %broadcast_in_dim3A : f32 to vector<16xf32>
      %swap3A = arith.index_cast %scan3A_390 : i32 to index
      %swap3A_393 = arith.constant 0 : index
      %swap3A_394 = tpu.vector_load %arg15[%swap3A, %swap3A_393] {strides = array<i32>} : memref<632x16xf32, #tpu.memory_space<vmem>>, vector<16xf32>,
      tpu.vector_store %arg15[%swap3A, %swap3A_393], %broadcast_in_dim3A_392 {strides = array<i32>} : memref<632x16xf32, #tpu.memory_space<vmem>>, vector<16xf32>,
      %scan3A_395 = arith.constant 0 : i32
      scf.yield %scan3A_395 : i32
    }
    %scan3A_10 = arith.constant 632 : i32
    %mul3A_11 = arith.constant 632 : i32
    %mul3A_12 = arith.muli %arg1, %mul3A_11 : i32
    "tpu.region"() ({
      %run_scoped3A_390 = tpu.sem_alloc : memref<!tpu.dma_semaphore, #tpu.memory_space<semaphore_mem>>
      %dma_start3A_391 = arith.constant 0 : i32
      %dma_start3A_392 = tpu.memref_slice %arg16[%mul3A_12, %dma_start3A_391] : memref<10112x16xf32, #tpu.memory_space<vmem_shared>> -> memref<632x16xf32, #tpu.memory_space<vmem_shared>>
      %dma_start3A_393 = arith.constant 0 : i32
      %dma_start3A_394 = tpu.memref_slice %arg16[%mul3A_12, %dma_start3A_393] : memref<10112x16xf32, #tpu.memory_space<vmem_shared>> -> memref<632x16xf32, #tpu.memory_space<vmem_shared>>
      tpu.enqueue_dma source(%arg15 : memref<632x16xf32, #tpu.memory_space<vmem>>) target(%dma_start3A_394 : memref<632x16xf32, #tpu.memory_space<vmem_shared>>) target_semaphore(%run_scoped3A_390 : memref<!tpu.dma_semaphore, #tpu.memory_space<semaphore_mem>>)
      %dma_wait3A_395 = arith.constant 0 : i32
      %dma_wait3A_396 = tpu.memref_slice %arg16[%mul3A_12, %dma_wait3A_395] : memref<10112x16xf32, #tpu.memory_space<vmem_shared>> -> memref<632x16xf32, #tpu.memory_space<vmem_shared>>
      %dma_wait3A_397 = arith.constant 0 : i32
      %dma_wait3A_398 = tpu.memref_slice %arg16[%mul3A_12, %dma_wait3A_397] : memref<10112x16xf32, #tpu.memory_space<vmem_shared>> -> memref<632x16xf32, #tpu.memory_space<vmem_shared>>
      tpu.wait_dma2 semaphore(%run_scoped3A_390 : memref<!tpu.dma_semaphore, #tpu.memory_space<semaphore_mem>>) src(%arg15 : memref<632x16xf32, #tpu.memory_space<vmem>>) dst(%dma_wait3A_398 : memref<632x16xf32, #tpu.memory_space<vmem_shared>>)
      tpu.yield
    }) : () -> ()
    %mul3A_13 = arith.constant 632 : i32
    %mul3A_14 = arith.muli %arg1, %mul3A_13 : i32
    "tpu.region"() ({
      %run_scoped3A_390 = tpu.sem_alloc : memref<!tpu.dma_semaphore, #tpu.memory_space<semaphore_mem>>
      %dma_start3A_391 = arith.constant 0 : i32
      %dma_start3A_392 = tpu.memref_slice %arg17[%mul3A_14, %dma_start3A_391] : memref<10112x16xf32, #tpu.memory_space<vmem_shared>> -> memref<632x16xf32, #tpu.memory_space<vmem_shared>>
      %dma_start3A_393 = arith.constant 0 : i32
      %dma_start3A_394 = tpu.memref_slice %arg17[%mul3A_14, %dma_start3A_393] : memref<10112x16xf32, #tpu.memory_space<vmem_shared>> -> memref<632x16xf32, #tpu.memory_space<vmem_shared>>
      tpu.enqueue_dma source(%arg15 : memref<632x16xf32, #tpu.memory_space<vmem>>) target(%dma_start3A_394 : memref<632x16xf32, #tpu.memory_space<vmem_shared>>) target_semaphore(%run_scoped3A_390 : memref<!tpu.dma_semaphore, #tpu.memory_space<semaphore_mem>>)
      %dma_wait3A_395 = arith.constant 0 : i32
      %dma_wait3A_396 = tpu.memref_slice %arg17[%mul3A_14, %dma_wait3A_395] : memref<10112x16xf32, #tpu.memory_space<vmem_shared>> -> memref<632x16xf32, #tpu.memory_space<vmem_shared>>
      %dma_wait3A_397 = arith.constant 0 : i32
      %dma_wait3A_398 = tpu.memref_slice %arg17[%mul3A_14, %dma_wait3A_397] : memref<10112x16xf32, #tpu.memory_space<vmem_shared>> -> memref<632x16xf32, #tpu.memory_space<vmem_shared>>
      tpu.wait_dma2 semaphore(%run_scoped3A_390 : memref<!tpu.dma_semaphore, #tpu.memory_space<semaphore_mem>>) src(%arg15 : memref<632x16xf32, #tpu.memory_space<vmem>>) dst(%dma_wait3A_398 : memref<632x16xf32, #tpu.memory_space<vmem_shared>>)
      tpu.yield
    }) : () -> ()
    %barrier3A = arith.constant 0 : index
    tpu.barrier barrier_id(%barrier3A)
    %run_scoped3A = arith.constant 0 : i32
    "tpu.region"() ({
      %run_scoped3A_390 = tpu.sem_alloc : memref<!tpu.dma_semaphore, #tpu.memory_space<semaphore_mem>>
      %dma_start3A_391 = arith.constant 0 : i32
      %dma_start3A_392 = tpu.memref_slice %arg5[%mul3A_2, %run_scoped3A, %dma_start3A_391] : memref<2560x2x128xi32, #tpu.memory_space<hbm>> -> memref<80x1x128xi32, #tpu.memory_space<hbm>>
      %dma_start3A_393 = tpu.memref_squeeze %dma_start3A_392 : memref<80x1x128xi32, #tpu.memory_space<hbm>> -> memref<80x128xi32, #tpu.memory_space<hbm>>
      %dma_start3A_394 = arith.constant 0 : i32
      %dma_start3A_395 = tpu.memref_slice %arg5[%mul3A_2, %run_scoped3A, %dma_start3A_394] : memref<2560x2x128xi32, #tpu.memory_space<hbm>> -> memref<80x1x128xi32, #tpu.memory_space<hbm>>
      %dma_start3A_396 = tpu.memref_squeeze %dma_start3A_395 : memref<80x1x128xi32, #tpu.memory_space<hbm>> -> memref<80x128xi32, #tpu.memory_space<hbm>>
      tpu.enqueue_dma source(%dma_start3A_396 : memref<80x128xi32, #tpu.memory_space<hbm>>) target(%arg9 : memref<80x128xi32, #tpu.memory_space<vmem>>) target_semaphore(%run_scoped3A_390 : memref<!tpu.dma_semaphore, #tpu.memory_space<semaphore_mem>>)
      %dma_wait3A_397 = arith.constant 0 : i32
      %dma_wait3A_398 = tpu.memref_slice %arg5[%mul3A_2, %run_scoped3A, %dma_wait3A_397] : memref<2560x2x128xi32, #tpu.memory_space<hbm>> -> memref<80x1x128xi32, #tpu.memory_space<hbm>>
      %dma_wait3A_399 = tpu.memref_squeeze %dma_wait3A_398 : memref<80x1x128xi32, #tpu.memory_space<hbm>> -> memref<80x128xi32, #tpu.memory_space<hbm>>
      %dma_wait3A_400 = arith.constant 0 : i32
      %dma_wait3A_401 = tpu.memref_slice %arg5[%mul3A_2, %run_scoped3A, %dma_wait3A_400] : memref<2560x2x128xi32, #tpu.memory_space<hbm>> -> memref<80x1x128xi32, #tpu.memory_space<hbm>>
      %dma_wait3A_402 = tpu.memref_squeeze %dma_wait3A_401 : memref<80x1x128xi32, #tpu.memory_space<hbm>> -> memref<80x128xi32, #tpu.memory_space<hbm>>
      tpu.wait_dma2 semaphore(%run_scoped3A_390 : memref<!tpu.dma_semaphore, #tpu.memory_space<semaphore_mem>>) src(%dma_wait3A_402 : memref<80x128xi32, #tpu.memory_space<hbm>>) dst(%arg9 : memref<80x128xi32, #tpu.memory_space<vmem>>)
      tpu.yield
    }) : () -> ()
    %run_scoped3A_15 = arith.constant 1 : i32
    "tpu.region"() ({
      %run_scoped3A_390 = tpu.sem_alloc : memref<!tpu.dma_semaphore, #tpu.memory_space<semaphore_mem>>
      %dma_start3A_391 = arith.constant 0 : i32
      %dma_start3A_392 = tpu.memref_slice %arg5[%mul3A_2, %run_scoped3A_15, %dma_start3A_391] : memref<2560x2x128xi32, #tpu.memory_space<hbm>> -> memref<80x1x128xi32, #tpu.memory_space<hbm>>
      %dma_start3A_393 = tpu.memref_squeeze %dma_start3A_392 : memref<80x1x128xi32, #tpu.memory_space<hbm>> -> memref<80x128xi32, #tpu.memory_space<hbm>>
      %dma_start3A_394 = arith.constant 0 : i32
      %dma_start3A_395 = tpu.memref_slice %arg5[%mul3A_2, %run_scoped3A_15, %dma_start3A_394] : memref<2560x2x128xi32, #tpu.memory_space<hbm>> -> memref<80x1x128xi32, #tpu.memory_space<hbm>>
      %dma_start3A_396 = tpu.memref_squeeze %dma_start3A_395 : memref<80x1x128xi32, #tpu.memory_space<hbm>> -> memref<80x128xi32, #tpu.memory_space<hbm>>
      tpu.enqueue_dma source(%dma_start3A_396 : memref<80x128xi32, #tpu.memory_space<hbm>>) target(%arg10 : memref<80x128xi32, #tpu.memory_space<vmem>>) target_semaphore(%run_scoped3A_390 : memref<!tpu.dma_semaphore, #tpu.memory_space<semaphore_mem>>)
      %dma_wait3A_397 = arith.constant 0 : i32
      %dma_wait3A_398 = tpu.memref_slice %arg5[%mul3A_2, %run_scoped3A_15, %dma_wait3A_397] : memref<2560x2x128xi32, #tpu.memory_space<hbm>> -> memref<80x1x128xi32, #tpu.memory_space<hbm>>
      %dma_wait3A_399 = tpu.memref_squeeze %dma_wait3A_398 : memref<80x1x128xi32, #tpu.memory_space<hbm>> -> memref<80x128xi32, #tpu.memory_space<hbm>>
      %dma_wait3A_400 = arith.constant 0 : i32
      %dma_wait3A_401 = tpu.memref_slice %arg5[%mul3A_2, %run_scoped3A_15, %dma_wait3A_400] : memref<2560x2x128xi32, #tpu.memory_space<hbm>> -> memref<80x1x128xi32, #tpu.memory_space<hbm>>
      %dma_wait3A_402 = tpu.memref_squeeze %dma_wait3A_401 : memref<80x1x128xi32, #tpu.memory_space<hbm>> -> memref<80x128xi32, #tpu.memory_space<hbm>>
      tpu.wait_dma2 semaphore(%run_scoped3A_390 : memref<!tpu.dma_semaphore, #tpu.memory_space<semaphore_mem>>) src(%dma_wait3A_402 : memref<80x128xi32, #tpu.memory_space<hbm>>) dst(%arg10 : memref<80x128xi32, #tpu.memory_space<vmem>>)
      tpu.yield
    }) : () -> ()
    %iota3A = tpu.iota {dimensions = array<i32: 0>} : vector<16xi32>
    %add3A_16 = arith.constant 0 : i32
    %add3A_17 = arith.addi %mul3A_2, %add3A_16 : i32
    %dma_start3A = arith.constant 0 : i32
    %dma_start3A_18 = arith.constant 0 : i32
    %dma_start3A_19 = arith.constant 0 : i32
    %dma_start3A_20 = arith.constant 0 : i32
    %dma_start3A_21 = arith.constant 0 : i32
    %dma_start3A_22 = tpu.memref_slice %arg13[%dma_start3A_18, %dma_start3A_20, %dma_start3A_21] : memref<3x16x129xf32, #tpu.memory_space<vmem>> -> memref<1x8x128xf32, #tpu.memory_space<vmem>>
    %dma_start3A_23 = tpu.memref_squeeze %dma_start3A_22 : memref<1x8x128xf32, #tpu.memory_space<vmem>> -> memref<8x128xf32, #tpu.memory_space<vmem>>
    %dma_start3A_24 = arith.constant 0 : i32
    %dma_start3A_25 = arith.constant 0 : i32
    %dma_start3A_26 = tpu.memref_slice %arg4[%dma_start3A, %add3A_17, %dma_start3A_24, %dma_start3A_25] : memref<2x2500x8x128xf32, #tpu.memory_space<hbm>> -> memref<1x1x8x128xf32, #tpu.memory_space<hbm>>
    %dma_start3A_27 = tpu.memref_squeeze %dma_start3A_26 : memref<1x1x8x128xf32, #tpu.memory_space<hbm>> -> memref<8x128xf32, #tpu.memory_space<hbm>>
    %dma_start3A_28 = tpu.memref_slice %arg18[%dma_start3A_19] : memref<3x!tpu.dma_semaphore, #tpu.memory_space<semaphore_mem>> -> memref<1x!tpu.dma_semaphore, #tpu.memory_space<semaphore_mem>>
    %dma_start3A_29 = tpu.memref_squeeze %dma_start3A_28 : memref<1x!tpu.dma_semaphore, #tpu.memory_space<semaphore_mem>> -> memref<!tpu.dma_semaphore, #tpu.memory_space<semaphore_mem>>
    %dma_start3A_30 = arith.constant 0 : i32
    %dma_start3A_31 = arith.constant 0 : i32
    %dma_start3A_32 = tpu.memref_slice %arg13[%dma_start3A_18, %dma_start3A_30, %dma_start3A_31] : memref<3x16x129xf32, #tpu.memory_space<vmem>> -> memref<1x8x128xf32, #tpu.memory_space<vmem>>
    %dma_start3A_33 = tpu.memref_squeeze %dma_start3A_32 : memref<1x8x128xf32, #tpu.memory_space<vmem>> -> memref<8x128xf32, #tpu.memory_space<vmem>>
    %dma_start3A_34 = arith.constant 0 : i32
    %dma_start3A_35 = arith.constant 0 : i32
    %dma_start3A_36 = tpu.memref_slice %arg4[%dma_start3A, %add3A_17, %dma_start3A_34, %dma_start3A_35] : memref<2x2500x8x128xf32, #tpu.memory_space<hbm>> -> memref<1x1x8x128xf32, #tpu.memory_space<hbm>>
    %dma_start3A_37 = tpu.memref_squeeze %dma_start3A_36 : memref<1x1x8x128xf32, #tpu.memory_space<hbm>> -> memref<8x128xf32, #tpu.memory_space<hbm>>
    tpu.enqueue_dma source(%dma_start3A_37 : memref<8x128xf32, #tpu.memory_space<hbm>>) target(%dma_start3A_33 : memref<8x128xf32, #tpu.memory_space<vmem>>) target_semaphore(%dma_start3A_29 : memref<!tpu.dma_semaphore, #tpu.memory_space<semaphore_mem>>)
    %dma_start3A_38 = arith.constant 1 : i32
    %dma_start3A_39 = arith.constant 0 : i32
    %dma_start3A_40 = arith.constant 0 : i32
    %dma_start3A_41 = arith.constant 8 : i32
    %dma_start3A_42 = arith.constant 0 : i32
    %dma_start3A_43 = tpu.memref_slice %arg13[%dma_start3A_39, %dma_start3A_41, %dma_start3A_42] : memref<3x16x129xf32, #tpu.memory_space<vmem>> -> memref<1x8x128xf32, #tpu.memory_space<vmem>>
    %dma_start3A_44 = tpu.memref_squeeze %dma_start3A_43 : memref<1x8x128xf32, #tpu.memory_space<vmem>> -> memref<8x128xf32, #tpu.memory_space<vmem>>
    %dma_start3A_45 = arith.constant 0 : i32
    %dma_start3A_46 = arith.constant 0 : i32
    %dma_start3A_47 = tpu.memref_slice %arg4[%dma_start3A_38, %add3A_17, %dma_start3A_45, %dma_start3A_46] : memref<2x2500x8x128xf32, #tpu.memory_space<hbm>> -> memref<1x1x8x128xf32, #tpu.memory_space<hbm>>
    %dma_start3A_48 = tpu.memref_squeeze %dma_start3A_47 : memref<1x1x8x128xf32, #tpu.memory_space<hbm>> -> memref<8x128xf32, #tpu.memory_space<hbm>>
    %dma_start3A_49 = tpu.memref_slice %arg18[%dma_start3A_40] : memref<3x!tpu.dma_semaphore, #tpu.memory_space<semaphore_mem>> -> memref<1x!tpu.dma_semaphore, #tpu.memory_space<semaphore_mem>>
    %dma_start3A_50 = tpu.memref_squeeze %dma_start3A_49 : memref<1x!tpu.dma_semaphore, #tpu.memory_space<semaphore_mem>> -> memref<!tpu.dma_semaphore, #tpu.memory_space<semaphore_mem>>
    %dma_start3A_51 = arith.constant 8 : i32
    %dma_start3A_52 = arith.constant 0 : i32
    %dma_start3A_53 = tpu.memref_slice %arg13[%dma_start3A_39, %dma_start3A_51, %dma_start3A_52] : memref<3x16x129xf32, #tpu.memory_space<vmem>> -> memref<1x8x128xf32, #tpu.memory_space<vmem>>
    %dma_start3A_54 = tpu.memref_squeeze %dma_start3A_53 : memref<1x8x128xf32, #tpu.memory_space<vmem>> -> memref<8x128xf32, #tpu.memory_space<vmem>>
    %dma_start3A_55 = arith.constant 0 : i32
    %dma_start3A_56 = arith.constant 0 : i32
    %dma_start3A_57 = tpu.memref_slice %arg4[%dma_start3A_38, %add3A_17, %dma_start3A_55, %dma_start3A_56] : memref<2x2500x8x128xf32, #tpu.memory_space<hbm>> -> memref<1x1x8x128xf32, #tpu.memory_space<hbm>>
    %dma_start3A_58 = tpu.memref_squeeze %dma_start3A_57 : memref<1x1x8x128xf32, #tpu.memory_space<hbm>> -> memref<8x128xf32, #tpu.memory_space<hbm>>
    tpu.enqueue_dma source(%dma_start3A_58 : memref<8x128xf32, #tpu.memory_space<hbm>>) target(%dma_start3A_54 : memref<8x128xf32, #tpu.memory_space<vmem>>) target_semaphore(%dma_start3A_50 : memref<!tpu.dma_semaphore, #tpu.memory_space<semaphore_mem>>)
    %dma_start3A_59 = arith.constant 0 : i32
    %dma_start3A_60 = arith.constant 0 : i32
    %dma_start3A_61 = arith.constant 0 : i32
    %dma_start3A_62 = arith.constant 0 : i32
    %dma_start3A_63 = arith.constant 0 : i32
    %dma_start3A_64 = tpu.memref_slice %arg11[%dma_start3A_60, %dma_start3A_62, %dma_start3A_63] : memref<3x128x16xf32, #tpu.memory_space<vmem>> -> memref<1x128x16xf32, #tpu.memory_space<vmem>>
    %dma_start3A_65 = tpu.memref_squeeze %dma_start3A_64 : memref<1x128x16xf32, #tpu.memory_space<vmem>> -> memref<128x16xf32, #tpu.memory_space<vmem>>
    %dma_start3A_66 = arith.constant 0 : i32
    %dma_start3A_67 = tpu.memref_slice %arg9[%dma_start3A_59, %dma_start3A_66] : memref<80x128xi32, #tpu.memory_space<vmem>> -> memref<1x128xi32, #tpu.memory_space<vmem>>
    %dma_start3A_68 = tpu.memref_squeeze %dma_start3A_67 : memref<1x128xi32, #tpu.memory_space<vmem>> -> memref<128xi32, #tpu.memory_space<vmem>>
    %dma_start3A_69 = arith.constant 0 : i32
    %dma_start3A_70 = arith.constant 0 : i32
    %dma_start3A_71 = tpu.memref_slice %arg2[%dma_start3A_69, %dma_start3A_70] : memref<10000x16xf32, #tpu.memory_space<hbm>> -> memref<10000x16xf32, #tpu.memory_space<hbm>>
    %dma_start3A_72 = tpu.memref_slice %arg19[%dma_start3A_61] : memref<3x!tpu.dma_semaphore, #tpu.memory_space<semaphore_mem>> -> memref<1x!tpu.dma_semaphore, #tpu.memory_space<semaphore_mem>>
    %dma_start3A_73 = tpu.memref_squeeze %dma_start3A_72 : memref<1x!tpu.dma_semaphore, #tpu.memory_space<semaphore_mem>> -> memref<!tpu.dma_semaphore, #tpu.memory_space<semaphore_mem>>
    tpu.enqueue_indirect_dma source(%dma_start3A_71 : memref<10000x16xf32, #tpu.memory_space<hbm>>) target(%dma_start3A_65 : memref<128x16xf32, #tpu.memory_space<vmem>>) offsets(%dma_start3A_68 : memref<128xi32, #tpu.memory_space<vmem>>) semaphore(%dma_start3A_73 : memref<!tpu.dma_semaphore, #tpu.memory_space<semaphore_mem>>)
    %dma_start3A_74 = arith.constant 0 : i32
    %dma_start3A_75 = arith.constant 0 : i32
    %dma_start3A_76 = arith.constant 0 : i32
    %dma_start3A_77 = arith.constant 0 : i32
    %dma_start3A_78 = arith.constant 0 : i32
    %dma_start3A_79 = tpu.memref_slice %arg12[%dma_start3A_75, %dma_start3A_77, %dma_start3A_78] : memref<3x128x16xf32, #tpu.memory_space<vmem>> -> memref<1x128x16xf32, #tpu.memory_space<vmem>>
    %dma_start3A_80 = tpu.memref_squeeze %dma_start3A_79 : memref<1x128x16xf32, #tpu.memory_space<vmem>> -> memref<128x16xf32, #tpu.memory_space<vmem>>
    %dma_start3A_81 = arith.constant 0 : i32
    %dma_start3A_82 = tpu.memref_slice %arg10[%dma_start3A_74, %dma_start3A_81] : memref<80x128xi32, #tpu.memory_space<vmem>> -> memref<1x128xi32, #tpu.memory_space<vmem>>
    %dma_start3A_83 = tpu.memref_squeeze %dma_start3A_82 : memref<1x128xi32, #tpu.memory_space<vmem>> -> memref<128xi32, #tpu.memory_space<vmem>>
    %dma_start3A_84 = arith.constant 0 : i32
    %dma_start3A_85 = arith.constant 0 : i32
    %dma_start3A_86 = tpu.memref_slice %arg3[%dma_start3A_84, %dma_start3A_85] : memref<10000x16xf32, #tpu.memory_space<hbm>> -> memref<10000x16xf32, #tpu.memory_space<hbm>>
    %dma_start3A_87 = tpu.memref_slice %arg19[%dma_start3A_76] : memref<3x!tpu.dma_semaphore, #tpu.memory_space<semaphore_mem>> -> memref<1x!tpu.dma_semaphore, #tpu.memory_space<semaphore_mem>>
    %dma_start3A_88 = tpu.memref_squeeze %dma_start3A_87 : memref<1x!tpu.dma_semaphore, #tpu.memory_space<semaphore_mem>> -> memref<!tpu.dma_semaphore, #tpu.memory_space<semaphore_mem>>
    tpu.enqueue_indirect_dma source(%dma_start3A_86 : memref<10000x16xf32, #tpu.memory_space<hbm>>) target(%dma_start3A_80 : memref<128x16xf32, #tpu.memory_space<vmem>>) offsets(%dma_start3A_83 : memref<128xi32, #tpu.memory_space<vmem>>) semaphore(%dma_start3A_88 : memref<!tpu.dma_semaphore, #tpu.memory_space<semaphore_mem>>)
    %sub3A_89 = arith.constant 1 : i32
    %sub3A_90 = arith.subi %min3A, %sub3A_89 : i32
    %min3A_91 = arith.constant 1 : i32
    %min3A_92 = arith.minsi %min3A_91, %sub3A_90 : i32
    %add3A_93 = arith.addi %mul3A_2, %min3A_92 : i32
    %dma_start3A_94 = arith.constant 0 : i32
    %dma_start3A_95 = arith.constant 1 : i32
    %dma_start3A_96 = arith.constant 1 : i32
    %dma_start3A_97 = arith.constant 0 : i32
    %dma_start3A_98 = arith.constant 0 : i32
    %dma_start3A_99 = tpu.memref_slice %arg13[%dma_start3A_95, %dma_start3A_97, %dma_start3A_98] : memref<3x16x129xf32, #tpu.memory_space<vmem>> -> memref<1x8x128xf32, #tpu.memory_space<vmem>>
    %dma_start3A_100 = tpu.memref_squeeze %dma_start3A_99 : memref<1x8x128xf32, #tpu.memory_space<vmem>> -> memref<8x128xf32, #tpu.memory_space<vmem>>
    %dma_start3A_101 = arith.constant 0 : i32
    %dma_start3A_102 = arith.constant 0 : i32
    %dma_start3A_103 = tpu.memref_slice %arg4[%dma_start3A_94, %add3A_93, %dma_start3A_101, %dma_start3A_102] : memref<2x2500x8x128xf32, #tpu.memory_space<hbm>> -> memref<1x1x8x128xf32, #tpu.memory_space<hbm>>
    %dma_start3A_104 = tpu.memref_squeeze %dma_start3A_103 : memref<1x1x8x128xf32, #tpu.memory_space<hbm>> -> memref<8x128xf32, #tpu.memory_space<hbm>>
    %dma_start3A_105 = tpu.memref_slice %arg18[%dma_start3A_96] : memref<3x!tpu.dma_semaphore, #tpu.memory_space<semaphore_mem>> -> memref<1x!tpu.dma_semaphore, #tpu.memory_space<semaphore_mem>>
    %dma_start3A_106 = tpu.memref_squeeze %dma_start3A_105 : memref<1x!tpu.dma_semaphore, #tpu.memory_space<semaphore_mem>> -> memref<!tpu.dma_semaphore, #tpu.memory_space<semaphore_mem>>
    %dma_start3A_107 = arith.constant 0 : i32
    %dma_start3A_108 = arith.constant 0 : i32
    %dma_start3A_109 = tpu.memref_slice %arg13[%dma_start3A_95, %dma_start3A_107, %dma_start3A_108] : memref<3x16x129xf32, #tpu.memory_space<vmem>> -> memref<1x8x128xf32, #tpu.memory_space<vmem>>
    %dma_start3A_110 = tpu.memref_squeeze %dma_start3A_109 : memref<1x8x128xf32, #tpu.memory_space<vmem>> -> memref<8x128xf32, #tpu.memory_space<vmem>>
    %dma_start3A_111 = arith.constant 0 : i32
    %dma_start3A_112 = arith.constant 0 : i32
    %dma_start3A_113 = tpu.memref_slice %arg4[%dma_start3A_94, %add3A_93, %dma_start3A_111, %dma_start3A_112] : memref<2x2500x8x128xf32, #tpu.memory_space<hbm>> -> memref<1x1x8x128xf32, #tpu.memory_space<hbm>>
    %dma_start3A_114 = tpu.memref_squeeze %dma_start3A_113 : memref<1x1x8x128xf32, #tpu.memory_space<hbm>> -> memref<8x128xf32, #tpu.memory_space<hbm>>
    tpu.enqueue_dma source(%dma_start3A_114 : memref<8x128xf32, #tpu.memory_space<hbm>>) target(%dma_start3A_110 : memref<8x128xf32, #tpu.memory_space<vmem>>) target_semaphore(%dma_start3A_106 : memref<!tpu.dma_semaphore, #tpu.memory_space<semaphore_mem>>)
    %dma_start3A_115 = arith.constant 1 : i32
    %dma_start3A_116 = arith.constant 1 : i32
    %dma_start3A_117 = arith.constant 1 : i32
    %dma_start3A_118 = arith.constant 8 : i32
    %dma_start3A_119 = arith.constant 0 : i32
    %dma_start3A_120 = tpu.memref_slice %arg13[%dma_start3A_116, %dma_start3A_118, %dma_start3A_119] : memref<3x16x129xf32, #tpu.memory_space<vmem>> -> memref<1x8x128xf32, #tpu.memory_space<vmem>>
    %dma_start3A_121 = tpu.memref_squeeze %dma_start3A_120 : memref<1x8x128xf32, #tpu.memory_space<vmem>> -> memref<8x128xf32, #tpu.memory_space<vmem>>
    %dma_start3A_122 = arith.constant 0 : i32
    %dma_start3A_123 = arith.constant 0 : i32
    %dma_start3A_124 = tpu.memref_slice %arg4[%dma_start3A_115, %add3A_93, %dma_start3A_122, %dma_start3A_123] : memref<2x2500x8x128xf32, #tpu.memory_space<hbm>> -> memref<1x1x8x128xf32, #tpu.memory_space<hbm>>
    %dma_start3A_125 = tpu.memref_squeeze %dma_start3A_124 : memref<1x1x8x128xf32, #tpu.memory_space<hbm>> -> memref<8x128xf32, #tpu.memory_space<hbm>>
    %dma_start3A_126 = tpu.memref_slice %arg18[%dma_start3A_117] : memref<3x!tpu.dma_semaphore, #tpu.memory_space<semaphore_mem>> -> memref<1x!tpu.dma_semaphore, #tpu.memory_space<semaphore_mem>>
    %dma_start3A_127 = tpu.memref_squeeze %dma_start3A_126 : memref<1x!tpu.dma_semaphore, #tpu.memory_space<semaphore_mem>> -> memref<!tpu.dma_semaphore, #tpu.memory_space<semaphore_mem>>
    %dma_start3A_128 = arith.constant 8 : i32
    %dma_start3A_129 = arith.constant 0 : i32
    %dma_start3A_130 = tpu.memref_slice %arg13[%dma_start3A_116, %dma_start3A_128, %dma_start3A_129] : memref<3x16x129xf32, #tpu.memory_space<vmem>> -> memref<1x8x128xf32, #tpu.memory_space<vmem>>
    %dma_start3A_131 = tpu.memref_squeeze %dma_start3A_130 : memref<1x8x128xf32, #tpu.memory_space<vmem>> -> memref<8x128xf32, #tpu.memory_space<vmem>>
    %dma_start3A_132 = arith.constant 0 : i32
    %dma_start3A_133 = arith.constant 0 : i32
    %dma_start3A_134 = tpu.memref_slice %arg4[%dma_start3A_115, %add3A_93, %dma_start3A_132, %dma_start3A_133] : memref<2x2500x8x128xf32, #tpu.memory_space<hbm>> -> memref<1x1x8x128xf32, #tpu.memory_space<hbm>>
    %dma_start3A_135 = tpu.memref_squeeze %dma_start3A_134 : memref<1x1x8x128xf32, #tpu.memory_space<hbm>> -> memref<8x128xf32, #tpu.memory_space<hbm>>
    tpu.enqueue_dma source(%dma_start3A_135 : memref<8x128xf32, #tpu.memory_space<hbm>>) target(%dma_start3A_131 : memref<8x128xf32, #tpu.memory_space<vmem>>) target_semaphore(%dma_start3A_127 : memref<!tpu.dma_semaphore, #tpu.memory_space<semaphore_mem>>)
    %dma_start3A_136 = arith.constant 1 : i32
    %dma_start3A_137 = arith.constant 1 : i32
    %dma_start3A_138 = arith.constant 0 : i32
    %dma_start3A_139 = arith.constant 0 : i32
    %dma_start3A_140 = tpu.memref_slice %arg11[%dma_start3A_136, %dma_start3A_138, %dma_start3A_139] : memref<3x128x16xf32, #tpu.memory_space<vmem>> -> memref<1x128x16xf32, #tpu.memory_space<vmem>>
    %dma_start3A_141 = tpu.memref_squeeze %dma_start3A_140 : memref<1x128x16xf32, #tpu.memory_space<vmem>> -> memref<128x16xf32, #tpu.memory_space<vmem>>
    %dma_start3A_142 = arith.constant 0 : i32
    %dma_start3A_143 = tpu.memref_slice %arg9[%min3A_92, %dma_start3A_142] : memref<80x128xi32, #tpu.memory_space<vmem>> -> memref<1x128xi32, #tpu.memory_space<vmem>>
    %dma_start3A_144 = tpu.memref_squeeze %dma_start3A_143 : memref<1x128xi32, #tpu.memory_space<vmem>> -> memref<128xi32, #tpu.memory_space<vmem>>
    %dma_start3A_145 = arith.constant 0 : i32
    %dma_start3A_146 = arith.constant 0 : i32
    %dma_start3A_147 = tpu.memref_slice %arg2[%dma_start3A_145, %dma_start3A_146] : memref<10000x16xf32, #tpu.memory_space<hbm>> -> memref<10000x16xf32, #tpu.memory_space<hbm>>
    %dma_start3A_148 = tpu.memref_slice %arg19[%dma_start3A_137] : memref<3x!tpu.dma_semaphore, #tpu.memory_space<semaphore_mem>> -> memref<1x!tpu.dma_semaphore, #tpu.memory_space<semaphore_mem>>
    %dma_start3A_149 = tpu.memref_squeeze %dma_start3A_148 : memref<1x!tpu.dma_semaphore, #tpu.memory_space<semaphore_mem>> -> memref<!tpu.dma_semaphore, #tpu.memory_space<semaphore_mem>>
    tpu.enqueue_indirect_dma source(%dma_start3A_147 : memref<10000x16xf32, #tpu.memory_space<hbm>>) target(%dma_start3A_141 : memref<128x16xf32, #tpu.memory_space<vmem>>) offsets(%dma_start3A_144 : memref<128xi32, #tpu.memory_space<vmem>>) semaphore(%dma_start3A_149 : memref<!tpu.dma_semaphore, #tpu.memory_space<semaphore_mem>>)
    %dma_start3A_150 = arith.constant 1 : i32
    %dma_start3A_151 = arith.constant 1 : i32
    %dma_start3A_152 = arith.constant 0 : i32
    %dma_start3A_153 = arith.constant 0 : i32
    %dma_start3A_154 = tpu.memref_slice %arg12[%dma_start3A_150, %dma_start3A_152, %dma_start3A_153] : memref<3x128x16xf32, #tpu.memory_space<vmem>> -> memref<1x128x16xf32, #tpu.memory_space<vmem>>
    %dma_start3A_155 = tpu.memref_squeeze %dma_start3A_154 : memref<1x128x16xf32, #tpu.memory_space<vmem>> -> memref<128x16xf32, #tpu.memory_space<vmem>>
    %dma_start3A_156 = arith.constant 0 : i32
    %dma_start3A_157 = tpu.memref_slice %arg10[%min3A_92, %dma_start3A_156] : memref<80x128xi32, #tpu.memory_space<vmem>> -> memref<1x128xi32, #tpu.memory_space<vmem>>
    %dma_start3A_158 = tpu.memref_squeeze %dma_start3A_157 : memref<1x128xi32, #tpu.memory_space<vmem>> -> memref<128xi32, #tpu.memory_space<vmem>>
    %dma_start3A_159 = arith.constant 0 : i32
    %dma_start3A_160 = arith.constant 0 : i32
    %dma_start3A_161 = tpu.memref_slice %arg3[%dma_start3A_159, %dma_start3A_160] : memref<10000x16xf32, #tpu.memory_space<hbm>> -> memref<10000x16xf32, #tpu.memory_space<hbm>>
    %dma_start3A_162 = tpu.memref_slice %arg19[%dma_start3A_151] : memref<3x!tpu.dma_semaphore, #tpu.memory_space<semaphore_mem>> -> memref<1x!tpu.dma_semaphore, #tpu.memory_space<semaphore_mem>>
    %dma_start3A_163 = tpu.memref_squeeze %dma_start3A_162 : memref<1x!tpu.dma_semaphore, #tpu.memory_space<semaphore_mem>> -> memref<!tpu.dma_semaphore, #tpu.memory_space<semaphore_mem>>
    tpu.enqueue_indirect_dma source(%dma_start3A_161 : memref<10000x16xf32, #tpu.memory_space<hbm>>) target(%dma_start3A_155 : memref<128x16xf32, #tpu.memory_space<vmem>>) offsets(%dma_start3A_158 : memref<128xi32, #tpu.memory_space<vmem>>) semaphore(%dma_start3A_163 : memref<!tpu.dma_semaphore, #tpu.memory_space<semaphore_mem>>)
    %while3A = arith.constant 0 : i32
    %while3A_164 = arith.constant 0 : i32
    %while3A_165 = arith.subi %min3A, %while3A : i32
    %while3A_166 = arith.addi %while3A, %while3A_165 : i32
    %while3A_167 = arith.constant 1 : i32
    %while3A_168 = arith.divsi %while3A_165, %while3A_167 : i32
    %while3A_169 = arith.muli %while3A_168, %while3A_167 : i32
    %while3A_170 = arith.addi %while3A, %while3A_169 : i32
    %while3A_171 = arith.constant 1 : i32
    %while3A_172 = scf.for %while3A_390 = %while3A to %while3A_170 step %while3A_171 iter_args(%while3A_391 = %while3A_164) -> (i32)  : i32 {
      %rem3A_392 = arith.constant 3 : i32
      %rem3A_393 = arith.remsi %while3A_390, %rem3A_392 : i32
      %add3A_394 = arith.constant 2 : i32
      %add3A_395 = arith.addi %while3A_390, %add3A_394 : i32
      %rem3A_396 = arith.constant 3 : i32
      %rem3A_397 = arith.remsi %add3A_395, %rem3A_396 : i32
      %add3A_398 = arith.constant 2 : i32
      %add3A_399 = arith.addi %while3A_390, %add3A_398 : i32
      %sub3A_400 = arith.constant 1 : i32
      %sub3A_401 = arith.subi %min3A, %sub3A_400 : i32
      %min3A_402 = arith.minsi %add3A_399, %sub3A_401 : i32
      %ge3A = arith.constant 1 : i32
      %ge3A_403 = arith.cmpi sge, %while3A_390, %ge3A : i32
      %convert_element_type3A = arith.extui %ge3A_403 : i1 to i32
      %cond3A = arith.constant 0 : i32
      %cond3A_404 = arith.cmpi ne, %convert_element_type3A, %cond3A : i32
      scf.if %cond3A_404 {
        %dma_wait3A_605 = arith.constant 0 : i32
        %dma_wait3A_606 = arith.constant 0 : i32
        %dma_wait3A_607 = arith.constant 0 : i32
        %dma_wait3A_608 = arith.constant 0 : i32
        %dma_wait3A_609 = tpu.memref_slice %arg13[%rem3A_397, %dma_wait3A_607, %dma_wait3A_608] : memref<3x16x129xf32, #tpu.memory_space<vmem>> -> memref<1x8x128xf32, #tpu.memory_space<vmem>>
        %dma_wait3A_610 = tpu.memref_squeeze %dma_wait3A_609 : memref<1x8x128xf32, #tpu.memory_space<vmem>> -> memref<8x128xf32, #tpu.memory_space<vmem>>
        %dma_wait3A_611 = arith.constant 0 : i32
        %dma_wait3A_612 = arith.constant 0 : i32
        %dma_wait3A_613 = tpu.memref_slice %arg6[%dma_wait3A_605, %dma_wait3A_606, %dma_wait3A_611, %dma_wait3A_612] : memref<2x2500x8x128xf32, #tpu.memory_space<hbm>> -> memref<1x1x8x128xf32, #tpu.memory_space<hbm>>
        %dma_wait3A_614 = tpu.memref_squeeze %dma_wait3A_613 : memref<1x1x8x128xf32, #tpu.memory_space<hbm>> -> memref<8x128xf32, #tpu.memory_space<hbm>>
        %dma_wait3A_615 = tpu.memref_slice %arg20[%rem3A_397] : memref<3x!tpu.dma_semaphore, #tpu.memory_space<semaphore_mem>> -> memref<1x!tpu.dma_semaphore, #tpu.memory_space<semaphore_mem>>
        %dma_wait3A_616 = tpu.memref_squeeze %dma_wait3A_615 : memref<1x!tpu.dma_semaphore, #tpu.memory_space<semaphore_mem>> -> memref<!tpu.dma_semaphore, #tpu.memory_space<semaphore_mem>>
        %dma_wait3A_617 = arith.constant 0 : i32
        %dma_wait3A_618 = arith.constant 0 : i32
        %dma_wait3A_619 = tpu.memref_slice %arg6[%dma_wait3A_605, %dma_wait3A_606, %dma_wait3A_617, %dma_wait3A_618] : memref<2x2500x8x128xf32, #tpu.memory_space<hbm>> -> memref<1x1x8x128xf32, #tpu.memory_space<hbm>>
        %dma_wait3A_620 = tpu.memref_squeeze %dma_wait3A_619 : memref<1x1x8x128xf32, #tpu.memory_space<hbm>> -> memref<8x128xf32, #tpu.memory_space<hbm>>
        %dma_wait3A_621 = arith.constant 0 : i32
        %dma_wait3A_622 = arith.constant 0 : i32
        %dma_wait3A_623 = tpu.memref_slice %arg13[%rem3A_397, %dma_wait3A_621, %dma_wait3A_622] : memref<3x16x129xf32, #tpu.memory_space<vmem>> -> memref<1x8x128xf32, #tpu.memory_space<vmem>>
        %dma_wait3A_624 = tpu.memref_squeeze %dma_wait3A_623 : memref<1x8x128xf32, #tpu.memory_space<vmem>> -> memref<8x128xf32, #tpu.memory_space<vmem>>
        tpu.wait_dma2 semaphore(%dma_wait3A_616 : memref<!tpu.dma_semaphore, #tpu.memory_space<semaphore_mem>>) src(%dma_wait3A_624 : memref<8x128xf32, #tpu.memory_space<vmem>>) dst(%dma_wait3A_620 : memref<8x128xf32, #tpu.memory_space<hbm>>)
        %dma_wait3A_625 = arith.constant 1 : i32
        %dma_wait3A_626 = arith.constant 0 : i32
        %dma_wait3A_627 = arith.constant 8 : i32
        %dma_wait3A_628 = arith.constant 0 : i32
        %dma_wait3A_629 = tpu.memref_slice %arg13[%rem3A_397, %dma_wait3A_627, %dma_wait3A_628] : memref<3x16x129xf32, #tpu.memory_space<vmem>> -> memref<1x8x128xf32, #tpu.memory_space<vmem>>
        %dma_wait3A_630 = tpu.memref_squeeze %dma_wait3A_629 : memref<1x8x128xf32, #tpu.memory_space<vmem>> -> memref<8x128xf32, #tpu.memory_space<vmem>>
        %dma_wait3A_631 = arith.constant 0 : i32
        %dma_wait3A_632 = arith.constant 0 : i32
        %dma_wait3A_633 = tpu.memref_slice %arg6[%dma_wait3A_625, %dma_wait3A_626, %dma_wait3A_631, %dma_wait3A_632] : memref<2x2500x8x128xf32, #tpu.memory_space<hbm>> -> memref<1x1x8x128xf32, #tpu.memory_space<hbm>>
        %dma_wait3A_634 = tpu.memref_squeeze %dma_wait3A_633 : memref<1x1x8x128xf32, #tpu.memory_space<hbm>> -> memref<8x128xf32, #tpu.memory_space<hbm>>
        %dma_wait3A_635 = tpu.memref_slice %arg20[%rem3A_397] : memref<3x!tpu.dma_semaphore, #tpu.memory_space<semaphore_mem>> -> memref<1x!tpu.dma_semaphore, #tpu.memory_space<semaphore_mem>>
        %dma_wait3A_636 = tpu.memref_squeeze %dma_wait3A_635 : memref<1x!tpu.dma_semaphore, #tpu.memory_space<semaphore_mem>> -> memref<!tpu.dma_semaphore, #tpu.memory_space<semaphore_mem>>
        %dma_wait3A_637 = arith.constant 0 : i32
        %dma_wait3A_638 = arith.constant 0 : i32
        %dma_wait3A_639 = tpu.memref_slice %arg6[%dma_wait3A_625, %dma_wait3A_626, %dma_wait3A_637, %dma_wait3A_638] : memref<2x2500x8x128xf32, #tpu.memory_space<hbm>> -> memref<1x1x8x128xf32, #tpu.memory_space<hbm>>
        %dma_wait3A_640 = tpu.memref_squeeze %dma_wait3A_639 : memref<1x1x8x128xf32, #tpu.memory_space<hbm>> -> memref<8x128xf32, #tpu.memory_space<hbm>>
        %dma_wait3A_641 = arith.constant 8 : i32
        %dma_wait3A_642 = arith.constant 0 : i32
        %dma_wait3A_643 = tpu.memref_slice %arg13[%rem3A_397, %dma_wait3A_641, %dma_wait3A_642] : memref<3x16x129xf32, #tpu.memory_space<vmem>> -> memref<1x8x128xf32, #tpu.memory_space<vmem>>
        %dma_wait3A_644 = tpu.memref_squeeze %dma_wait3A_643 : memref<1x8x128xf32, #tpu.memory_space<vmem>> -> memref<8x128xf32, #tpu.memory_space<vmem>>
        tpu.wait_dma2 semaphore(%dma_wait3A_636 : memref<!tpu.dma_semaphore, #tpu.memory_space<semaphore_mem>>) src(%dma_wait3A_644 : memref<8x128xf32, #tpu.memory_space<vmem>>) dst(%dma_wait3A_640 : memref<8x128xf32, #tpu.memory_space<hbm>>)
        %dma_wait3A_645 = arith.constant 0 : i32
        %dma_wait3A_646 = arith.constant 0 : i32
        %dma_wait3A_647 = arith.constant 0 : i32
        %dma_wait3A_648 = tpu.memref_slice %arg14[%rem3A_397, %dma_wait3A_646, %dma_wait3A_647] : memref<3x128x16xf32, #tpu.memory_space<vmem>> -> memref<1x128x16xf32, #tpu.memory_space<vmem>>
        %dma_wait3A_649 = tpu.memref_squeeze %dma_wait3A_648 : memref<1x128x16xf32, #tpu.memory_space<vmem>> -> memref<128x16xf32, #tpu.memory_space<vmem>>
        %dma_wait3A_650 = arith.constant 0 : i32
        %dma_wait3A_651 = tpu.memref_slice %arg10[%dma_wait3A_645, %dma_wait3A_650] : memref<80x128xi32, #tpu.memory_space<vmem>> -> memref<1x128xi32, #tpu.memory_space<vmem>>
        %dma_wait3A_652 = tpu.memref_squeeze %dma_wait3A_651 : memref<1x128xi32, #tpu.memory_space<vmem>> -> memref<128xi32, #tpu.memory_space<vmem>>
        %dma_wait3A_653 = arith.constant 0 : i32
        %dma_wait3A_654 = arith.constant 0 : i32
        %dma_wait3A_655 = tpu.memref_slice %arg16[%dma_wait3A_653, %dma_wait3A_654] : memref<10112x16xf32, #tpu.memory_space<vmem_shared>> -> memref<10112x16xf32, #tpu.memory_space<vmem_shared>>
        %dma_wait3A_656 = tpu.memref_slice %arg21[%rem3A_397] : memref<3x!tpu.dma_semaphore, #tpu.memory_space<semaphore_mem>> -> memref<1x!tpu.dma_semaphore, #tpu.memory_space<semaphore_mem>>
        %dma_wait3A_657 = tpu.memref_squeeze %dma_wait3A_656 : memref<1x!tpu.dma_semaphore, #tpu.memory_space<semaphore_mem>> -> memref<!tpu.dma_semaphore, #tpu.memory_space<semaphore_mem>>
        tpu.wait_indirect_dma semaphore(%dma_wait3A_657 : memref<!tpu.dma_semaphore, #tpu.memory_space<semaphore_mem>>) src(%dma_wait3A_649 : memref<128x16xf32, #tpu.memory_space<vmem>>) dst(%dma_wait3A_655 : memref<10112x16xf32, #tpu.memory_space<vmem_shared>>)
        %dma_wait3A_658 = arith.constant 0 : i32
        %dma_wait3A_659 = arith.constant 0 : i32
        %dma_wait3A_660 = arith.constant 0 : i32
        %dma_wait3A_661 = tpu.memref_slice %arg14[%rem3A_397, %dma_wait3A_659, %dma_wait3A_660] : memref<3x128x16xf32, #tpu.memory_space<vmem>> -> memref<1x128x16xf32, #tpu.memory_space<vmem>>
        %dma_wait3A_662 = tpu.memref_squeeze %dma_wait3A_661 : memref<1x128x16xf32, #tpu.memory_space<vmem>> -> memref<128x16xf32, #tpu.memory_space<vmem>>
        %dma_wait3A_663 = arith.constant 0 : i32
        %dma_wait3A_664 = tpu.memref_slice %arg9[%dma_wait3A_658, %dma_wait3A_663] : memref<80x128xi32, #tpu.memory_space<vmem>> -> memref<1x128xi32, #tpu.memory_space<vmem>>
        %dma_wait3A_665 = tpu.memref_squeeze %dma_wait3A_664 : memref<1x128xi32, #tpu.memory_space<vmem>> -> memref<128xi32, #tpu.memory_space<vmem>>
        %dma_wait3A_666 = arith.constant 0 : i32
        %dma_wait3A_667 = arith.constant 0 : i32
        %dma_wait3A_668 = tpu.memref_slice %arg17[%dma_wait3A_666, %dma_wait3A_667] : memref<10112x16xf32, #tpu.memory_space<vmem_shared>> -> memref<10112x16xf32, #tpu.memory_space<vmem_shared>>
        %dma_wait3A_669 = tpu.memref_slice %arg21[%rem3A_397] : memref<3x!tpu.dma_semaphore, #tpu.memory_space<semaphore_mem>> -> memref<1x!tpu.dma_semaphore, #tpu.memory_space<semaphore_mem>>
        %dma_wait3A_670 = tpu.memref_squeeze %dma_wait3A_669 : memref<1x!tpu.dma_semaphore, #tpu.memory_space<semaphore_mem>> -> memref<!tpu.dma_semaphore, #tpu.memory_space<semaphore_mem>>
        tpu.wait_indirect_dma semaphore(%dma_wait3A_670 : memref<!tpu.dma_semaphore, #tpu.memory_space<semaphore_mem>>) src(%dma_wait3A_662 : memref<128x16xf32, #tpu.memory_space<vmem>>) dst(%dma_wait3A_668 : memref<10112x16xf32, #tpu.memory_space<vmem_shared>>)
      } else {
      }
      %add3A_405 = arith.addi %mul3A_2, %min3A_402 : i32
      %dma_start3A_406 = arith.constant 0 : i32
      %dma_start3A_407 = arith.constant 0 : i32
      %dma_start3A_408 = arith.constant 0 : i32
      %dma_start3A_409 = tpu.memref_slice %arg13[%rem3A_397, %dma_start3A_407, %dma_start3A_408] : memref<3x16x129xf32, #tpu.memory_space<vmem>> -> memref<1x8x128xf32, #tpu.memory_space<vmem>>
      %dma_start3A_410 = tpu.memref_squeeze %dma_start3A_409 : memref<1x8x128xf32, #tpu.memory_space<vmem>> -> memref<8x128xf32, #tpu.memory_space<vmem>>
      %dma_start3A_411 = arith.constant 0 : i32
      %dma_start3A_412 = arith.constant 0 : i32
      %dma_start3A_413 = tpu.memref_slice %arg4[%dma_start3A_406, %add3A_405, %dma_start3A_411, %dma_start3A_412] : memref<2x2500x8x128xf32, #tpu.memory_space<hbm>> -> memref<1x1x8x128xf32, #tpu.memory_space<hbm>>
      %dma_start3A_414 = tpu.memref_squeeze %dma_start3A_413 : memref<1x1x8x128xf32, #tpu.memory_space<hbm>> -> memref<8x128xf32, #tpu.memory_space<hbm>>
      %dma_start3A_415 = tpu.memref_slice %arg18[%rem3A_397] : memref<3x!tpu.dma_semaphore, #tpu.memory_space<semaphore_mem>> -> memref<1x!tpu.dma_semaphore, #tpu.memory_space<semaphore_mem>>
      %dma_start3A_416 = tpu.memref_squeeze %dma_start3A_415 : memref<1x!tpu.dma_semaphore, #tpu.memory_space<semaphore_mem>> -> memref<!tpu.dma_semaphore, #tpu.memory_space<semaphore_mem>>
      %dma_start3A_417 = arith.constant 0 : i32
      %dma_start3A_418 = arith.constant 0 : i32
      %dma_start3A_419 = tpu.memref_slice %arg13[%rem3A_397, %dma_start3A_417, %dma_start3A_418] : memref<3x16x129xf32, #tpu.memory_space<vmem>> -> memref<1x8x128xf32, #tpu.memory_space<vmem>>
      %dma_start3A_420 = tpu.memref_squeeze %dma_start3A_419 : memref<1x8x128xf32, #tpu.memory_space<vmem>> -> memref<8x128xf32, #tpu.memory_space<vmem>>
      %dma_start3A_421 = arith.constant 0 : i32
      %dma_start3A_422 = arith.constant 0 : i32
      %dma_start3A_423 = tpu.memref_slice %arg4[%dma_start3A_406, %add3A_405, %dma_start3A_421, %dma_start3A_422] : memref<2x2500x8x128xf32, #tpu.memory_space<hbm>> -> memref<1x1x8x128xf32, #tpu.memory_space<hbm>>
      %dma_start3A_424 = tpu.memref_squeeze %dma_start3A_423 : memref<1x1x8x128xf32, #tpu.memory_space<hbm>> -> memref<8x128xf32, #tpu.memory_space<hbm>>
      tpu.enqueue_dma source(%dma_start3A_424 : memref<8x128xf32, #tpu.memory_space<hbm>>) target(%dma_start3A_420 : memref<8x128xf32, #tpu.memory_space<vmem>>) target_semaphore(%dma_start3A_416 : memref<!tpu.dma_semaphore, #tpu.memory_space<semaphore_mem>>)
      %dma_start3A_425 = arith.constant 1 : i32
      %dma_start3A_426 = arith.constant 8 : i32
      %dma_start3A_427 = arith.constant 0 : i32
      %dma_start3A_428 = tpu.memref_slice %arg13[%rem3A_397, %dma_start3A_426, %dma_start3A_427] : memref<3x16x129xf32, #tpu.memory_space<vmem>> -> memref<1x8x128xf32, #tpu.memory_space<vmem>>
      %dma_start3A_429 = tpu.memref_squeeze %dma_start3A_428 : memref<1x8x128xf32, #tpu.memory_space<vmem>> -> memref<8x128xf32, #tpu.memory_space<vmem>>
      %dma_start3A_430 = arith.constant 0 : i32
      %dma_start3A_431 = arith.constant 0 : i32
      %dma_start3A_432 = tpu.memref_slice %arg4[%dma_start3A_425, %add3A_405, %dma_start3A_430, %dma_start3A_431] : memref<2x2500x8x128xf32, #tpu.memory_space<hbm>> -> memref<1x1x8x128xf32, #tpu.memory_space<hbm>>
      %dma_start3A_433 = tpu.memref_squeeze %dma_start3A_432 : memref<1x1x8x128xf32, #tpu.memory_space<hbm>> -> memref<8x128xf32, #tpu.memory_space<hbm>>
      %dma_start3A_434 = tpu.memref_slice %arg18[%rem3A_397] : memref<3x!tpu.dma_semaphore, #tpu.memory_space<semaphore_mem>> -> memref<1x!tpu.dma_semaphore, #tpu.memory_space<semaphore_mem>>
      %dma_start3A_435 = tpu.memref_squeeze %dma_start3A_434 : memref<1x!tpu.dma_semaphore, #tpu.memory_space<semaphore_mem>> -> memref<!tpu.dma_semaphore, #tpu.memory_space<semaphore_mem>>
      %dma_start3A_436 = arith.constant 8 : i32
      %dma_start3A_437 = arith.constant 0 : i32
      %dma_start3A_438 = tpu.memref_slice %arg13[%rem3A_397, %dma_start3A_436, %dma_start3A_437] : memref<3x16x129xf32, #tpu.memory_space<vmem>> -> memref<1x8x128xf32, #tpu.memory_space<vmem>>
      %dma_start3A_439 = tpu.memref_squeeze %dma_start3A_438 : memref<1x8x128xf32, #tpu.memory_space<vmem>> -> memref<8x128xf32, #tpu.memory_space<vmem>>
      %dma_start3A_440 = arith.constant 0 : i32
      %dma_start3A_441 = arith.constant 0 : i32
      %dma_start3A_442 = tpu.memref_slice %arg4[%dma_start3A_425, %add3A_405, %dma_start3A_440, %dma_start3A_441] : memref<2x2500x8x128xf32, #tpu.memory_space<hbm>> -> memref<1x1x8x128xf32, #tpu.memory_space<hbm>>
      %dma_start3A_443 = tpu.memref_squeeze %dma_start3A_442 : memref<1x1x8x128xf32, #tpu.memory_space<hbm>> -> memref<8x128xf32, #tpu.memory_space<hbm>>
      tpu.enqueue_dma source(%dma_start3A_443 : memref<8x128xf32, #tpu.memory_space<hbm>>) target(%dma_start3A_439 : memref<8x128xf32, #tpu.memory_space<vmem>>) target_semaphore(%dma_start3A_435 : memref<!tpu.dma_semaphore, #tpu.memory_space<semaphore_mem>>)
      %dma_start3A_444 = arith.constant 0 : i32
      %dma_start3A_445 = arith.constant 0 : i32
      %dma_start3A_446 = tpu.memref_slice %arg11[%rem3A_397, %dma_start3A_444, %dma_start3A_445] : memref<3x128x16xf32, #tpu.memory_space<vmem>> -> memref<1x128x16xf32, #tpu.memory_space<vmem>>
      %dma_start3A_447 = tpu.memref_squeeze %dma_start3A_446 : memref<1x128x16xf32, #tpu.memory_space<vmem>> -> memref<128x16xf32, #tpu.memory_space<vmem>>
      %dma_start3A_448 = arith.constant 0 : i32
      %dma_start3A_449 = tpu.memref_slice %arg9[%min3A_402, %dma_start3A_448] : memref<80x128xi32, #tpu.memory_space<vmem>> -> memref<1x128xi32, #tpu.memory_space<vmem>>
      %dma_start3A_450 = tpu.memref_squeeze %dma_start3A_449 : memref<1x128xi32, #tpu.memory_space<vmem>> -> memref<128xi32, #tpu.memory_space<vmem>>
      %dma_start3A_451 = arith.constant 0 : i32
      %dma_start3A_452 = arith.constant 0 : i32
      %dma_start3A_453 = tpu.memref_slice %arg2[%dma_start3A_451, %dma_start3A_452] : memref<10000x16xf32, #tpu.memory_space<hbm>> -> memref<10000x16xf32, #tpu.memory_space<hbm>>
      %dma_start3A_454 = tpu.memref_slice %arg19[%rem3A_397] : memref<3x!tpu.dma_semaphore, #tpu.memory_space<semaphore_mem>> -> memref<1x!tpu.dma_semaphore, #tpu.memory_space<semaphore_mem>>
      %dma_start3A_455 = tpu.memref_squeeze %dma_start3A_454 : memref<1x!tpu.dma_semaphore, #tpu.memory_space<semaphore_mem>> -> memref<!tpu.dma_semaphore, #tpu.memory_space<semaphore_mem>>
      tpu.enqueue_indirect_dma source(%dma_start3A_453 : memref<10000x16xf32, #tpu.memory_space<hbm>>) target(%dma_start3A_447 : memref<128x16xf32, #tpu.memory_space<vmem>>) offsets(%dma_start3A_450 : memref<128xi32, #tpu.memory_space<vmem>>) semaphore(%dma_start3A_455 : memref<!tpu.dma_semaphore, #tpu.memory_space<semaphore_mem>>)
      %dma_start3A_456 = arith.constant 0 : i32
      %dma_start3A_457 = arith.constant 0 : i32
      %dma_start3A_458 = tpu.memref_slice %arg12[%rem3A_397, %dma_start3A_456, %dma_start3A_457] : memref<3x128x16xf32, #tpu.memory_space<vmem>> -> memref<1x128x16xf32, #tpu.memory_space<vmem>>
      %dma_start3A_459 = tpu.memref_squeeze %dma_start3A_458 : memref<1x128x16xf32, #tpu.memory_space<vmem>> -> memref<128x16xf32, #tpu.memory_space<vmem>>
      %dma_start3A_460 = arith.constant 0 : i32
      %dma_start3A_461 = tpu.memref_slice %arg10[%min3A_402, %dma_start3A_460] : memref<80x128xi32, #tpu.memory_space<vmem>> -> memref<1x128xi32, #tpu.memory_space<vmem>>
      %dma_start3A_462 = tpu.memref_squeeze %dma_start3A_461 : memref<1x128xi32, #tpu.memory_space<vmem>> -> memref<128xi32, #tpu.memory_space<vmem>>
      %dma_start3A_463 = arith.constant 0 : i32
      %dma_start3A_464 = arith.constant 0 : i32
      %dma_start3A_465 = tpu.memref_slice %arg3[%dma_start3A_463, %dma_start3A_464] : memref<10000x16xf32, #tpu.memory_space<hbm>> -> memref<10000x16xf32, #tpu.memory_space<hbm>>
      %dma_start3A_466 = tpu.memref_slice %arg19[%rem3A_397] : memref<3x!tpu.dma_semaphore, #tpu.memory_space<semaphore_mem>> -> memref<1x!tpu.dma_semaphore, #tpu.memory_space<semaphore_mem>>
      %dma_start3A_467 = tpu.memref_squeeze %dma_start3A_466 : memref<1x!tpu.dma_semaphore, #tpu.memory_space<semaphore_mem>> -> memref<!tpu.dma_semaphore, #tpu.memory_space<semaphore_mem>>
      tpu.enqueue_indirect_dma source(%dma_start3A_465 : memref<10000x16xf32, #tpu.memory_space<hbm>>) target(%dma_start3A_459 : memref<128x16xf32, #tpu.memory_space<vmem>>) offsets(%dma_start3A_462 : memref<128xi32, #tpu.memory_space<vmem>>) semaphore(%dma_start3A_467 : memref<!tpu.dma_semaphore, #tpu.memory_space<semaphore_mem>>)
      %dma_wait3A_468 = arith.constant 0 : i32
      %dma_wait3A_469 = arith.constant 0 : i32
      %dma_wait3A_470 = arith.constant 0 : i32
      %dma_wait3A_471 = arith.constant 0 : i32
      %dma_wait3A_472 = tpu.memref_slice %arg13[%rem3A_393, %dma_wait3A_470, %dma_wait3A_471] : memref<3x16x129xf32, #tpu.memory_space<vmem>> -> memref<1x8x128xf32, #tpu.memory_space<vmem>>
      %dma_wait3A_473 = tpu.memref_squeeze %dma_wait3A_472 : memref<1x8x128xf32, #tpu.memory_space<vmem>> -> memref<8x128xf32, #tpu.memory_space<vmem>>
      %dma_wait3A_474 = arith.constant 0 : i32
      %dma_wait3A_475 = arith.constant 0 : i32
      %dma_wait3A_476 = tpu.memref_slice %arg4[%dma_wait3A_468, %dma_wait3A_469, %dma_wait3A_474, %dma_wait3A_475] : memref<2x2500x8x128xf32, #tpu.memory_space<hbm>> -> memref<1x1x8x128xf32, #tpu.memory_space<hbm>>
      %dma_wait3A_477 = tpu.memref_squeeze %dma_wait3A_476 : memref<1x1x8x128xf32, #tpu.memory_space<hbm>> -> memref<8x128xf32, #tpu.memory_space<hbm>>
      %dma_wait3A_478 = tpu.memref_slice %arg18[%rem3A_393] : memref<3x!tpu.dma_semaphore, #tpu.memory_space<semaphore_mem>> -> memref<1x!tpu.dma_semaphore, #tpu.memory_space<semaphore_mem>>
      %dma_wait3A_479 = tpu.memref_squeeze %dma_wait3A_478 : memref<1x!tpu.dma_semaphore, #tpu.memory_space<semaphore_mem>> -> memref<!tpu.dma_semaphore, #tpu.memory_space<semaphore_mem>>
      %dma_wait3A_480 = arith.constant 0 : i32
      %dma_wait3A_481 = arith.constant 0 : i32
      %dma_wait3A_482 = tpu.memref_slice %arg13[%rem3A_393, %dma_wait3A_480, %dma_wait3A_481] : memref<3x16x129xf32, #tpu.memory_space<vmem>> -> memref<1x8x128xf32, #tpu.memory_space<vmem>>
      %dma_wait3A_483 = tpu.memref_squeeze %dma_wait3A_482 : memref<1x8x128xf32, #tpu.memory_space<vmem>> -> memref<8x128xf32, #tpu.memory_space<vmem>>
      %dma_wait3A_484 = arith.constant 0 : i32
      %dma_wait3A_485 = arith.constant 0 : i32
      %dma_wait3A_486 = tpu.memref_slice %arg4[%dma_wait3A_468, %dma_wait3A_469, %dma_wait3A_484, %dma_wait3A_485] : memref<2x2500x8x128xf32, #tpu.memory_space<hbm>> -> memref<1x1x8x128xf32, #tpu.memory_space<hbm>>
      %dma_wait3A_487 = tpu.memref_squeeze %dma_wait3A_486 : memref<1x1x8x128xf32, #tpu.memory_space<hbm>> -> memref<8x128xf32, #tpu.memory_space<hbm>>
      tpu.wait_dma2 semaphore(%dma_wait3A_479 : memref<!tpu.dma_semaphore, #tpu.memory_space<semaphore_mem>>) src(%dma_wait3A_487 : memref<8x128xf32, #tpu.memory_space<hbm>>) dst(%dma_wait3A_483 : memref<8x128xf32, #tpu.memory_space<vmem>>)
      %dma_wait3A_488 = arith.constant 1 : i32
      %dma_wait3A_489 = arith.constant 0 : i32
      %dma_wait3A_490 = arith.constant 8 : i32
      %dma_wait3A_491 = arith.constant 0 : i32
      %dma_wait3A_492 = tpu.memref_slice %arg13[%rem3A_393, %dma_wait3A_490, %dma_wait3A_491] : memref<3x16x129xf32, #tpu.memory_space<vmem>> -> memref<1x8x128xf32, #tpu.memory_space<vmem>>
      %dma_wait3A_493 = tpu.memref_squeeze %dma_wait3A_492 : memref<1x8x128xf32, #tpu.memory_space<vmem>> -> memref<8x128xf32, #tpu.memory_space<vmem>>
      %dma_wait3A_494 = arith.constant 0 : i32
      %dma_wait3A_495 = arith.constant 0 : i32
      %dma_wait3A_496 = tpu.memref_slice %arg4[%dma_wait3A_488, %dma_wait3A_489, %dma_wait3A_494, %dma_wait3A_495] : memref<2x2500x8x128xf32, #tpu.memory_space<hbm>> -> memref<1x1x8x128xf32, #tpu.memory_space<hbm>>
      %dma_wait3A_497 = tpu.memref_squeeze %dma_wait3A_496 : memref<1x1x8x128xf32, #tpu.memory_space<hbm>> -> memref<8x128xf32, #tpu.memory_space<hbm>>
      %dma_wait3A_498 = tpu.memref_slice %arg18[%rem3A_393] : memref<3x!tpu.dma_semaphore, #tpu.memory_space<semaphore_mem>> -> memref<1x!tpu.dma_semaphore, #tpu.memory_space<semaphore_mem>>
      %dma_wait3A_499 = tpu.memref_squeeze %dma_wait3A_498 : memref<1x!tpu.dma_semaphore, #tpu.memory_space<semaphore_mem>> -> memref<!tpu.dma_semaphore, #tpu.memory_space<semaphore_mem>>
      %dma_wait3A_500 = arith.constant 8 : i32
      %dma_wait3A_501 = arith.constant 0 : i32
      %dma_wait3A_502 = tpu.memref_slice %arg13[%rem3A_393, %dma_wait3A_500, %dma_wait3A_501] : memref<3x16x129xf32, #tpu.memory_space<vmem>> -> memref<1x8x128xf32, #tpu.memory_space<vmem>>
      %dma_wait3A_503 = tpu.memref_squeeze %dma_wait3A_502 : memref<1x8x128xf32, #tpu.memory_space<vmem>> -> memref<8x128xf32, #tpu.memory_space<vmem>>
      %dma_wait3A_504 = arith.constant 0 : i32
      %dma_wait3A_505 = arith.constant 0 : i32
      %dma_wait3A_506 = tpu.memref_slice %arg4[%dma_wait3A_488, %dma_wait3A_489, %dma_wait3A_504, %dma_wait3A_505] : memref<2x2500x8x128xf32, #tpu.memory_space<hbm>> -> memref<1x1x8x128xf32, #tpu.memory_space<hbm>>
      %dma_wait3A_507 = tpu.memref_squeeze %dma_wait3A_506 : memref<1x1x8x128xf32, #tpu.memory_space<hbm>> -> memref<8x128xf32, #tpu.memory_space<hbm>>
      tpu.wait_dma2 semaphore(%dma_wait3A_499 : memref<!tpu.dma_semaphore, #tpu.memory_space<semaphore_mem>>) src(%dma_wait3A_507 : memref<8x128xf32, #tpu.memory_space<hbm>>) dst(%dma_wait3A_503 : memref<8x128xf32, #tpu.memory_space<vmem>>)
      %dma_wait3A_508 = arith.constant 0 : i32
      %dma_wait3A_509 = arith.constant 0 : i32
      %dma_wait3A_510 = arith.constant 0 : i32
      %dma_wait3A_511 = tpu.memref_slice %arg11[%rem3A_393, %dma_wait3A_509, %dma_wait3A_510] : memref<3x128x16xf32, #tpu.memory_space<vmem>> -> memref<1x128x16xf32, #tpu.memory_space<vmem>>
      %dma_wait3A_512 = tpu.memref_squeeze %dma_wait3A_511 : memref<1x128x16xf32, #tpu.memory_space<vmem>> -> memref<128x16xf32, #tpu.memory_space<vmem>>
      %dma_wait3A_513 = arith.constant 0 : i32
      %dma_wait3A_514 = tpu.memref_slice %arg9[%dma_wait3A_508, %dma_wait3A_513] : memref<80x128xi32, #tpu.memory_space<vmem>> -> memref<1x128xi32, #tpu.memory_space<vmem>>
      %dma_wait3A_515 = tpu.memref_squeeze %dma_wait3A_514 : memref<1x128xi32, #tpu.memory_space<vmem>> -> memref<128xi32, #tpu.memory_space<vmem>>
      %dma_wait3A_516 = arith.constant 0 : i32
      %dma_wait3A_517 = arith.constant 0 : i32
      %dma_wait3A_518 = tpu.memref_slice %arg2[%dma_wait3A_516, %dma_wait3A_517] : memref<10000x16xf32, #tpu.memory_space<hbm>> -> memref<10000x16xf32, #tpu.memory_space<hbm>>
      %dma_wait3A_519 = tpu.memref_slice %arg19[%rem3A_393] : memref<3x!tpu.dma_semaphore, #tpu.memory_space<semaphore_mem>> -> memref<1x!tpu.dma_semaphore, #tpu.memory_space<semaphore_mem>>
      %dma_wait3A_520 = tpu.memref_squeeze %dma_wait3A_519 : memref<1x!tpu.dma_semaphore, #tpu.memory_space<semaphore_mem>> -> memref<!tpu.dma_semaphore, #tpu.memory_space<semaphore_mem>>
      tpu.wait_indirect_dma semaphore(%dma_wait3A_520 : memref<!tpu.dma_semaphore, #tpu.memory_space<semaphore_mem>>) src(%dma_wait3A_518 : memref<10000x16xf32, #tpu.memory_space<hbm>>) dst(%dma_wait3A_512 : memref<128x16xf32, #tpu.memory_space<vmem>>)
      %dma_wait3A_521 = arith.constant 0 : i32
      %dma_wait3A_522 = arith.constant 0 : i32
      %dma_wait3A_523 = arith.constant 0 : i32
      %dma_wait3A_524 = tpu.memref_slice %arg12[%rem3A_393, %dma_wait3A_522, %dma_wait3A_523] : memref<3x128x16xf32, #tpu.memory_space<vmem>> -> memref<1x128x16xf32, #tpu.memory_space<vmem>>
      %dma_wait3A_525 = tpu.memref_squeeze %dma_wait3A_524 : memref<1x128x16xf32, #tpu.memory_space<vmem>> -> memref<128x16xf32, #tpu.memory_space<vmem>>
      %dma_wait3A_526 = arith.constant 0 : i32
      %dma_wait3A_527 = tpu.memref_slice %arg10[%dma_wait3A_521, %dma_wait3A_526] : memref<80x128xi32, #tpu.memory_space<vmem>> -> memref<1x128xi32, #tpu.memory_space<vmem>>
      %dma_wait3A_528 = tpu.memref_squeeze %dma_wait3A_527 : memref<1x128xi32, #tpu.memory_space<vmem>> -> memref<128xi32, #tpu.memory_space<vmem>>
      %dma_wait3A_529 = arith.constant 0 : i32
      %dma_wait3A_530 = arith.constant 0 : i32
      %dma_wait3A_531 = tpu.memref_slice %arg3[%dma_wait3A_529, %dma_wait3A_530] : memref<10000x16xf32, #tpu.memory_space<hbm>> -> memref<10000x16xf32, #tpu.memory_space<hbm>>
      %dma_wait3A_532 = tpu.memref_slice %arg19[%rem3A_393] : memref<3x!tpu.dma_semaphore, #tpu.memory_space<semaphore_mem>> -> memref<1x!tpu.dma_semaphore, #tpu.memory_space<semaphore_mem>>
      %dma_wait3A_533 = tpu.memref_squeeze %dma_wait3A_532 : memref<1x!tpu.dma_semaphore, #tpu.memory_space<semaphore_mem>> -> memref<!tpu.dma_semaphore, #tpu.memory_space<semaphore_mem>>
      tpu.wait_indirect_dma semaphore(%dma_wait3A_533 : memref<!tpu.dma_semaphore, #tpu.memory_space<semaphore_mem>>) src(%dma_wait3A_531 : memref<10000x16xf32, #tpu.memory_space<hbm>>) dst(%dma_wait3A_525 : memref<128x16xf32, #tpu.memory_space<vmem>>)
      %scan3A_534 = arith.constant 0 : i32
      %scan3A_535 = arith.constant 0 : i32
      %scan3A_536 = arith.constant 16 : i32
      %scan3A_537 = arith.addi %scan3A_535, %scan3A_536 : i32
      %scan3A_538 = arith.constant 1 : i32
      %scan3A_539 = scf.for %scan3A_605 = %scan3A_535 to %scan3A_537 step %scan3A_538 iter_args(%scan3A_606 = %scan3A_534) -> (i32)  : i32 {
        %mul3A_607 = arith.constant 8 : i32
        %mul3A_608 = arith.muli %scan3A_605, %mul3A_607 : i32
        %add3A_609 = arith.constant 0 : i32
        %add3A_610 = arith.addi %mul3A_608, %add3A_609 : i32
        %broadcast_in_dim3A = vector.broadcast %add3A_610 : i32 to vector<16xi32>
        %gather3A = arith.constant 0 : i32
        %gather3A_611 = arith.constant 0 : i32
        %gather3A_612 = tpu.memref_slice %arg13[%rem3A_393, %gather3A, %gather3A_611] : memref<3x16x129xf32, #tpu.memory_space<vmem>> -> memref<1x16x129xf32, #tpu.memory_space<vmem>>
        %gather3A_613 = tpu.memref_squeeze %gather3A_612 : memref<1x16x129xf32, #tpu.memory_space<vmem>> -> memref<16x129xf32, #tpu.memory_space<vmem>>
        %gather3A_614 = tpu.vector_load_idx %gather3A_613[%iota3A, %broadcast_in_dim3A] : memref<16x129xf32, #tpu.memory_space<vmem>>[vector<16xi32>, vector<16xi32>], vector<16xf32>,
        %get3A = arith.index_cast %rem3A_393 : i32 to index
        %get3A_615 = arith.index_cast %add3A_610 : i32 to index
        %get3A_616 = arith.constant 0 : index
        %get3A_617 = tpu.vector_load %arg11[%get3A, %get3A_615, %get3A_616] {strides = array<i32>} : memref<3x128x16xf32, #tpu.memory_space<vmem>>, vector<16xf32>,
        %add3A_618 = arith.addf %gather3A_614, %get3A_617 : vector<16xf32>
        %get3A_619 = arith.index_cast %rem3A_393 : i32 to index
        %get3A_620 = arith.index_cast %add3A_610 : i32 to index
        %get3A_621 = arith.constant 0 : index
        %get3A_622 = tpu.vector_load %arg12[%get3A_619, %get3A_620, %get3A_621] {strides = array<i32>} : memref<3x128x16xf32, #tpu.memory_space<vmem>>, vector<16xf32>,
        %add3A_623 = arith.addf %add3A_618, %get3A_622 : vector<16xf32>
        %max3A_624 = arith.constant 0.000000e+00 : f32
        %max3A_625 = vector.broadcast %max3A_624 : f32 to vector<16xf32>
        %max3A_626 = arith.maximumf %add3A_623, %max3A_625 : vector<16xf32>
        %scatter3A = arith.constant 0 : i32
        %scatter3A_627 = arith.constant 0 : i32
        %scatter3A_628 = tpu.memref_slice %arg13[%rem3A_393, %scatter3A, %scatter3A_627] : memref<3x16x129xf32, #tpu.memory_space<vmem>> -> memref<1x16x129xf32, #tpu.memory_space<vmem>>
        %scatter3A_629 = tpu.memref_squeeze %scatter3A_628 : memref<1x16x129xf32, #tpu.memory_space<vmem>> -> memref<16x129xf32, #tpu.memory_space<vmem>>
        tpu.vector_store_idx %scatter3A_629[%iota3A, %broadcast_in_dim3A], %max3A_626 : memref<16x129xf32, #tpu.memory_space<vmem>>[vector<16xi32>, vector<16xi32>], vector<16xf32>,
        %swap3A = arith.index_cast %rem3A_393 : i32 to index
        %swap3A_630 = arith.index_cast %add3A_610 : i32 to index
        %swap3A_631 = arith.constant 0 : index
        %swap3A_632 = tpu.vector_load %arg14[%swap3A, %swap3A_630, %swap3A_631] {strides = array<i32>} : memref<3x128x16xf32, #tpu.memory_space<vmem>>, vector<16xf32>,
        tpu.vector_store %arg14[%swap3A, %swap3A_630, %swap3A_631], %max3A_626 {strides = array<i32>} : memref<3x128x16xf32, #tpu.memory_space<vmem>>, vector<16xf32>,
        %mul3A_633 = arith.constant 8 : i32
        %mul3A_634 = arith.muli %scan3A_605, %mul3A_633 : i32
        %add3A_635 = arith.constant 1 : i32
        %add3A_636 = arith.addi %mul3A_634, %add3A_635 : i32
        %broadcast_in_dim3A_637 = vector.broadcast %add3A_636 : i32 to vector<16xi32>
        %gather3A_638 = arith.constant 0 : i32
        %gather3A_639 = arith.constant 0 : i32
        %gather3A_640 = tpu.memref_slice %arg13[%rem3A_393, %gather3A_638, %gather3A_639] : memref<3x16x129xf32, #tpu.memory_space<vmem>> -> memref<1x16x129xf32, #tpu.memory_space<vmem>>
        %gather3A_641 = tpu.memref_squeeze %gather3A_640 : memref<1x16x129xf32, #tpu.memory_space<vmem>> -> memref<16x129xf32, #tpu.memory_space<vmem>>
        %gather3A_642 = tpu.vector_load_idx %gather3A_641[%iota3A, %broadcast_in_dim3A_637] : memref<16x129xf32, #tpu.memory_space<vmem>>[vector<16xi32>, vector<16xi32>], vector<16xf32>,
        %get3A_643 = arith.index_cast %rem3A_393 : i32 to index
        %get3A_644 = arith.index_cast %add3A_636 : i32 to index
        %get3A_645 = arith.constant 0 : index
        %get3A_646 = tpu.vector_load %arg11[%get3A_643, %get3A_644, %get3A_645] {strides = array<i32>} : memref<3x128x16xf32, #tpu.memory_space<vmem>>, vector<16xf32>,
        %add3A_647 = arith.addf %gather3A_642, %get3A_646 : vector<16xf32>
        %get3A_648 = arith.index_cast %rem3A_393 : i32 to index
        %get3A_649 = arith.index_cast %add3A_636 : i32 to index
        %get3A_650 = arith.constant 0 : index
        %get3A_651 = tpu.vector_load %arg12[%get3A_648, %get3A_649, %get3A_650] {strides = array<i32>} : memref<3x128x16xf32, #tpu.memory_space<vmem>>, vector<16xf32>,
        %add3A_652 = arith.addf %add3A_647, %get3A_651 : vector<16xf32>
        %max3A_653 = arith.constant 0.000000e+00 : f32
        %max3A_654 = vector.broadcast %max3A_653 : f32 to vector<16xf32>
        %max3A_655 = arith.maximumf %add3A_652, %max3A_654 : vector<16xf32>
        %scatter3A_656 = arith.constant 0 : i32
        %scatter3A_657 = arith.constant 0 : i32
        %scatter3A_658 = tpu.memref_slice %arg13[%rem3A_393, %scatter3A_656, %scatter3A_657] : memref<3x16x129xf32, #tpu.memory_space<vmem>> -> memref<1x16x129xf32, #tpu.memory_space<vmem>>
        %scatter3A_659 = tpu.memref_squeeze %scatter3A_658 : memref<1x16x129xf32, #tpu.memory_space<vmem>> -> memref<16x129xf32, #tpu.memory_space<vmem>>
        tpu.vector_store_idx %scatter3A_659[%iota3A, %broadcast_in_dim3A_637], %max3A_655 : memref<16x129xf32, #tpu.memory_space<vmem>>[vector<16xi32>, vector<16xi32>], vector<16xf32>,
        %swap3A_660 = arith.index_cast %rem3A_393 : i32 to index
        %swap3A_661 = arith.index_cast %add3A_636 : i32 to index
        %swap3A_662 = arith.constant 0 : index
        %swap3A_663 = tpu.vector_load %arg14[%swap3A_660, %swap3A_661, %swap3A_662] {strides = array<i32>} : memref<3x128x16xf32, #tpu.memory_space<vmem>>, vector<16xf32>,
        tpu.vector_store %arg14[%swap3A_660, %swap3A_661, %swap3A_662], %max3A_655 {strides = array<i32>} : memref<3x128x16xf32, #tpu.memory_space<vmem>>, vector<16xf32>,
        %mul3A_664 = arith.constant 8 : i32
        %mul3A_665 = arith.muli %scan3A_605, %mul3A_664 : i32
        %add3A_666 = arith.constant 2 : i32
        %add3A_667 = arith.addi %mul3A_665, %add3A_666 : i32
        %broadcast_in_dim3A_668 = vector.broadcast %add3A_667 : i32 to vector<16xi32>
        %gather3A_669 = arith.constant 0 : i32
        %gather3A_670 = arith.constant 0 : i32
        %gather3A_671 = tpu.memref_slice %arg13[%rem3A_393, %gather3A_669, %gather3A_670] : memref<3x16x129xf32, #tpu.memory_space<vmem>> -> memref<1x16x129xf32, #tpu.memory_space<vmem>>
        %gather3A_672 = tpu.memref_squeeze %gather3A_671 : memref<1x16x129xf32, #tpu.memory_space<vmem>> -> memref<16x129xf32, #tpu.memory_space<vmem>>
        %gather3A_673 = tpu.vector_load_idx %gather3A_672[%iota3A, %broadcast_in_dim3A_668] : memref<16x129xf32, #tpu.memory_space<vmem>>[vector<16xi32>, vector<16xi32>], vector<16xf32>,
        %get3A_674 = arith.index_cast %rem3A_393 : i32 to index
        %get3A_675 = arith.index_cast %add3A_667 : i32 to index
        %get3A_676 = arith.constant 0 : index
        %get3A_677 = tpu.vector_load %arg11[%get3A_674, %get3A_675, %get3A_676] {strides = array<i32>} : memref<3x128x16xf32, #tpu.memory_space<vmem>>, vector<16xf32>,
        %add3A_678 = arith.addf %gather3A_673, %get3A_677 : vector<16xf32>
        %get3A_679 = arith.index_cast %rem3A_393 : i32 to index
        %get3A_680 = arith.index_cast %add3A_667 : i32 to index
        %get3A_681 = arith.constant 0 : index
        %get3A_682 = tpu.vector_load %arg12[%get3A_679, %get3A_680, %get3A_681] {strides = array<i32>} : memref<3x128x16xf32, #tpu.memory_space<vmem>>, vector<16xf32>,
        %add3A_683 = arith.addf %add3A_678, %get3A_682 : vector<16xf32>
        %max3A_684 = arith.constant 0.000000e+00 : f32
        %max3A_685 = vector.broadcast %max3A_684 : f32 to vector<16xf32>
        %max3A_686 = arith.maximumf %add3A_683, %max3A_685 : vector<16xf32>
        %scatter3A_687 = arith.constant 0 : i32
        %scatter3A_688 = arith.constant 0 : i32
        %scatter3A_689 = tpu.memref_slice %arg13[%rem3A_393, %scatter3A_687, %scatter3A_688] : memref<3x16x129xf32, #tpu.memory_space<vmem>> -> memref<1x16x129xf32, #tpu.memory_space<vmem>>
        %scatter3A_690 = tpu.memref_squeeze %scatter3A_689 : memref<1x16x129xf32, #tpu.memory_space<vmem>> -> memref<16x129xf32, #tpu.memory_space<vmem>>
        tpu.vector_store_idx %scatter3A_690[%iota3A, %broadcast_in_dim3A_668], %max3A_686 : memref<16x129xf32, #tpu.memory_space<vmem>>[vector<16xi32>, vector<16xi32>], vector<16xf32>,
        %swap3A_691 = arith.index_cast %rem3A_393 : i32 to index
        %swap3A_692 = arith.index_cast %add3A_667 : i32 to index
        %swap3A_693 = arith.constant 0 : index
        %swap3A_694 = tpu.vector_load %arg14[%swap3A_691, %swap3A_692, %swap3A_693] {strides = array<i32>} : memref<3x128x16xf32, #tpu.memory_space<vmem>>, vector<16xf32>,
        tpu.vector_store %arg14[%swap3A_691, %swap3A_692, %swap3A_693], %max3A_686 {strides = array<i32>} : memref<3x128x16xf32, #tpu.memory_space<vmem>>, vector<16xf32>,
        %mul3A_695 = arith.constant 8 : i32
        %mul3A_696 = arith.muli %scan3A_605, %mul3A_695 : i32
        %add3A_697 = arith.constant 3 : i32
        %add3A_698 = arith.addi %mul3A_696, %add3A_697 : i32
        %broadcast_in_dim3A_699 = vector.broadcast %add3A_698 : i32 to vector<16xi32>
        %gather3A_700 = arith.constant 0 : i32
        %gather3A_701 = arith.constant 0 : i32
        %gather3A_702 = tpu.memref_slice %arg13[%rem3A_393, %gather3A_700, %gather3A_701] : memref<3x16x129xf32, #tpu.memory_space<vmem>> -> memref<1x16x129xf32, #tpu.memory_space<vmem>>
        %gather3A_703 = tpu.memref_squeeze %gather3A_702 : memref<1x16x129xf32, #tpu.memory_space<vmem>> -> memref<16x129xf32, #tpu.memory_space<vmem>>
        %gather3A_704 = tpu.vector_load_idx %gather3A_703[%iota3A, %broadcast_in_dim3A_699] : memref<16x129xf32, #tpu.memory_space<vmem>>[vector<16xi32>, vector<16xi32>], vector<16xf32>,
        %get3A_705 = arith.index_cast %rem3A_393 : i32 to index
        %get3A_706 = arith.index_cast %add3A_698 : i32 to index
        %get3A_707 = arith.constant 0 : index
        %get3A_708 = tpu.vector_load %arg11[%get3A_705, %get3A_706, %get3A_707] {strides = array<i32>} : memref<3x128x16xf32, #tpu.memory_space<vmem>>, vector<16xf32>,
        %add3A_709 = arith.addf %gather3A_704, %get3A_708 : vector<16xf32>
        %get3A_710 = arith.index_cast %rem3A_393 : i32 to index
        %get3A_711 = arith.index_cast %add3A_698 : i32 to index
        %get3A_712 = arith.constant 0 : index
        %get3A_713 = tpu.vector_load %arg12[%get3A_710, %get3A_711, %get3A_712] {strides = array<i32>} : memref<3x128x16xf32, #tpu.memory_space<vmem>>, vector<16xf32>,
        %add3A_714 = arith.addf %add3A_709, %get3A_713 : vector<16xf32>
        %max3A_715 = arith.constant 0.000000e+00 : f32
        %max3A_716 = vector.broadcast %max3A_715 : f32 to vector<16xf32>
        %max3A_717 = arith.maximumf %add3A_714, %max3A_716 : vector<16xf32>
        %scatter3A_718 = arith.constant 0 : i32
        %scatter3A_719 = arith.constant 0 : i32
        %scatter3A_720 = tpu.memref_slice %arg13[%rem3A_393, %scatter3A_718, %scatter3A_719] : memref<3x16x129xf32, #tpu.memory_space<vmem>> -> memref<1x16x129xf32, #tpu.memory_space<vmem>>
        %scatter3A_721 = tpu.memref_squeeze %scatter3A_720 : memref<1x16x129xf32, #tpu.memory_space<vmem>> -> memref<16x129xf32, #tpu.memory_space<vmem>>
        tpu.vector_store_idx %scatter3A_721[%iota3A, %broadcast_in_dim3A_699], %max3A_717 : memref<16x129xf32, #tpu.memory_space<vmem>>[vector<16xi32>, vector<16xi32>], vector<16xf32>,
        %swap3A_722 = arith.index_cast %rem3A_393 : i32 to index
        %swap3A_723 = arith.index_cast %add3A_698 : i32 to index
        %swap3A_724 = arith.constant 0 : index
        %swap3A_725 = tpu.vector_load %arg14[%swap3A_722, %swap3A_723, %swap3A_724] {strides = array<i32>} : memref<3x128x16xf32, #tpu.memory_space<vmem>>, vector<16xf32>,
        tpu.vector_store %arg14[%swap3A_722, %swap3A_723, %swap3A_724], %max3A_717 {strides = array<i32>} : memref<3x128x16xf32, #tpu.memory_space<vmem>>, vector<16xf32>,
        %mul3A_726 = arith.constant 8 : i32
        %mul3A_727 = arith.muli %scan3A_605, %mul3A_726 : i32
        %add3A_728 = arith.constant 4 : i32
        %add3A_729 = arith.addi %mul3A_727, %add3A_728 : i32
        %broadcast_in_dim3A_730 = vector.broadcast %add3A_729 : i32 to vector<16xi32>
        %gather3A_731 = arith.constant 0 : i32
        %gather3A_732 = arith.constant 0 : i32
        %gather3A_733 = tpu.memref_slice %arg13[%rem3A_393, %gather3A_731, %gather3A_732] : memref<3x16x129xf32, #tpu.memory_space<vmem>> -> memref<1x16x129xf32, #tpu.memory_space<vmem>>
        %gather3A_734 = tpu.memref_squeeze %gather3A_733 : memref<1x16x129xf32, #tpu.memory_space<vmem>> -> memref<16x129xf32, #tpu.memory_space<vmem>>
        %gather3A_735 = tpu.vector_load_idx %gather3A_734[%iota3A, %broadcast_in_dim3A_730] : memref<16x129xf32, #tpu.memory_space<vmem>>[vector<16xi32>, vector<16xi32>], vector<16xf32>,
        %get3A_736 = arith.index_cast %rem3A_393 : i32 to index
        %get3A_737 = arith.index_cast %add3A_729 : i32 to index
        %get3A_738 = arith.constant 0 : index
        %get3A_739 = tpu.vector_load %arg11[%get3A_736, %get3A_737, %get3A_738] {strides = array<i32>} : memref<3x128x16xf32, #tpu.memory_space<vmem>>, vector<16xf32>,
        %add3A_740 = arith.addf %gather3A_735, %get3A_739 : vector<16xf32>
        %get3A_741 = arith.index_cast %rem3A_393 : i32 to index
        %get3A_742 = arith.index_cast %add3A_729 : i32 to index
        %get3A_743 = arith.constant 0 : index
        %get3A_744 = tpu.vector_load %arg12[%get3A_741, %get3A_742, %get3A_743] {strides = array<i32>} : memref<3x128x16xf32, #tpu.memory_space<vmem>>, vector<16xf32>,
        %add3A_745 = arith.addf %add3A_740, %get3A_744 : vector<16xf32>
        %max3A_746 = arith.constant 0.000000e+00 : f32
        %max3A_747 = vector.broadcast %max3A_746 : f32 to vector<16xf32>
        %max3A_748 = arith.maximumf %add3A_745, %max3A_747 : vector<16xf32>
        %scatter3A_749 = arith.constant 0 : i32
        %scatter3A_750 = arith.constant 0 : i32
        %scatter3A_751 = tpu.memref_slice %arg13[%rem3A_393, %scatter3A_749, %scatter3A_750] : memref<3x16x129xf32, #tpu.memory_space<vmem>> -> memref<1x16x129xf32, #tpu.memory_space<vmem>>
        %scatter3A_752 = tpu.memref_squeeze %scatter3A_751 : memref<1x16x129xf32, #tpu.memory_space<vmem>> -> memref<16x129xf32, #tpu.memory_space<vmem>>
        tpu.vector_store_idx %scatter3A_752[%iota3A, %broadcast_in_dim3A_730], %max3A_748 : memref<16x129xf32, #tpu.memory_space<vmem>>[vector<16xi32>, vector<16xi32>], vector<16xf32>,
        %swap3A_753 = arith.index_cast %rem3A_393 : i32 to index
        %swap3A_754 = arith.index_cast %add3A_729 : i32 to index
        %swap3A_755 = arith.constant 0 : index
        %swap3A_756 = tpu.vector_load %arg14[%swap3A_753, %swap3A_754, %swap3A_755] {strides = array<i32>} : memref<3x128x16xf32, #tpu.memory_space<vmem>>, vector<16xf32>,
        tpu.vector_store %arg14[%swap3A_753, %swap3A_754, %swap3A_755], %max3A_748 {strides = array<i32>} : memref<3x128x16xf32, #tpu.memory_space<vmem>>, vector<16xf32>,
        %mul3A_757 = arith.constant 8 : i32
        %mul3A_758 = arith.muli %scan3A_605, %mul3A_757 : i32
        %add3A_759 = arith.constant 5 : i32
        %add3A_760 = arith.addi %mul3A_758, %add3A_759 : i32
        %broadcast_in_dim3A_761 = vector.broadcast %add3A_760 : i32 to vector<16xi32>
        %gather3A_762 = arith.constant 0 : i32
        %gather3A_763 = arith.constant 0 : i32
        %gather3A_764 = tpu.memref_slice %arg13[%rem3A_393, %gather3A_762, %gather3A_763] : memref<3x16x129xf32, #tpu.memory_space<vmem>> -> memref<1x16x129xf32, #tpu.memory_space<vmem>>
        %gather3A_765 = tpu.memref_squeeze %gather3A_764 : memref<1x16x129xf32, #tpu.memory_space<vmem>> -> memref<16x129xf32, #tpu.memory_space<vmem>>
        %gather3A_766 = tpu.vector_load_idx %gather3A_765[%iota3A, %broadcast_in_dim3A_761] : memref<16x129xf32, #tpu.memory_space<vmem>>[vector<16xi32>, vector<16xi32>], vector<16xf32>,
        %get3A_767 = arith.index_cast %rem3A_393 : i32 to index
        %get3A_768 = arith.index_cast %add3A_760 : i32 to index
        %get3A_769 = arith.constant 0 : index
        %get3A_770 = tpu.vector_load %arg11[%get3A_767, %get3A_768, %get3A_769] {strides = array<i32>} : memref<3x128x16xf32, #tpu.memory_space<vmem>>, vector<16xf32>,
        %add3A_771 = arith.addf %gather3A_766, %get3A_770 : vector<16xf32>
        %get3A_772 = arith.index_cast %rem3A_393 : i32 to index
        %get3A_773 = arith.index_cast %add3A_760 : i32 to index
        %get3A_774 = arith.constant 0 : index
        %get3A_775 = tpu.vector_load %arg12[%get3A_772, %get3A_773, %get3A_774] {strides = array<i32>} : memref<3x128x16xf32, #tpu.memory_space<vmem>>, vector<16xf32>,
        %add3A_776 = arith.addf %add3A_771, %get3A_775 : vector<16xf32>
        %max3A_777 = arith.constant 0.000000e+00 : f32
        %max3A_778 = vector.broadcast %max3A_777 : f32 to vector<16xf32>
        %max3A_779 = arith.maximumf %add3A_776, %max3A_778 : vector<16xf32>
        %scatter3A_780 = arith.constant 0 : i32
        %scatter3A_781 = arith.constant 0 : i32
        %scatter3A_782 = tpu.memref_slice %arg13[%rem3A_393, %scatter3A_780, %scatter3A_781] : memref<3x16x129xf32, #tpu.memory_space<vmem>> -> memref<1x16x129xf32, #tpu.memory_space<vmem>>
        %scatter3A_783 = tpu.memref_squeeze %scatter3A_782 : memref<1x16x129xf32, #tpu.memory_space<vmem>> -> memref<16x129xf32, #tpu.memory_space<vmem>>
        tpu.vector_store_idx %scatter3A_783[%iota3A, %broadcast_in_dim3A_761], %max3A_779 : memref<16x129xf32, #tpu.memory_space<vmem>>[vector<16xi32>, vector<16xi32>], vector<16xf32>,
        %swap3A_784 = arith.index_cast %rem3A_393 : i32 to index
        %swap3A_785 = arith.index_cast %add3A_760 : i32 to index
        %swap3A_786 = arith.constant 0 : index
        %swap3A_787 = tpu.vector_load %arg14[%swap3A_784, %swap3A_785, %swap3A_786] {strides = array<i32>} : memref<3x128x16xf32, #tpu.memory_space<vmem>>, vector<16xf32>,
        tpu.vector_store %arg14[%swap3A_784, %swap3A_785, %swap3A_786], %max3A_779 {strides = array<i32>} : memref<3x128x16xf32, #tpu.memory_space<vmem>>, vector<16xf32>,
        %mul3A_788 = arith.constant 8 : i32
        %mul3A_789 = arith.muli %scan3A_605, %mul3A_788 : i32
        %add3A_790 = arith.constant 6 : i32
        %add3A_791 = arith.addi %mul3A_789, %add3A_790 : i32
        %broadcast_in_dim3A_792 = vector.broadcast %add3A_791 : i32 to vector<16xi32>
        %gather3A_793 = arith.constant 0 : i32
        %gather3A_794 = arith.constant 0 : i32
        %gather3A_795 = tpu.memref_slice %arg13[%rem3A_393, %gather3A_793, %gather3A_794] : memref<3x16x129xf32, #tpu.memory_space<vmem>> -> memref<1x16x129xf32, #tpu.memory_space<vmem>>
        %gather3A_796 = tpu.memref_squeeze %gather3A_795 : memref<1x16x129xf32, #tpu.memory_space<vmem>> -> memref<16x129xf32, #tpu.memory_space<vmem>>
        %gather3A_797 = tpu.vector_load_idx %gather3A_796[%iota3A, %broadcast_in_dim3A_792] : memref<16x129xf32, #tpu.memory_space<vmem>>[vector<16xi32>, vector<16xi32>], vector<16xf32>,
        %get3A_798 = arith.index_cast %rem3A_393 : i32 to index
        %get3A_799 = arith.index_cast %add3A_791 : i32 to index
        %get3A_800 = arith.constant 0 : index
        %get3A_801 = tpu.vector_load %arg11[%get3A_798, %get3A_799, %get3A_800] {strides = array<i32>} : memref<3x128x16xf32, #tpu.memory_space<vmem>>, vector<16xf32>,
        %add3A_802 = arith.addf %gather3A_797, %get3A_801 : vector<16xf32>
        %get3A_803 = arith.index_cast %rem3A_393 : i32 to index
        %get3A_804 = arith.index_cast %add3A_791 : i32 to index
        %get3A_805 = arith.constant 0 : index
        %get3A_806 = tpu.vector_load %arg12[%get3A_803, %get3A_804, %get3A_805] {strides = array<i32>} : memref<3x128x16xf32, #tpu.memory_space<vmem>>, vector<16xf32>,
        %add3A_807 = arith.addf %add3A_802, %get3A_806 : vector<16xf32>
        %max3A_808 = arith.constant 0.000000e+00 : f32
        %max3A_809 = vector.broadcast %max3A_808 : f32 to vector<16xf32>
        %max3A_810 = arith.maximumf %add3A_807, %max3A_809 : vector<16xf32>
        %scatter3A_811 = arith.constant 0 : i32
        %scatter3A_812 = arith.constant 0 : i32
        %scatter3A_813 = tpu.memref_slice %arg13[%rem3A_393, %scatter3A_811, %scatter3A_812] : memref<3x16x129xf32, #tpu.memory_space<vmem>> -> memref<1x16x129xf32, #tpu.memory_space<vmem>>
        %scatter3A_814 = tpu.memref_squeeze %scatter3A_813 : memref<1x16x129xf32, #tpu.memory_space<vmem>> -> memref<16x129xf32, #tpu.memory_space<vmem>>
        tpu.vector_store_idx %scatter3A_814[%iota3A, %broadcast_in_dim3A_792], %max3A_810 : memref<16x129xf32, #tpu.memory_space<vmem>>[vector<16xi32>, vector<16xi32>], vector<16xf32>,
        %swap3A_815 = arith.index_cast %rem3A_393 : i32 to index
        %swap3A_816 = arith.index_cast %add3A_791 : i32 to index
        %swap3A_817 = arith.constant 0 : index
        %swap3A_818 = tpu.vector_load %arg14[%swap3A_815, %swap3A_816, %swap3A_817] {strides = array<i32>} : memref<3x128x16xf32, #tpu.memory_space<vmem>>, vector<16xf32>,
        tpu.vector_store %arg14[%swap3A_815, %swap3A_816, %swap3A_817], %max3A_810 {strides = array<i32>} : memref<3x128x16xf32, #tpu.memory_space<vmem>>, vector<16xf32>,
        %mul3A_819 = arith.constant 8 : i32
        %mul3A_820 = arith.muli %scan3A_605, %mul3A_819 : i32
        %add3A_821 = arith.constant 7 : i32
        %add3A_822 = arith.addi %mul3A_820, %add3A_821 : i32
        %broadcast_in_dim3A_823 = vector.broadcast %add3A_822 : i32 to vector<16xi32>
        %gather3A_824 = arith.constant 0 : i32
        %gather3A_825 = arith.constant 0 : i32
        %gather3A_826 = tpu.memref_slice %arg13[%rem3A_393, %gather3A_824, %gather3A_825] : memref<3x16x129xf32, #tpu.memory_space<vmem>> -> memref<1x16x129xf32, #tpu.memory_space<vmem>>
        %gather3A_827 = tpu.memref_squeeze %gather3A_826 : memref<1x16x129xf32, #tpu.memory_space<vmem>> -> memref<16x129xf32, #tpu.memory_space<vmem>>
        %gather3A_828 = tpu.vector_load_idx %gather3A_827[%iota3A, %broadcast_in_dim3A_823] : memref<16x129xf32, #tpu.memory_space<vmem>>[vector<16xi32>, vector<16xi32>], vector<16xf32>,
        %get3A_829 = arith.index_cast %rem3A_393 : i32 to index
        %get3A_830 = arith.index_cast %add3A_822 : i32 to index
        %get3A_831 = arith.constant 0 : index
        %get3A_832 = tpu.vector_load %arg11[%get3A_829, %get3A_830, %get3A_831] {strides = array<i32>} : memref<3x128x16xf32, #tpu.memory_space<vmem>>, vector<16xf32>,
        %add3A_833 = arith.addf %gather3A_828, %get3A_832 : vector<16xf32>
        %get3A_834 = arith.index_cast %rem3A_393 : i32 to index
        %get3A_835 = arith.index_cast %add3A_822 : i32 to index
        %get3A_836 = arith.constant 0 : index
        %get3A_837 = tpu.vector_load %arg12[%get3A_834, %get3A_835, %get3A_836] {strides = array<i32>} : memref<3x128x16xf32, #tpu.memory_space<vmem>>, vector<16xf32>,
        %add3A_838 = arith.addf %add3A_833, %get3A_837 : vector<16xf32>
        %max3A_839 = arith.constant 0.000000e+00 : f32
        %max3A_840 = vector.broadcast %max3A_839 : f32 to vector<16xf32>
        %max3A_841 = arith.maximumf %add3A_838, %max3A_840 : vector<16xf32>
        %scatter3A_842 = arith.constant 0 : i32
        %scatter3A_843 = arith.constant 0 : i32
        %scatter3A_844 = tpu.memref_slice %arg13[%rem3A_393, %scatter3A_842, %scatter3A_843] : memref<3x16x129xf32, #tpu.memory_space<vmem>> -> memref<1x16x129xf32, #tpu.memory_space<vmem>>
        %scatter3A_845 = tpu.memref_squeeze %scatter3A_844 : memref<1x16x129xf32, #tpu.memory_space<vmem>> -> memref<16x129xf32, #tpu.memory_space<vmem>>
        tpu.vector_store_idx %scatter3A_845[%iota3A, %broadcast_in_dim3A_823], %max3A_841 : memref<16x129xf32, #tpu.memory_space<vmem>>[vector<16xi32>, vector<16xi32>], vector<16xf32>,
        %swap3A_846 = arith.index_cast %rem3A_393 : i32 to index
        %swap3A_847 = arith.index_cast %add3A_822 : i32 to index
        %swap3A_848 = arith.constant 0 : index
        %swap3A_849 = tpu.vector_load %arg14[%swap3A_846, %swap3A_847, %swap3A_848] {strides = array<i32>} : memref<3x128x16xf32, #tpu.memory_space<vmem>>, vector<16xf32>,
        tpu.vector_store %arg14[%swap3A_846, %swap3A_847, %swap3A_848], %max3A_841 {strides = array<i32>} : memref<3x128x16xf32, #tpu.memory_space<vmem>>, vector<16xf32>,
        %scan3A_850 = arith.constant 0 : i32
        scf.yield %scan3A_850 : i32
      }
      %scan3A_540 = arith.constant 16 : i32
      %add3A_541 = arith.addi %mul3A_2, %while3A_390 : i32
      %dma_start3A_542 = arith.constant 0 : i32
      %dma_start3A_543 = arith.constant 0 : i32
      %dma_start3A_544 = arith.constant 0 : i32
      %dma_start3A_545 = tpu.memref_slice %arg13[%rem3A_393, %dma_start3A_543, %dma_start3A_544] : memref<3x16x129xf32, #tpu.memory_space<vmem>> -> memref<1x8x128xf32, #tpu.memory_space<vmem>>
      %dma_start3A_546 = tpu.memref_squeeze %dma_start3A_545 : memref<1x8x128xf32, #tpu.memory_space<vmem>> -> memref<8x128xf32, #tpu.memory_space<vmem>>
      %dma_start3A_547 = arith.constant 0 : i32
      %dma_start3A_548 = arith.constant 0 : i32
      %dma_start3A_549 = tpu.memref_slice %arg6[%dma_start3A_542, %add3A_541, %dma_start3A_547, %dma_start3A_548] : memref<2x2500x8x128xf32, #tpu.memory_space<hbm>> -> memref<1x1x8x128xf32, #tpu.memory_space<hbm>>
      %dma_start3A_550 = tpu.memref_squeeze %dma_start3A_549 : memref<1x1x8x128xf32, #tpu.memory_space<hbm>> -> memref<8x128xf32, #tpu.memory_space<hbm>>
      %dma_start3A_551 = tpu.memref_slice %arg20[%rem3A_393] : memref<3x!tpu.dma_semaphore, #tpu.memory_space<semaphore_mem>> -> memref<1x!tpu.dma_semaphore, #tpu.memory_space<semaphore_mem>>
      %dma_start3A_552 = tpu.memref_squeeze %dma_start3A_551 : memref<1x!tpu.dma_semaphore, #tpu.memory_space<semaphore_mem>> -> memref<!tpu.dma_semaphore, #tpu.memory_space<semaphore_mem>>
      %dma_start3A_553 = arith.constant 0 : i32
      %dma_start3A_554 = arith.constant 0 : i32
      %dma_start3A_555 = tpu.memref_slice %arg6[%dma_start3A_542, %add3A_541, %dma_start3A_553, %dma_start3A_554] : memref<2x2500x8x128xf32, #tpu.memory_space<hbm>> -> memref<1x1x8x128xf32, #tpu.memory_space<hbm>>
      %dma_start3A_556 = tpu.memref_squeeze %dma_start3A_555 : memref<1x1x8x128xf32, #tpu.memory_space<hbm>> -> memref<8x128xf32, #tpu.memory_space<hbm>>
      %dma_start3A_557 = arith.constant 0 : i32
      %dma_start3A_558 = arith.constant 0 : i32
      %dma_start3A_559 = tpu.memref_slice %arg13[%rem3A_393, %dma_start3A_557, %dma_start3A_558] : memref<3x16x129xf32, #tpu.memory_space<vmem>> -> memref<1x8x128xf32, #tpu.memory_space<vmem>>
      %dma_start3A_560 = tpu.memref_squeeze %dma_start3A_559 : memref<1x8x128xf32, #tpu.memory_space<vmem>> -> memref<8x128xf32, #tpu.memory_space<vmem>>
      tpu.enqueue_dma source(%dma_start3A_560 : memref<8x128xf32, #tpu.memory_space<vmem>>) target(%dma_start3A_556 : memref<8x128xf32, #tpu.memory_space<hbm>>) target_semaphore(%dma_start3A_552 : memref<!tpu.dma_semaphore, #tpu.memory_space<semaphore_mem>>)
      %dma_start3A_561 = arith.constant 1 : i32
      %dma_start3A_562 = arith.constant 8 : i32
      %dma_start3A_563 = arith.constant 0 : i32
      %dma_start3A_564 = tpu.memref_slice %arg13[%rem3A_393, %dma_start3A_562, %dma_start3A_563] : memref<3x16x129xf32, #tpu.memory_space<vmem>> -> memref<1x8x128xf32, #tpu.memory_space<vmem>>
      %dma_start3A_565 = tpu.memref_squeeze %dma_start3A_564 : memref<1x8x128xf32, #tpu.memory_space<vmem>> -> memref<8x128xf32, #tpu.memory_space<vmem>>
      %dma_start3A_566 = arith.constant 0 : i32
      %dma_start3A_567 = arith.constant 0 : i32
      %dma_start3A_568 = tpu.memref_slice %arg6[%dma_start3A_561, %add3A_541, %dma_start3A_566, %dma_start3A_567] : memref<2x2500x8x128xf32, #tpu.memory_space<hbm>> -> memref<1x1x8x128xf32, #tpu.memory_space<hbm>>
      %dma_start3A_569 = tpu.memref_squeeze %dma_start3A_568 : memref<1x1x8x128xf32, #tpu.memory_space<hbm>> -> memref<8x128xf32, #tpu.memory_space<hbm>>
      %dma_start3A_570 = tpu.memref_slice %arg20[%rem3A_393] : memref<3x!tpu.dma_semaphore, #tpu.memory_space<semaphore_mem>> -> memref<1x!tpu.dma_semaphore, #tpu.memory_space<semaphore_mem>>
      %dma_start3A_571 = tpu.memref_squeeze %dma_start3A_570 : memref<1x!tpu.dma_semaphore, #tpu.memory_space<semaphore_mem>> -> memref<!tpu.dma_semaphore, #tpu.memory_space<semaphore_mem>>
      %dma_start3A_572 = arith.constant 0 : i32
      %dma_start3A_573 = arith.constant 0 : i32
      %dma_start3A_574 = tpu.memref_slice %arg6[%dma_start3A_561, %add3A_541, %dma_start3A_572, %dma_start3A_573] : memref<2x2500x8x128xf32, #tpu.memory_space<hbm>> -> memref<1x1x8x128xf32, #tpu.memory_space<hbm>>
      %dma_start3A_575 = tpu.memref_squeeze %dma_start3A_574 : memref<1x1x8x128xf32, #tpu.memory_space<hbm>> -> memref<8x128xf32, #tpu.memory_space<hbm>>
      %dma_start3A_576 = arith.constant 8 : i32
      %dma_start3A_577 = arith.constant 0 : i32
      %dma_start3A_578 = tpu.memref_slice %arg13[%rem3A_393, %dma_start3A_576, %dma_start3A_577] : memref<3x16x129xf32, #tpu.memory_space<vmem>> -> memref<1x8x128xf32, #tpu.memory_space<vmem>>
      %dma_start3A_579 = tpu.memref_squeeze %dma_start3A_578 : memref<1x8x128xf32, #tpu.memory_space<vmem>> -> memref<8x128xf32, #tpu.memory_space<vmem>>
      tpu.enqueue_dma source(%dma_start3A_579 : memref<8x128xf32, #tpu.memory_space<vmem>>) target(%dma_start3A_575 : memref<8x128xf32, #tpu.memory_space<hbm>>) target_semaphore(%dma_start3A_571 : memref<!tpu.dma_semaphore, #tpu.memory_space<semaphore_mem>>)
      %dma_start3A_580 = arith.constant 0 : i32
      %dma_start3A_581 = arith.constant 0 : i32
      %dma_start3A_582 = tpu.memref_slice %arg14[%rem3A_393, %dma_start3A_580, %dma_start3A_581] : memref<3x128x16xf32, #tpu.memory_space<vmem>> -> memref<1x128x16xf32, #tpu.memory_space<vmem>>
      %dma_start3A_583 = tpu.memref_squeeze %dma_start3A_582 : memref<1x128x16xf32, #tpu.memory_space<vmem>> -> memref<128x16xf32, #tpu.memory_space<vmem>>
      %dma_start3A_584 = arith.constant 0 : i32
      %dma_start3A_585 = tpu.memref_slice %arg10[%while3A_390, %dma_start3A_584] : memref<80x128xi32, #tpu.memory_space<vmem>> -> memref<1x128xi32, #tpu.memory_space<vmem>>
      %dma_start3A_586 = tpu.memref_squeeze %dma_start3A_585 : memref<1x128xi32, #tpu.memory_space<vmem>> -> memref<128xi32, #tpu.memory_space<vmem>>
      %dma_start3A_587 = arith.constant 0 : i32
      %dma_start3A_588 = arith.constant 0 : i32
      %dma_start3A_589 = tpu.memref_slice %arg16[%dma_start3A_587, %dma_start3A_588] : memref<10112x16xf32, #tpu.memory_space<vmem_shared>> -> memref<10112x16xf32, #tpu.memory_space<vmem_shared>>
      %dma_start3A_590 = tpu.memref_slice %arg21[%rem3A_393] : memref<3x!tpu.dma_semaphore, #tpu.memory_space<semaphore_mem>> -> memref<1x!tpu.dma_semaphore, #tpu.memory_space<semaphore_mem>>
      %dma_start3A_591 = tpu.memref_squeeze %dma_start3A_590 : memref<1x!tpu.dma_semaphore, #tpu.memory_space<semaphore_mem>> -> memref<!tpu.dma_semaphore, #tpu.memory_space<semaphore_mem>>
      tpu.enqueue_indirect_dma source(%dma_start3A_583 : memref<128x16xf32, #tpu.memory_space<vmem>>) target(%dma_start3A_589 : memref<10112x16xf32, #tpu.memory_space<vmem_shared>>) offsets(%dma_start3A_586 : memref<128xi32, #tpu.memory_space<vmem>>) semaphore(%dma_start3A_591 : memref<!tpu.dma_semaphore, #tpu.memory_space<semaphore_mem>>) {add = true}
      %dma_start3A_592 = arith.constant 0 : i32
      %dma_start3A_593 = arith.constant 0 : i32
      %dma_start3A_594 = tpu.memref_slice %arg14[%rem3A_393, %dma_start3A_592, %dma_start3A_593] : memref<3x128x16xf32, #tpu.memory_space<vmem>> -> memref<1x128x16xf32, #tpu.memory_space<vmem>>
      %dma_start3A_595 = tpu.memref_squeeze %dma_start3A_594 : memref<1x128x16xf32, #tpu.memory_space<vmem>> -> memref<128x16xf32, #tpu.memory_space<vmem>>
      %dma_start3A_596 = arith.constant 0 : i32
      %dma_start3A_597 = tpu.memref_slice %arg9[%while3A_390, %dma_start3A_596] : memref<80x128xi32, #tpu.memory_space<vmem>> -> memref<1x128xi32, #tpu.memory_space<vmem>>
      %dma_start3A_598 = tpu.memref_squeeze %dma_start3A_597 : memref<1x128xi32, #tpu.memory_space<vmem>> -> memref<128xi32, #tpu.memory_space<vmem>>
      %dma_start3A_599 = arith.constant 0 : i32
      %dma_start3A_600 = arith.constant 0 : i32
      %dma_start3A_601 = tpu.memref_slice %arg17[%dma_start3A_599, %dma_start3A_600] : memref<10112x16xf32, #tpu.memory_space<vmem_shared>> -> memref<10112x16xf32, #tpu.memory_space<vmem_shared>>
      %dma_start3A_602 = tpu.memref_slice %arg21[%rem3A_393] : memref<3x!tpu.dma_semaphore, #tpu.memory_space<semaphore_mem>> -> memref<1x!tpu.dma_semaphore, #tpu.memory_space<semaphore_mem>>
      %dma_start3A_603 = tpu.memref_squeeze %dma_start3A_602 : memref<1x!tpu.dma_semaphore, #tpu.memory_space<semaphore_mem>> -> memref<!tpu.dma_semaphore, #tpu.memory_space<semaphore_mem>>
      tpu.enqueue_indirect_dma source(%dma_start3A_595 : memref<128x16xf32, #tpu.memory_space<vmem>>) target(%dma_start3A_601 : memref<10112x16xf32, #tpu.memory_space<vmem_shared>>) offsets(%dma_start3A_598 : memref<128xi32, #tpu.memory_space<vmem>>) semaphore(%dma_start3A_603 : memref<!tpu.dma_semaphore, #tpu.memory_space<semaphore_mem>>) {add = true}
      %while3A_604 = arith.constant 0 : i32
      scf.yield %while3A_604 : i32
    }
    %while3A_173 = arith.constant 1 : i32
    %while3A_174 = scf.for %while3A_390 = %while3A_170 to %while3A_166 step %while3A_173 iter_args(%while3A_391 = %while3A_172) -> (i32)  : i32 {
      %rem3A_392 = arith.constant 3 : i32
      %rem3A_393 = arith.remsi %while3A_390, %rem3A_392 : i32
      %add3A_394 = arith.constant 2 : i32
      %add3A_395 = arith.addi %while3A_390, %add3A_394 : i32
      %rem3A_396 = arith.constant 3 : i32
      %rem3A_397 = arith.remsi %add3A_395, %rem3A_396 : i32
      %add3A_398 = arith.constant 2 : i32
      %add3A_399 = arith.addi %while3A_390, %add3A_398 : i32
      %sub3A_400 = arith.constant 1 : i32
      %sub3A_401 = arith.subi %min3A, %sub3A_400 : i32
      %min3A_402 = arith.minsi %add3A_399, %sub3A_401 : i32
      %ge3A = arith.constant 1 : i32
      %ge3A_403 = arith.cmpi sge, %while3A_390, %ge3A : i32
      %convert_element_type3A = arith.extui %ge3A_403 : i1 to i32
      %cond3A = arith.constant 0 : i32
      %cond3A_404 = arith.cmpi ne, %convert_element_type3A, %cond3A : i32
      scf.if %cond3A_404 {
        %dma_wait3A_605 = arith.constant 0 : i32
        %dma_wait3A_606 = arith.constant 0 : i32
        %dma_wait3A_607 = arith.constant 0 : i32
        %dma_wait3A_608 = arith.constant 0 : i32
        %dma_wait3A_609 = tpu.memref_slice %arg13[%rem3A_397, %dma_wait3A_607, %dma_wait3A_608] : memref<3x16x129xf32, #tpu.memory_space<vmem>> -> memref<1x8x128xf32, #tpu.memory_space<vmem>>
        %dma_wait3A_610 = tpu.memref_squeeze %dma_wait3A_609 : memref<1x8x128xf32, #tpu.memory_space<vmem>> -> memref<8x128xf32, #tpu.memory_space<vmem>>
        %dma_wait3A_611 = arith.constant 0 : i32
        %dma_wait3A_612 = arith.constant 0 : i32
        %dma_wait3A_613 = tpu.memref_slice %arg6[%dma_wait3A_605, %dma_wait3A_606, %dma_wait3A_611, %dma_wait3A_612] : memref<2x2500x8x128xf32, #tpu.memory_space<hbm>> -> memref<1x1x8x128xf32, #tpu.memory_space<hbm>>
        %dma_wait3A_614 = tpu.memref_squeeze %dma_wait3A_613 : memref<1x1x8x128xf32, #tpu.memory_space<hbm>> -> memref<8x128xf32, #tpu.memory_space<hbm>>
        %dma_wait3A_615 = tpu.memref_slice %arg20[%rem3A_397] : memref<3x!tpu.dma_semaphore, #tpu.memory_space<semaphore_mem>> -> memref<1x!tpu.dma_semaphore, #tpu.memory_space<semaphore_mem>>
        %dma_wait3A_616 = tpu.memref_squeeze %dma_wait3A_615 : memref<1x!tpu.dma_semaphore, #tpu.memory_space<semaphore_mem>> -> memref<!tpu.dma_semaphore, #tpu.memory_space<semaphore_mem>>
        %dma_wait3A_617 = arith.constant 0 : i32
        %dma_wait3A_618 = arith.constant 0 : i32
        %dma_wait3A_619 = tpu.memref_slice %arg6[%dma_wait3A_605, %dma_wait3A_606, %dma_wait3A_617, %dma_wait3A_618] : memref<2x2500x8x128xf32, #tpu.memory_space<hbm>> -> memref<1x1x8x128xf32, #tpu.memory_space<hbm>>
        %dma_wait3A_620 = tpu.memref_squeeze %dma_wait3A_619 : memref<1x1x8x128xf32, #tpu.memory_space<hbm>> -> memref<8x128xf32, #tpu.memory_space<hbm>>
        %dma_wait3A_621 = arith.constant 0 : i32
        %dma_wait3A_622 = arith.constant 0 : i32
        %dma_wait3A_623 = tpu.memref_slice %arg13[%rem3A_397, %dma_wait3A_621, %dma_wait3A_622] : memref<3x16x129xf32, #tpu.memory_space<vmem>> -> memref<1x8x128xf32, #tpu.memory_space<vmem>>
        %dma_wait3A_624 = tpu.memref_squeeze %dma_wait3A_623 : memref<1x8x128xf32, #tpu.memory_space<vmem>> -> memref<8x128xf32, #tpu.memory_space<vmem>>
        tpu.wait_dma2 semaphore(%dma_wait3A_616 : memref<!tpu.dma_semaphore, #tpu.memory_space<semaphore_mem>>) src(%dma_wait3A_624 : memref<8x128xf32, #tpu.memory_space<vmem>>) dst(%dma_wait3A_620 : memref<8x128xf32, #tpu.memory_space<hbm>>)
        %dma_wait3A_625 = arith.constant 1 : i32
        %dma_wait3A_626 = arith.constant 0 : i32
        %dma_wait3A_627 = arith.constant 8 : i32
        %dma_wait3A_628 = arith.constant 0 : i32
        %dma_wait3A_629 = tpu.memref_slice %arg13[%rem3A_397, %dma_wait3A_627, %dma_wait3A_628] : memref<3x16x129xf32, #tpu.memory_space<vmem>> -> memref<1x8x128xf32, #tpu.memory_space<vmem>>
        %dma_wait3A_630 = tpu.memref_squeeze %dma_wait3A_629 : memref<1x8x128xf32, #tpu.memory_space<vmem>> -> memref<8x128xf32, #tpu.memory_space<vmem>>
        %dma_wait3A_631 = arith.constant 0 : i32
        %dma_wait3A_632 = arith.constant 0 : i32
        %dma_wait3A_633 = tpu.memref_slice %arg6[%dma_wait3A_625, %dma_wait3A_626, %dma_wait3A_631, %dma_wait3A_632] : memref<2x2500x8x128xf32, #tpu.memory_space<hbm>> -> memref<1x1x8x128xf32, #tpu.memory_space<hbm>>
        %dma_wait3A_634 = tpu.memref_squeeze %dma_wait3A_633 : memref<1x1x8x128xf32, #tpu.memory_space<hbm>> -> memref<8x128xf32, #tpu.memory_space<hbm>>
        %dma_wait3A_635 = tpu.memref_slice %arg20[%rem3A_397] : memref<3x!tpu.dma_semaphore, #tpu.memory_space<semaphore_mem>> -> memref<1x!tpu.dma_semaphore, #tpu.memory_space<semaphore_mem>>
        %dma_wait3A_636 = tpu.memref_squeeze %dma_wait3A_635 : memref<1x!tpu.dma_semaphore, #tpu.memory_space<semaphore_mem>> -> memref<!tpu.dma_semaphore, #tpu.memory_space<semaphore_mem>>
        %dma_wait3A_637 = arith.constant 0 : i32
        %dma_wait3A_638 = arith.constant 0 : i32
        %dma_wait3A_639 = tpu.memref_slice %arg6[%dma_wait3A_625, %dma_wait3A_626, %dma_wait3A_637, %dma_wait3A_638] : memref<2x2500x8x128xf32, #tpu.memory_space<hbm>> -> memref<1x1x8x128xf32, #tpu.memory_space<hbm>>
        %dma_wait3A_640 = tpu.memref_squeeze %dma_wait3A_639 : memref<1x1x8x128xf32, #tpu.memory_space<hbm>> -> memref<8x128xf32, #tpu.memory_space<hbm>>
        %dma_wait3A_641 = arith.constant 8 : i32
        %dma_wait3A_642 = arith.constant 0 : i32
        %dma_wait3A_643 = tpu.memref_slice %arg13[%rem3A_397, %dma_wait3A_641, %dma_wait3A_642] : memref<3x16x129xf32, #tpu.memory_space<vmem>> -> memref<1x8x128xf32, #tpu.memory_space<vmem>>
        %dma_wait3A_644 = tpu.memref_squeeze %dma_wait3A_643 : memref<1x8x128xf32, #tpu.memory_space<vmem>> -> memref<8x128xf32, #tpu.memory_space<vmem>>
        tpu.wait_dma2 semaphore(%dma_wait3A_636 : memref<!tpu.dma_semaphore, #tpu.memory_space<semaphore_mem>>) src(%dma_wait3A_644 : memref<8x128xf32, #tpu.memory_space<vmem>>) dst(%dma_wait3A_640 : memref<8x128xf32, #tpu.memory_space<hbm>>)
        %dma_wait3A_645 = arith.constant 0 : i32
        %dma_wait3A_646 = arith.constant 0 : i32
        %dma_wait3A_647 = arith.constant 0 : i32
        %dma_wait3A_648 = tpu.memref_slice %arg14[%rem3A_397, %dma_wait3A_646, %dma_wait3A_647] : memref<3x128x16xf32, #tpu.memory_space<vmem>> -> memref<1x128x16xf32, #tpu.memory_space<vmem>>
        %dma_wait3A_649 = tpu.memref_squeeze %dma_wait3A_648 : memref<1x128x16xf32, #tpu.memory_space<vmem>> -> memref<128x16xf32, #tpu.memory_space<vmem>>
        %dma_wait3A_650 = arith.constant 0 : i32
        %dma_wait3A_651 = tpu.memref_slice %arg10[%dma_wait3A_645, %dma_wait3A_650] : memref<80x128xi32, #tpu.memory_space<vmem>> -> memref<1x128xi32, #tpu.memory_space<vmem>>
        %dma_wait3A_652 = tpu.memref_squeeze %dma_wait3A_651 : memref<1x128xi32, #tpu.memory_space<vmem>> -> memref<128xi32, #tpu.memory_space<vmem>>
        %dma_wait3A_653 = arith.constant 0 : i32
        %dma_wait3A_654 = arith.constant 0 : i32
        %dma_wait3A_655 = tpu.memref_slice %arg16[%dma_wait3A_653, %dma_wait3A_654] : memref<10112x16xf32, #tpu.memory_space<vmem_shared>> -> memref<10112x16xf32, #tpu.memory_space<vmem_shared>>
        %dma_wait3A_656 = tpu.memref_slice %arg21[%rem3A_397] : memref<3x!tpu.dma_semaphore, #tpu.memory_space<semaphore_mem>> -> memref<1x!tpu.dma_semaphore, #tpu.memory_space<semaphore_mem>>
        %dma_wait3A_657 = tpu.memref_squeeze %dma_wait3A_656 : memref<1x!tpu.dma_semaphore, #tpu.memory_space<semaphore_mem>> -> memref<!tpu.dma_semaphore, #tpu.memory_space<semaphore_mem>>
        tpu.wait_indirect_dma semaphore(%dma_wait3A_657 : memref<!tpu.dma_semaphore, #tpu.memory_space<semaphore_mem>>) src(%dma_wait3A_649 : memref<128x16xf32, #tpu.memory_space<vmem>>) dst(%dma_wait3A_655 : memref<10112x16xf32, #tpu.memory_space<vmem_shared>>)
        %dma_wait3A_658 = arith.constant 0 : i32
        %dma_wait3A_659 = arith.constant 0 : i32
        %dma_wait3A_660 = arith.constant 0 : i32
        %dma_wait3A_661 = tpu.memref_slice %arg14[%rem3A_397, %dma_wait3A_659, %dma_wait3A_660] : memref<3x128x16xf32, #tpu.memory_space<vmem>> -> memref<1x128x16xf32, #tpu.memory_space<vmem>>
        %dma_wait3A_662 = tpu.memref_squeeze %dma_wait3A_661 : memref<1x128x16xf32, #tpu.memory_space<vmem>> -> memref<128x16xf32, #tpu.memory_space<vmem>>
        %dma_wait3A_663 = arith.constant 0 : i32
        %dma_wait3A_664 = tpu.memref_slice %arg9[%dma_wait3A_658, %dma_wait3A_663] : memref<80x128xi32, #tpu.memory_space<vmem>> -> memref<1x128xi32, #tpu.memory_space<vmem>>
        %dma_wait3A_665 = tpu.memref_squeeze %dma_wait3A_664 : memref<1x128xi32, #tpu.memory_space<vmem>> -> memref<128xi32, #tpu.memory_space<vmem>>
        %dma_wait3A_666 = arith.constant 0 : i32
        %dma_wait3A_667 = arith.constant 0 : i32
        %dma_wait3A_668 = tpu.memref_slice %arg17[%dma_wait3A_666, %dma_wait3A_667] : memref<10112x16xf32, #tpu.memory_space<vmem_shared>> -> memref<10112x16xf32, #tpu.memory_space<vmem_shared>>
        %dma_wait3A_669 = tpu.memref_slice %arg21[%rem3A_397] : memref<3x!tpu.dma_semaphore, #tpu.memory_space<semaphore_mem>> -> memref<1x!tpu.dma_semaphore, #tpu.memory_space<semaphore_mem>>
        %dma_wait3A_670 = tpu.memref_squeeze %dma_wait3A_669 : memref<1x!tpu.dma_semaphore, #tpu.memory_space<semaphore_mem>> -> memref<!tpu.dma_semaphore, #tpu.memory_space<semaphore_mem>>
        tpu.wait_indirect_dma semaphore(%dma_wait3A_670 : memref<!tpu.dma_semaphore, #tpu.memory_space<semaphore_mem>>) src(%dma_wait3A_662 : memref<128x16xf32, #tpu.memory_space<vmem>>) dst(%dma_wait3A_668 : memref<10112x16xf32, #tpu.memory_space<vmem_shared>>)
      } else {
      }
      %add3A_405 = arith.addi %mul3A_2, %min3A_402 : i32
      %dma_start3A_406 = arith.constant 0 : i32
      %dma_start3A_407 = arith.constant 0 : i32
      %dma_start3A_408 = arith.constant 0 : i32
      %dma_start3A_409 = tpu.memref_slice %arg13[%rem3A_397, %dma_start3A_407, %dma_start3A_408] : memref<3x16x129xf32, #tpu.memory_space<vmem>> -> memref<1x8x128xf32, #tpu.memory_space<vmem>>
      %dma_start3A_410 = tpu.memref_squeeze %dma_start3A_409 : memref<1x8x128xf32, #tpu.memory_space<vmem>> -> memref<8x128xf32, #tpu.memory_space<vmem>>
      %dma_start3A_411 = arith.constant 0 : i32
      %dma_start3A_412 = arith.constant 0 : i32
      %dma_start3A_413 = tpu.memref_slice %arg4[%dma_start3A_406, %add3A_405, %dma_start3A_411, %dma_start3A_412] : memref<2x2500x8x128xf32, #tpu.memory_space<hbm>> -> memref<1x1x8x128xf32, #tpu.memory_space<hbm>>
      %dma_start3A_414 = tpu.memref_squeeze %dma_start3A_413 : memref<1x1x8x128xf32, #tpu.memory_space<hbm>> -> memref<8x128xf32, #tpu.memory_space<hbm>>
      %dma_start3A_415 = tpu.memref_slice %arg18[%rem3A_397] : memref<3x!tpu.dma_semaphore, #tpu.memory_space<semaphore_mem>> -> memref<1x!tpu.dma_semaphore, #tpu.memory_space<semaphore_mem>>
      %dma_start3A_416 = tpu.memref_squeeze %dma_start3A_415 : memref<1x!tpu.dma_semaphore, #tpu.memory_space<semaphore_mem>> -> memref<!tpu.dma_semaphore, #tpu.memory_space<semaphore_mem>>
      %dma_start3A_417 = arith.constant 0 : i32
      %dma_start3A_418 = arith.constant 0 : i32
      %dma_start3A_419 = tpu.memref_slice %arg13[%rem3A_397, %dma_start3A_417, %dma_start3A_418] : memref<3x16x129xf32, #tpu.memory_space<vmem>> -> memref<1x8x128xf32, #tpu.memory_space<vmem>>
      %dma_start3A_420 = tpu.memref_squeeze %dma_start3A_419 : memref<1x8x128xf32, #tpu.memory_space<vmem>> -> memref<8x128xf32, #tpu.memory_space<vmem>>
      %dma_start3A_421 = arith.constant 0 : i32
      %dma_start3A_422 = arith.constant 0 : i32
      %dma_start3A_423 = tpu.memref_slice %arg4[%dma_start3A_406, %add3A_405, %dma_start3A_421, %dma_start3A_422] : memref<2x2500x8x128xf32, #tpu.memory_space<hbm>> -> memref<1x1x8x128xf32, #tpu.memory_space<hbm>>
      %dma_start3A_424 = tpu.memref_squeeze %dma_start3A_423 : memref<1x1x8x128xf32, #tpu.memory_space<hbm>> -> memref<8x128xf32, #tpu.memory_space<hbm>>
      tpu.enqueue_dma source(%dma_start3A_424 : memref<8x128xf32, #tpu.memory_space<hbm>>) target(%dma_start3A_420 : memref<8x128xf32, #tpu.memory_space<vmem>>) target_semaphore(%dma_start3A_416 : memref<!tpu.dma_semaphore, #tpu.memory_space<semaphore_mem>>)
      %dma_start3A_425 = arith.constant 1 : i32
      %dma_start3A_426 = arith.constant 8 : i32
      %dma_start3A_427 = arith.constant 0 : i32
      %dma_start3A_428 = tpu.memref_slice %arg13[%rem3A_397, %dma_start3A_426, %dma_start3A_427] : memref<3x16x129xf32, #tpu.memory_space<vmem>> -> memref<1x8x128xf32, #tpu.memory_space<vmem>>
      %dma_start3A_429 = tpu.memref_squeeze %dma_start3A_428 : memref<1x8x128xf32, #tpu.memory_space<vmem>> -> memref<8x128xf32, #tpu.memory_space<vmem>>
      %dma_start3A_430 = arith.constant 0 : i32
      %dma_start3A_431 = arith.constant 0 : i32
      %dma_start3A_432 = tpu.memref_slice %arg4[%dma_start3A_425, %add3A_405, %dma_start3A_430, %dma_start3A_431] : memref<2x2500x8x128xf32, #tpu.memory_space<hbm>> -> memref<1x1x8x128xf32, #tpu.memory_space<hbm>>
      %dma_start3A_433 = tpu.memref_squeeze %dma_start3A_432 : memref<1x1x8x128xf32, #tpu.memory_space<hbm>> -> memref<8x128xf32, #tpu.memory_space<hbm>>
      %dma_start3A_434 = tpu.memref_slice %arg18[%rem3A_397] : memref<3x!tpu.dma_semaphore, #tpu.memory_space<semaphore_mem>> -> memref<1x!tpu.dma_semaphore, #tpu.memory_space<semaphore_mem>>
      %dma_start3A_435 = tpu.memref_squeeze %dma_start3A_434 : memref<1x!tpu.dma_semaphore, #tpu.memory_space<semaphore_mem>> -> memref<!tpu.dma_semaphore, #tpu.memory_space<semaphore_mem>>
      %dma_start3A_436 = arith.constant 8 : i32
      %dma_start3A_437 = arith.constant 0 : i32
      %dma_start3A_438 = tpu.memref_slice %arg13[%rem3A_397, %dma_start3A_436, %dma_start3A_437] : memref<3x16x129xf32, #tpu.memory_space<vmem>> -> memref<1x8x128xf32, #tpu.memory_space<vmem>>
      %dma_start3A_439 = tpu.memref_squeeze %dma_start3A_438 : memref<1x8x128xf32, #tpu.memory_space<vmem>> -> memref<8x128xf32, #tpu.memory_space<vmem>>
      %dma_start3A_440 = arith.constant 0 : i32
      %dma_start3A_441 = arith.constant 0 : i32
      %dma_start3A_442 = tpu.memref_slice %arg4[%dma_start3A_425, %add3A_405, %dma_start3A_440, %dma_start3A_441] : memref<2x2500x8x128xf32, #tpu.memory_space<hbm>> -> memref<1x1x8x128xf32, #tpu.memory_space<hbm>>
      %dma_start3A_443 = tpu.memref_squeeze %dma_start3A_442 : memref<1x1x8x128xf32, #tpu.memory_space<hbm>> -> memref<8x128xf32, #tpu.memory_space<hbm>>
      tpu.enqueue_dma source(%dma_start3A_443 : memref<8x128xf32, #tpu.memory_space<hbm>>) target(%dma_start3A_439 : memref<8x128xf32, #tpu.memory_space<vmem>>) target_semaphore(%dma_start3A_435 : memref<!tpu.dma_semaphore, #tpu.memory_space<semaphore_mem>>)
      %dma_start3A_444 = arith.constant 0 : i32
      %dma_start3A_445 = arith.constant 0 : i32
      %dma_start3A_446 = tpu.memref_slice %arg11[%rem3A_397, %dma_start3A_444, %dma_start3A_445] : memref<3x128x16xf32, #tpu.memory_space<vmem>> -> memref<1x128x16xf32, #tpu.memory_space<vmem>>
      %dma_start3A_447 = tpu.memref_squeeze %dma_start3A_446 : memref<1x128x16xf32, #tpu.memory_space<vmem>> -> memref<128x16xf32, #tpu.memory_space<vmem>>
      %dma_start3A_448 = arith.constant 0 : i32
      %dma_start3A_449 = tpu.memref_slice %arg9[%min3A_402, %dma_start3A_448] : memref<80x128xi32, #tpu.memory_space<vmem>> -> memref<1x128xi32, #tpu.memory_space<vmem>>
      %dma_start3A_450 = tpu.memref_squeeze %dma_start3A_449 : memref<1x128xi32, #tpu.memory_space<vmem>> -> memref<128xi32, #tpu.memory_space<vmem>>
      %dma_start3A_451 = arith.constant 0 : i32
      %dma_start3A_452 = arith.constant 0 : i32
      %dma_start3A_453 = tpu.memref_slice %arg2[%dma_start3A_451, %dma_start3A_452] : memref<10000x16xf32, #tpu.memory_space<hbm>> -> memref<10000x16xf32, #tpu.memory_space<hbm>>
      %dma_start3A_454 = tpu.memref_slice %arg19[%rem3A_397] : memref<3x!tpu.dma_semaphore, #tpu.memory_space<semaphore_mem>> -> memref<1x!tpu.dma_semaphore, #tpu.memory_space<semaphore_mem>>
      %dma_start3A_455 = tpu.memref_squeeze %dma_start3A_454 : memref<1x!tpu.dma_semaphore, #tpu.memory_space<semaphore_mem>> -> memref<!tpu.dma_semaphore, #tpu.memory_space<semaphore_mem>>
      tpu.enqueue_indirect_dma source(%dma_start3A_453 : memref<10000x16xf32, #tpu.memory_space<hbm>>) target(%dma_start3A_447 : memref<128x16xf32, #tpu.memory_space<vmem>>) offsets(%dma_start3A_450 : memref<128xi32, #tpu.memory_space<vmem>>) semaphore(%dma_start3A_455 : memref<!tpu.dma_semaphore, #tpu.memory_space<semaphore_mem>>)
      %dma_start3A_456 = arith.constant 0 : i32
      %dma_start3A_457 = arith.constant 0 : i32
      %dma_start3A_458 = tpu.memref_slice %arg12[%rem3A_397, %dma_start3A_456, %dma_start3A_457] : memref<3x128x16xf32, #tpu.memory_space<vmem>> -> memref<1x128x16xf32, #tpu.memory_space<vmem>>
      %dma_start3A_459 = tpu.memref_squeeze %dma_start3A_458 : memref<1x128x16xf32, #tpu.memory_space<vmem>> -> memref<128x16xf32, #tpu.memory_space<vmem>>
      %dma_start3A_460 = arith.constant 0 : i32
      %dma_start3A_461 = tpu.memref_slice %arg10[%min3A_402, %dma_start3A_460] : memref<80x128xi32, #tpu.memory_space<vmem>> -> memref<1x128xi32, #tpu.memory_space<vmem>>
      %dma_start3A_462 = tpu.memref_squeeze %dma_start3A_461 : memref<1x128xi32, #tpu.memory_space<vmem>> -> memref<128xi32, #tpu.memory_space<vmem>>
      %dma_start3A_463 = arith.constant 0 : i32
      %dma_start3A_464 = arith.constant 0 : i32
      %dma_start3A_465 = tpu.memref_slice %arg3[%dma_start3A_463, %dma_start3A_464] : memref<10000x16xf32, #tpu.memory_space<hbm>> -> memref<10000x16xf32, #tpu.memory_space<hbm>>
      %dma_start3A_466 = tpu.memref_slice %arg19[%rem3A_397] : memref<3x!tpu.dma_semaphore, #tpu.memory_space<semaphore_mem>> -> memref<1x!tpu.dma_semaphore, #tpu.memory_space<semaphore_mem>>
      %dma_start3A_467 = tpu.memref_squeeze %dma_start3A_466 : memref<1x!tpu.dma_semaphore, #tpu.memory_space<semaphore_mem>> -> memref<!tpu.dma_semaphore, #tpu.memory_space<semaphore_mem>>
      tpu.enqueue_indirect_dma source(%dma_start3A_465 : memref<10000x16xf32, #tpu.memory_space<hbm>>) target(%dma_start3A_459 : memref<128x16xf32, #tpu.memory_space<vmem>>) offsets(%dma_start3A_462 : memref<128xi32, #tpu.memory_space<vmem>>) semaphore(%dma_start3A_467 : memref<!tpu.dma_semaphore, #tpu.memory_space<semaphore_mem>>)
      %dma_wait3A_468 = arith.constant 0 : i32
      %dma_wait3A_469 = arith.constant 0 : i32
      %dma_wait3A_470 = arith.constant 0 : i32
      %dma_wait3A_471 = arith.constant 0 : i32
      %dma_wait3A_472 = tpu.memref_slice %arg13[%rem3A_393, %dma_wait3A_470, %dma_wait3A_471] : memref<3x16x129xf32, #tpu.memory_space<vmem>> -> memref<1x8x128xf32, #tpu.memory_space<vmem>>
      %dma_wait3A_473 = tpu.memref_squeeze %dma_wait3A_472 : memref<1x8x128xf32, #tpu.memory_space<vmem>> -> memref<8x128xf32, #tpu.memory_space<vmem>>
      %dma_wait3A_474 = arith.constant 0 : i32
      %dma_wait3A_475 = arith.constant 0 : i32
      %dma_wait3A_476 = tpu.memref_slice %arg4[%dma_wait3A_468, %dma_wait3A_469, %dma_wait3A_474, %dma_wait3A_475] : memref<2x2500x8x128xf32, #tpu.memory_space<hbm>> -> memref<1x1x8x128xf32, #tpu.memory_space<hbm>>
      %dma_wait3A_477 = tpu.memref_squeeze %dma_wait3A_476 : memref<1x1x8x128xf32, #tpu.memory_space<hbm>> -> memref<8x128xf32, #tpu.memory_space<hbm>>
      %dma_wait3A_478 = tpu.memref_slice %arg18[%rem3A_393] : memref<3x!tpu.dma_semaphore, #tpu.memory_space<semaphore_mem>> -> memref<1x!tpu.dma_semaphore, #tpu.memory_space<semaphore_mem>>
      %dma_wait3A_479 = tpu.memref_squeeze %dma_wait3A_478 : memref<1x!tpu.dma_semaphore, #tpu.memory_space<semaphore_mem>> -> memref<!tpu.dma_semaphore, #tpu.memory_space<semaphore_mem>>
      %dma_wait3A_480 = arith.constant 0 : i32
      %dma_wait3A_481 = arith.constant 0 : i32
      %dma_wait3A_482 = tpu.memref_slice %arg13[%rem3A_393, %dma_wait3A_480, %dma_wait3A_481] : memref<3x16x129xf32, #tpu.memory_space<vmem>> -> memref<1x8x128xf32, #tpu.memory_space<vmem>>
      %dma_wait3A_483 = tpu.memref_squeeze %dma_wait3A_482 : memref<1x8x128xf32, #tpu.memory_space<vmem>> -> memref<8x128xf32, #tpu.memory_space<vmem>>
      %dma_wait3A_484 = arith.constant 0 : i32
      %dma_wait3A_485 = arith.constant 0 : i32
      %dma_wait3A_486 = tpu.memref_slice %arg4[%dma_wait3A_468, %dma_wait3A_469, %dma_wait3A_484, %dma_wait3A_485] : memref<2x2500x8x128xf32, #tpu.memory_space<hbm>> -> memref<1x1x8x128xf32, #tpu.memory_space<hbm>>
      %dma_wait3A_487 = tpu.memref_squeeze %dma_wait3A_486 : memref<1x1x8x128xf32, #tpu.memory_space<hbm>> -> memref<8x128xf32, #tpu.memory_space<hbm>>
      tpu.wait_dma2 semaphore(%dma_wait3A_479 : memref<!tpu.dma_semaphore, #tpu.memory_space<semaphore_mem>>) src(%dma_wait3A_487 : memref<8x128xf32, #tpu.memory_space<hbm>>) dst(%dma_wait3A_483 : memref<8x128xf32, #tpu.memory_space<vmem>>)
      %dma_wait3A_488 = arith.constant 1 : i32
      %dma_wait3A_489 = arith.constant 0 : i32
      %dma_wait3A_490 = arith.constant 8 : i32
      %dma_wait3A_491 = arith.constant 0 : i32
      %dma_wait3A_492 = tpu.memref_slice %arg13[%rem3A_393, %dma_wait3A_490, %dma_wait3A_491] : memref<3x16x129xf32, #tpu.memory_space<vmem>> -> memref<1x8x128xf32, #tpu.memory_space<vmem>>
      %dma_wait3A_493 = tpu.memref_squeeze %dma_wait3A_492 : memref<1x8x128xf32, #tpu.memory_space<vmem>> -> memref<8x128xf32, #tpu.memory_space<vmem>>
      %dma_wait3A_494 = arith.constant 0 : i32
      %dma_wait3A_495 = arith.constant 0 : i32
      %dma_wait3A_496 = tpu.memref_slice %arg4[%dma_wait3A_488, %dma_wait3A_489, %dma_wait3A_494, %dma_wait3A_495] : memref<2x2500x8x128xf32, #tpu.memory_space<hbm>> -> memref<1x1x8x128xf32, #tpu.memory_space<hbm>>
      %dma_wait3A_497 = tpu.memref_squeeze %dma_wait3A_496 : memref<1x1x8x128xf32, #tpu.memory_space<hbm>> -> memref<8x128xf32, #tpu.memory_space<hbm>>
      %dma_wait3A_498 = tpu.memref_slice %arg18[%rem3A_393] : memref<3x!tpu.dma_semaphore, #tpu.memory_space<semaphore_mem>> -> memref<1x!tpu.dma_semaphore, #tpu.memory_space<semaphore_mem>>
      %dma_wait3A_499 = tpu.memref_squeeze %dma_wait3A_498 : memref<1x!tpu.dma_semaphore, #tpu.memory_space<semaphore_mem>> -> memref<!tpu.dma_semaphore, #tpu.memory_space<semaphore_mem>>
      %dma_wait3A_500 = arith.constant 8 : i32
      %dma_wait3A_501 = arith.constant 0 : i32
      %dma_wait3A_502 = tpu.memref_slice %arg13[%rem3A_393, %dma_wait3A_500, %dma_wait3A_501] : memref<3x16x129xf32, #tpu.memory_space<vmem>> -> memref<1x8x128xf32, #tpu.memory_space<vmem>>
      %dma_wait3A_503 = tpu.memref_squeeze %dma_wait3A_502 : memref<1x8x128xf32, #tpu.memory_space<vmem>> -> memref<8x128xf32, #tpu.memory_space<vmem>>
      %dma_wait3A_504 = arith.constant 0 : i32
      %dma_wait3A_505 = arith.constant 0 : i32
      %dma_wait3A_506 = tpu.memref_slice %arg4[%dma_wait3A_488, %dma_wait3A_489, %dma_wait3A_504, %dma_wait3A_505] : memref<2x2500x8x128xf32, #tpu.memory_space<hbm>> -> memref<1x1x8x128xf32, #tpu.memory_space<hbm>>
      %dma_wait3A_507 = tpu.memref_squeeze %dma_wait3A_506 : memref<1x1x8x128xf32, #tpu.memory_space<hbm>> -> memref<8x128xf32, #tpu.memory_space<hbm>>
      tpu.wait_dma2 semaphore(%dma_wait3A_499 : memref<!tpu.dma_semaphore, #tpu.memory_space<semaphore_mem>>) src(%dma_wait3A_507 : memref<8x128xf32, #tpu.memory_space<hbm>>) dst(%dma_wait3A_503 : memref<8x128xf32, #tpu.memory_space<vmem>>)
      %dma_wait3A_508 = arith.constant 0 : i32
      %dma_wait3A_509 = arith.constant 0 : i32
      %dma_wait3A_510 = arith.constant 0 : i32
      %dma_wait3A_511 = tpu.memref_slice %arg11[%rem3A_393, %dma_wait3A_509, %dma_wait3A_510] : memref<3x128x16xf32, #tpu.memory_space<vmem>> -> memref<1x128x16xf32, #tpu.memory_space<vmem>>
      %dma_wait3A_512 = tpu.memref_squeeze %dma_wait3A_511 : memref<1x128x16xf32, #tpu.memory_space<vmem>> -> memref<128x16xf32, #tpu.memory_space<vmem>>
      %dma_wait3A_513 = arith.constant 0 : i32
      %dma_wait3A_514 = tpu.memref_slice %arg9[%dma_wait3A_508, %dma_wait3A_513] : memref<80x128xi32, #tpu.memory_space<vmem>> -> memref<1x128xi32, #tpu.memory_space<vmem>>
      %dma_wait3A_515 = tpu.memref_squeeze %dma_wait3A_514 : memref<1x128xi32, #tpu.memory_space<vmem>> -> memref<128xi32, #tpu.memory_space<vmem>>
      %dma_wait3A_516 = arith.constant 0 : i32
      %dma_wait3A_517 = arith.constant 0 : i32
      %dma_wait3A_518 = tpu.memref_slice %arg2[%dma_wait3A_516, %dma_wait3A_517] : memref<10000x16xf32, #tpu.memory_space<hbm>> -> memref<10000x16xf32, #tpu.memory_space<hbm>>
      %dma_wait3A_519 = tpu.memref_slice %arg19[%rem3A_393] : memref<3x!tpu.dma_semaphore, #tpu.memory_space<semaphore_mem>> -> memref<1x!tpu.dma_semaphore, #tpu.memory_space<semaphore_mem>>
      %dma_wait3A_520 = tpu.memref_squeeze %dma_wait3A_519 : memref<1x!tpu.dma_semaphore, #tpu.memory_space<semaphore_mem>> -> memref<!tpu.dma_semaphore, #tpu.memory_space<semaphore_mem>>
      tpu.wait_indirect_dma semaphore(%dma_wait3A_520 : memref<!tpu.dma_semaphore, #tpu.memory_space<semaphore_mem>>) src(%dma_wait3A_518 : memref<10000x16xf32, #tpu.memory_space<hbm>>) dst(%dma_wait3A_512 : memref<128x16xf32, #tpu.memory_space<vmem>>)
      %dma_wait3A_521 = arith.constant 0 : i32
      %dma_wait3A_522 = arith.constant 0 : i32
      %dma_wait3A_523 = arith.constant 0 : i32
      %dma_wait3A_524 = tpu.memref_slice %arg12[%rem3A_393, %dma_wait3A_522, %dma_wait3A_523] : memref<3x128x16xf32, #tpu.memory_space<vmem>> -> memref<1x128x16xf32, #tpu.memory_space<vmem>>
      %dma_wait3A_525 = tpu.memref_squeeze %dma_wait3A_524 : memref<1x128x16xf32, #tpu.memory_space<vmem>> -> memref<128x16xf32, #tpu.memory_space<vmem>>
      %dma_wait3A_526 = arith.constant 0 : i32
      %dma_wait3A_527 = tpu.memref_slice %arg10[%dma_wait3A_521, %dma_wait3A_526] : memref<80x128xi32, #tpu.memory_space<vmem>> -> memref<1x128xi32, #tpu.memory_space<vmem>>
      %dma_wait3A_528 = tpu.memref_squeeze %dma_wait3A_527 : memref<1x128xi32, #tpu.memory_space<vmem>> -> memref<128xi32, #tpu.memory_space<vmem>>
      %dma_wait3A_529 = arith.constant 0 : i32
      %dma_wait3A_530 = arith.constant 0 : i32
      %dma_wait3A_531 = tpu.memref_slice %arg3[%dma_wait3A_529, %dma_wait3A_530] : memref<10000x16xf32, #tpu.memory_space<hbm>> -> memref<10000x16xf32, #tpu.memory_space<hbm>>
      %dma_wait3A_532 = tpu.memref_slice %arg19[%rem3A_393] : memref<3x!tpu.dma_semaphore, #tpu.memory_space<semaphore_mem>> -> memref<1x!tpu.dma_semaphore, #tpu.memory_space<semaphore_mem>>
      %dma_wait3A_533 = tpu.memref_squeeze %dma_wait3A_532 : memref<1x!tpu.dma_semaphore, #tpu.memory_space<semaphore_mem>> -> memref<!tpu.dma_semaphore, #tpu.memory_space<semaphore_mem>>
      tpu.wait_indirect_dma semaphore(%dma_wait3A_533 : memref<!tpu.dma_semaphore, #tpu.memory_space<semaphore_mem>>) src(%dma_wait3A_531 : memref<10000x16xf32, #tpu.memory_space<hbm>>) dst(%dma_wait3A_525 : memref<128x16xf32, #tpu.memory_space<vmem>>)
      %scan3A_534 = arith.constant 0 : i32
      %scan3A_535 = arith.constant 0 : i32
      %scan3A_536 = arith.constant 16 : i32
      %scan3A_537 = arith.addi %scan3A_535, %scan3A_536 : i32
      %scan3A_538 = arith.constant 1 : i32
      %scan3A_539 = scf.for %scan3A_605 = %scan3A_535 to %scan3A_537 step %scan3A_538 iter_args(%scan3A_606 = %scan3A_534) -> (i32)  : i32 {
        %mul3A_607 = arith.constant 8 : i32
        %mul3A_608 = arith.muli %scan3A_605, %mul3A_607 : i32
        %add3A_609 = arith.constant 0 : i32
        %add3A_610 = arith.addi %mul3A_608, %add3A_609 : i32
        %broadcast_in_dim3A = vector.broadcast %add3A_610 : i32 to vector<16xi32>
        %gather3A = arith.constant 0 : i32
        %gather3A_611 = arith.constant 0 : i32
        %gather3A_612 = tpu.memref_slice %arg13[%rem3A_393, %gather3A, %gather3A_611] : memref<3x16x129xf32, #tpu.memory_space<vmem>> -> memref<1x16x129xf32, #tpu.memory_space<vmem>>
        %gather3A_613 = tpu.memref_squeeze %gather3A_612 : memref<1x16x129xf32, #tpu.memory_space<vmem>> -> memref<16x129xf32, #tpu.memory_space<vmem>>
        %gather3A_614 = tpu.vector_load_idx %gather3A_613[%iota3A, %broadcast_in_dim3A] : memref<16x129xf32, #tpu.memory_space<vmem>>[vector<16xi32>, vector<16xi32>], vector<16xf32>,
        %get3A = arith.index_cast %rem3A_393 : i32 to index
        %get3A_615 = arith.index_cast %add3A_610 : i32 to index
        %get3A_616 = arith.constant 0 : index
        %get3A_617 = tpu.vector_load %arg11[%get3A, %get3A_615, %get3A_616] {strides = array<i32>} : memref<3x128x16xf32, #tpu.memory_space<vmem>>, vector<16xf32>,
        %add3A_618 = arith.addf %gather3A_614, %get3A_617 : vector<16xf32>
        %get3A_619 = arith.index_cast %rem3A_393 : i32 to index
        %get3A_620 = arith.index_cast %add3A_610 : i32 to index
        %get3A_621 = arith.constant 0 : index
        %get3A_622 = tpu.vector_load %arg12[%get3A_619, %get3A_620, %get3A_621] {strides = array<i32>} : memref<3x128x16xf32, #tpu.memory_space<vmem>>, vector<16xf32>,
        %add3A_623 = arith.addf %add3A_618, %get3A_622 : vector<16xf32>
        %max3A_624 = arith.constant 0.000000e+00 : f32
        %max3A_625 = vector.broadcast %max3A_624 : f32 to vector<16xf32>
        %max3A_626 = arith.maximumf %add3A_623, %max3A_625 : vector<16xf32>
        %scatter3A = arith.constant 0 : i32
        %scatter3A_627 = arith.constant 0 : i32
        %scatter3A_628 = tpu.memref_slice %arg13[%rem3A_393, %scatter3A, %scatter3A_627] : memref<3x16x129xf32, #tpu.memory_space<vmem>> -> memref<1x16x129xf32, #tpu.memory_space<vmem>>
        %scatter3A_629 = tpu.memref_squeeze %scatter3A_628 : memref<1x16x129xf32, #tpu.memory_space<vmem>> -> memref<16x129xf32, #tpu.memory_space<vmem>>
        tpu.vector_store_idx %scatter3A_629[%iota3A, %broadcast_in_dim3A], %max3A_626 : memref<16x129xf32, #tpu.memory_space<vmem>>[vector<16xi32>, vector<16xi32>], vector<16xf32>,
        %swap3A = arith.index_cast %rem3A_393 : i32 to index
        %swap3A_630 = arith.index_cast %add3A_610 : i32 to index
        %swap3A_631 = arith.constant 0 : index
        %swap3A_632 = tpu.vector_load %arg14[%swap3A, %swap3A_630, %swap3A_631] {strides = array<i32>} : memref<3x128x16xf32, #tpu.memory_space<vmem>>, vector<16xf32>,
        tpu.vector_store %arg14[%swap3A, %swap3A_630, %swap3A_631], %max3A_626 {strides = array<i32>} : memref<3x128x16xf32, #tpu.memory_space<vmem>>, vector<16xf32>,
        %mul3A_633 = arith.constant 8 : i32
        %mul3A_634 = arith.muli %scan3A_605, %mul3A_633 : i32
        %add3A_635 = arith.constant 1 : i32
        %add3A_636 = arith.addi %mul3A_634, %add3A_635 : i32
        %broadcast_in_dim3A_637 = vector.broadcast %add3A_636 : i32 to vector<16xi32>
        %gather3A_638 = arith.constant 0 : i32
        %gather3A_639 = arith.constant 0 : i32
        %gather3A_640 = tpu.memref_slice %arg13[%rem3A_393, %gather3A_638, %gather3A_639] : memref<3x16x129xf32, #tpu.memory_space<vmem>> -> memref<1x16x129xf32, #tpu.memory_space<vmem>>
        %gather3A_641 = tpu.memref_squeeze %gather3A_640 : memref<1x16x129xf32, #tpu.memory_space<vmem>> -> memref<16x129xf32, #tpu.memory_space<vmem>>
        %gather3A_642 = tpu.vector_load_idx %gather3A_641[%iota3A, %broadcast_in_dim3A_637] : memref<16x129xf32, #tpu.memory_space<vmem>>[vector<16xi32>, vector<16xi32>], vector<16xf32>,
        %get3A_643 = arith.index_cast %rem3A_393 : i32 to index
        %get3A_644 = arith.index_cast %add3A_636 : i32 to index
        %get3A_645 = arith.constant 0 : index
        %get3A_646 = tpu.vector_load %arg11[%get3A_643, %get3A_644, %get3A_645] {strides = array<i32>} : memref<3x128x16xf32, #tpu.memory_space<vmem>>, vector<16xf32>,
        %add3A_647 = arith.addf %gather3A_642, %get3A_646 : vector<16xf32>
        %get3A_648 = arith.index_cast %rem3A_393 : i32 to index
        %get3A_649 = arith.index_cast %add3A_636 : i32 to index
        %get3A_650 = arith.constant 0 : index
        %get3A_651 = tpu.vector_load %arg12[%get3A_648, %get3A_649, %get3A_650] {strides = array<i32>} : memref<3x128x16xf32, #tpu.memory_space<vmem>>, vector<16xf32>,
        %add3A_652 = arith.addf %add3A_647, %get3A_651 : vector<16xf32>
        %max3A_653 = arith.constant 0.000000e+00 : f32
        %max3A_654 = vector.broadcast %max3A_653 : f32 to vector<16xf32>
        %max3A_655 = arith.maximumf %add3A_652, %max3A_654 : vector<16xf32>
        %scatter3A_656 = arith.constant 0 : i32
        %scatter3A_657 = arith.constant 0 : i32
        %scatter3A_658 = tpu.memref_slice %arg13[%rem3A_393, %scatter3A_656, %scatter3A_657] : memref<3x16x129xf32, #tpu.memory_space<vmem>> -> memref<1x16x129xf32, #tpu.memory_space<vmem>>
        %scatter3A_659 = tpu.memref_squeeze %scatter3A_658 : memref<1x16x129xf32, #tpu.memory_space<vmem>> -> memref<16x129xf32, #tpu.memory_space<vmem>>
        tpu.vector_store_idx %scatter3A_659[%iota3A, %broadcast_in_dim3A_637], %max3A_655 : memref<16x129xf32, #tpu.memory_space<vmem>>[vector<16xi32>, vector<16xi32>], vector<16xf32>,
        %swap3A_660 = arith.index_cast %rem3A_393 : i32 to index
        %swap3A_661 = arith.index_cast %add3A_636 : i32 to index
        %swap3A_662 = arith.constant 0 : index
        %swap3A_663 = tpu.vector_load %arg14[%swap3A_660, %swap3A_661, %swap3A_662] {strides = array<i32>} : memref<3x128x16xf32, #tpu.memory_space<vmem>>, vector<16xf32>,
        tpu.vector_store %arg14[%swap3A_660, %swap3A_661, %swap3A_662], %max3A_655 {strides = array<i32>} : memref<3x128x16xf32, #tpu.memory_space<vmem>>, vector<16xf32>,
        %mul3A_664 = arith.constant 8 : i32
        %mul3A_665 = arith.muli %scan3A_605, %mul3A_664 : i32
        %add3A_666 = arith.constant 2 : i32
        %add3A_667 = arith.addi %mul3A_665, %add3A_666 : i32
        %broadcast_in_dim3A_668 = vector.broadcast %add3A_667 : i32 to vector<16xi32>
        %gather3A_669 = arith.constant 0 : i32
        %gather3A_670 = arith.constant 0 : i32
        %gather3A_671 = tpu.memref_slice %arg13[%rem3A_393, %gather3A_669, %gather3A_670] : memref<3x16x129xf32, #tpu.memory_space<vmem>> -> memref<1x16x129xf32, #tpu.memory_space<vmem>>
        %gather3A_672 = tpu.memref_squeeze %gather3A_671 : memref<1x16x129xf32, #tpu.memory_space<vmem>> -> memref<16x129xf32, #tpu.memory_space<vmem>>
        %gather3A_673 = tpu.vector_load_idx %gather3A_672[%iota3A, %broadcast_in_dim3A_668] : memref<16x129xf32, #tpu.memory_space<vmem>>[vector<16xi32>, vector<16xi32>], vector<16xf32>,
        %get3A_674 = arith.index_cast %rem3A_393 : i32 to index
        %get3A_675 = arith.index_cast %add3A_667 : i32 to index
        %get3A_676 = arith.constant 0 : index
        %get3A_677 = tpu.vector_load %arg11[%get3A_674, %get3A_675, %get3A_676] {strides = array<i32>} : memref<3x128x16xf32, #tpu.memory_space<vmem>>, vector<16xf32>,
        %add3A_678 = arith.addf %gather3A_673, %get3A_677 : vector<16xf32>
        %get3A_679 = arith.index_cast %rem3A_393 : i32 to index
        %get3A_680 = arith.index_cast %add3A_667 : i32 to index
        %get3A_681 = arith.constant 0 : index
        %get3A_682 = tpu.vector_load %arg12[%get3A_679, %get3A_680, %get3A_681] {strides = array<i32>} : memref<3x128x16xf32, #tpu.memory_space<vmem>>, vector<16xf32>,
        %add3A_683 = arith.addf %add3A_678, %get3A_682 : vector<16xf32>
        %max3A_684 = arith.constant 0.000000e+00 : f32
        %max3A_685 = vector.broadcast %max3A_684 : f32 to vector<16xf32>
        %max3A_686 = arith.maximumf %add3A_683, %max3A_685 : vector<16xf32>
        %scatter3A_687 = arith.constant 0 : i32
        %scatter3A_688 = arith.constant 0 : i32
        %scatter3A_689 = tpu.memref_slice %arg13[%rem3A_393, %scatter3A_687, %scatter3A_688] : memref<3x16x129xf32, #tpu.memory_space<vmem>> -> memref<1x16x129xf32, #tpu.memory_space<vmem>>
        %scatter3A_690 = tpu.memref_squeeze %scatter3A_689 : memref<1x16x129xf32, #tpu.memory_space<vmem>> -> memref<16x129xf32, #tpu.memory_space<vmem>>
        tpu.vector_store_idx %scatter3A_690[%iota3A, %broadcast_in_dim3A_668], %max3A_686 : memref<16x129xf32, #tpu.memory_space<vmem>>[vector<16xi32>, vector<16xi32>], vector<16xf32>,
        %swap3A_691 = arith.index_cast %rem3A_393 : i32 to index
        %swap3A_692 = arith.index_cast %add3A_667 : i32 to index
        %swap3A_693 = arith.constant 0 : index
        %swap3A_694 = tpu.vector_load %arg14[%swap3A_691, %swap3A_692, %swap3A_693] {strides = array<i32>} : memref<3x128x16xf32, #tpu.memory_space<vmem>>, vector<16xf32>,
        tpu.vector_store %arg14[%swap3A_691, %swap3A_692, %swap3A_693], %max3A_686 {strides = array<i32>} : memref<3x128x16xf32, #tpu.memory_space<vmem>>, vector<16xf32>,
        %mul3A_695 = arith.constant 8 : i32
        %mul3A_696 = arith.muli %scan3A_605, %mul3A_695 : i32
        %add3A_697 = arith.constant 3 : i32
        %add3A_698 = arith.addi %mul3A_696, %add3A_697 : i32
        %broadcast_in_dim3A_699 = vector.broadcast %add3A_698 : i32 to vector<16xi32>
        %gather3A_700 = arith.constant 0 : i32
        %gather3A_701 = arith.constant 0 : i32
        %gather3A_702 = tpu.memref_slice %arg13[%rem3A_393, %gather3A_700, %gather3A_701] : memref<3x16x129xf32, #tpu.memory_space<vmem>> -> memref<1x16x129xf32, #tpu.memory_space<vmem>>
        %gather3A_703 = tpu.memref_squeeze %gather3A_702 : memref<1x16x129xf32, #tpu.memory_space<vmem>> -> memref<16x129xf32, #tpu.memory_space<vmem>>
        %gather3A_704 = tpu.vector_load_idx %gather3A_703[%iota3A, %broadcast_in_dim3A_699] : memref<16x129xf32, #tpu.memory_space<vmem>>[vector<16xi32>, vector<16xi32>], vector<16xf32>,
        %get3A_705 = arith.index_cast %rem3A_393 : i32 to index
        %get3A_706 = arith.index_cast %add3A_698 : i32 to index
        %get3A_707 = arith.constant 0 : index
        %get3A_708 = tpu.vector_load %arg11[%get3A_705, %get3A_706, %get3A_707] {strides = array<i32>} : memref<3x128x16xf32, #tpu.memory_space<vmem>>, vector<16xf32>,
        %add3A_709 = arith.addf %gather3A_704, %get3A_708 : vector<16xf32>
        %get3A_710 = arith.index_cast %rem3A_393 : i32 to index
        %get3A_711 = arith.index_cast %add3A_698 : i32 to index
        %get3A_712 = arith.constant 0 : index
        %get3A_713 = tpu.vector_load %arg12[%get3A_710, %get3A_711, %get3A_712] {strides = array<i32>} : memref<3x128x16xf32, #tpu.memory_space<vmem>>, vector<16xf32>,
        %add3A_714 = arith.addf %add3A_709, %get3A_713 : vector<16xf32>
        %max3A_715 = arith.constant 0.000000e+00 : f32
        %max3A_716 = vector.broadcast %max3A_715 : f32 to vector<16xf32>
        %max3A_717 = arith.maximumf %add3A_714, %max3A_716 : vector<16xf32>
        %scatter3A_718 = arith.constant 0 : i32
        %scatter3A_719 = arith.constant 0 : i32
        %scatter3A_720 = tpu.memref_slice %arg13[%rem3A_393, %scatter3A_718, %scatter3A_719] : memref<3x16x129xf32, #tpu.memory_space<vmem>> -> memref<1x16x129xf32, #tpu.memory_space<vmem>>
        %scatter3A_721 = tpu.memref_squeeze %scatter3A_720 : memref<1x16x129xf32, #tpu.memory_space<vmem>> -> memref<16x129xf32, #tpu.memory_space<vmem>>
        tpu.vector_store_idx %scatter3A_721[%iota3A, %broadcast_in_dim3A_699], %max3A_717 : memref<16x129xf32, #tpu.memory_space<vmem>>[vector<16xi32>, vector<16xi32>], vector<16xf32>,
        %swap3A_722 = arith.index_cast %rem3A_393 : i32 to index
        %swap3A_723 = arith.index_cast %add3A_698 : i32 to index
        %swap3A_724 = arith.constant 0 : index
        %swap3A_725 = tpu.vector_load %arg14[%swap3A_722, %swap3A_723, %swap3A_724] {strides = array<i32>} : memref<3x128x16xf32, #tpu.memory_space<vmem>>, vector<16xf32>,
        tpu.vector_store %arg14[%swap3A_722, %swap3A_723, %swap3A_724], %max3A_717 {strides = array<i32>} : memref<3x128x16xf32, #tpu.memory_space<vmem>>, vector<16xf32>,
        %mul3A_726 = arith.constant 8 : i32
        %mul3A_727 = arith.muli %scan3A_605, %mul3A_726 : i32
        %add3A_728 = arith.constant 4 : i32
        %add3A_729 = arith.addi %mul3A_727, %add3A_728 : i32
        %broadcast_in_dim3A_730 = vector.broadcast %add3A_729 : i32 to vector<16xi32>
        %gather3A_731 = arith.constant 0 : i32
        %gather3A_732 = arith.constant 0 : i32
        %gather3A_733 = tpu.memref_slice %arg13[%rem3A_393, %gather3A_731, %gather3A_732] : memref<3x16x129xf32, #tpu.memory_space<vmem>> -> memref<1x16x129xf32, #tpu.memory_space<vmem>>
        %gather3A_734 = tpu.memref_squeeze %gather3A_733 : memref<1x16x129xf32, #tpu.memory_space<vmem>> -> memref<16x129xf32, #tpu.memory_space<vmem>>
        %gather3A_735 = tpu.vector_load_idx %gather3A_734[%iota3A, %broadcast_in_dim3A_730] : memref<16x129xf32, #tpu.memory_space<vmem>>[vector<16xi32>, vector<16xi32>], vector<16xf32>,
        %get3A_736 = arith.index_cast %rem3A_393 : i32 to index
        %get3A_737 = arith.index_cast %add3A_729 : i32 to index
        %get3A_738 = arith.constant 0 : index
        %get3A_739 = tpu.vector_load %arg11[%get3A_736, %get3A_737, %get3A_738] {strides = array<i32>} : memref<3x128x16xf32, #tpu.memory_space<vmem>>, vector<16xf32>,
        %add3A_740 = arith.addf %gather3A_735, %get3A_739 : vector<16xf32>
        %get3A_741 = arith.index_cast %rem3A_393 : i32 to index
        %get3A_742 = arith.index_cast %add3A_729 : i32 to index
        %get3A_743 = arith.constant 0 : index
        %get3A_744 = tpu.vector_load %arg12[%get3A_741, %get3A_742, %get3A_743] {strides = array<i32>} : memref<3x128x16xf32, #tpu.memory_space<vmem>>, vector<16xf32>,
        %add3A_745 = arith.addf %add3A_740, %get3A_744 : vector<16xf32>
        %max3A_746 = arith.constant 0.000000e+00 : f32
        %max3A_747 = vector.broadcast %max3A_746 : f32 to vector<16xf32>
        %max3A_748 = arith.maximumf %add3A_745, %max3A_747 : vector<16xf32>
        %scatter3A_749 = arith.constant 0 : i32
        %scatter3A_750 = arith.constant 0 : i32
        %scatter3A_751 = tpu.memref_slice %arg13[%rem3A_393, %scatter3A_749, %scatter3A_750] : memref<3x16x129xf32, #tpu.memory_space<vmem>> -> memref<1x16x129xf32, #tpu.memory_space<vmem>>
        %scatter3A_752 = tpu.memref_squeeze %scatter3A_751 : memref<1x16x129xf32, #tpu.memory_space<vmem>> -> memref<16x129xf32, #tpu.memory_space<vmem>>
        tpu.vector_store_idx %scatter3A_752[%iota3A, %broadcast_in_dim3A_730], %max3A_748 : memref<16x129xf32, #tpu.memory_space<vmem>>[vector<16xi32>, vector<16xi32>], vector<16xf32>,
        %swap3A_753 = arith.index_cast %rem3A_393 : i32 to index
        %swap3A_754 = arith.index_cast %add3A_729 : i32 to index
        %swap3A_755 = arith.constant 0 : index
        %swap3A_756 = tpu.vector_load %arg14[%swap3A_753, %swap3A_754, %swap3A_755] {strides = array<i32>} : memref<3x128x16xf32, #tpu.memory_space<vmem>>, vector<16xf32>,
        tpu.vector_store %arg14[%swap3A_753, %swap3A_754, %swap3A_755], %max3A_748 {strides = array<i32>} : memref<3x128x16xf32, #tpu.memory_space<vmem>>, vector<16xf32>,
        %mul3A_757 = arith.constant 8 : i32
        %mul3A_758 = arith.muli %scan3A_605, %mul3A_757 : i32
        %add3A_759 = arith.constant 5 : i32
        %add3A_760 = arith.addi %mul3A_758, %add3A_759 : i32
        %broadcast_in_dim3A_761 = vector.broadcast %add3A_760 : i32 to vector<16xi32>
        %gather3A_762 = arith.constant 0 : i32
        %gather3A_763 = arith.constant 0 : i32
        %gather3A_764 = tpu.memref_slice %arg13[%rem3A_393, %gather3A_762, %gather3A_763] : memref<3x16x129xf32, #tpu.memory_space<vmem>> -> memref<1x16x129xf32, #tpu.memory_space<vmem>>
        %gather3A_765 = tpu.memref_squeeze %gather3A_764 : memref<1x16x129xf32, #tpu.memory_space<vmem>> -> memref<16x129xf32, #tpu.memory_space<vmem>>
        %gather3A_766 = tpu.vector_load_idx %gather3A_765[%iota3A, %broadcast_in_dim3A_761] : memref<16x129xf32, #tpu.memory_space<vmem>>[vector<16xi32>, vector<16xi32>], vector<16xf32>,
        %get3A_767 = arith.index_cast %rem3A_393 : i32 to index
        %get3A_768 = arith.index_cast %add3A_760 : i32 to index
        %get3A_769 = arith.constant 0 : index
        %get3A_770 = tpu.vector_load %arg11[%get3A_767, %get3A_768, %get3A_769] {strides = array<i32>} : memref<3x128x16xf32, #tpu.memory_space<vmem>>, vector<16xf32>,
        %add3A_771 = arith.addf %gather3A_766, %get3A_770 : vector<16xf32>
        %get3A_772 = arith.index_cast %rem3A_393 : i32 to index
        %get3A_773 = arith.index_cast %add3A_760 : i32 to index
        %get3A_774 = arith.constant 0 : index
        %get3A_775 = tpu.vector_load %arg12[%get3A_772, %get3A_773, %get3A_774] {strides = array<i32>} : memref<3x128x16xf32, #tpu.memory_space<vmem>>, vector<16xf32>,
        %add3A_776 = arith.addf %add3A_771, %get3A_775 : vector<16xf32>
        %max3A_777 = arith.constant 0.000000e+00 : f32
        %max3A_778 = vector.broadcast %max3A_777 : f32 to vector<16xf32>
        %max3A_779 = arith.maximumf %add3A_776, %max3A_778 : vector<16xf32>
        %scatter3A_780 = arith.constant 0 : i32
        %scatter3A_781 = arith.constant 0 : i32
        %scatter3A_782 = tpu.memref_slice %arg13[%rem3A_393, %scatter3A_780, %scatter3A_781] : memref<3x16x129xf32, #tpu.memory_space<vmem>> -> memref<1x16x129xf32, #tpu.memory_space<vmem>>
        %scatter3A_783 = tpu.memref_squeeze %scatter3A_782 : memref<1x16x129xf32, #tpu.memory_space<vmem>> -> memref<16x129xf32, #tpu.memory_space<vmem>>
        tpu.vector_store_idx %scatter3A_783[%iota3A, %broadcast_in_dim3A_761], %max3A_779 : memref<16x129xf32, #tpu.memory_space<vmem>>[vector<16xi32>, vector<16xi32>], vector<16xf32>,
        %swap3A_784 = arith.index_cast %rem3A_393 : i32 to index
        %swap3A_785 = arith.index_cast %add3A_760 : i32 to index
        %swap3A_786 = arith.constant 0 : index
        %swap3A_787 = tpu.vector_load %arg14[%swap3A_784, %swap3A_785, %swap3A_786] {strides = array<i32>} : memref<3x128x16xf32, #tpu.memory_space<vmem>>, vector<16xf32>,
        tpu.vector_store %arg14[%swap3A_784, %swap3A_785, %swap3A_786], %max3A_779 {strides = array<i32>} : memref<3x128x16xf32, #tpu.memory_space<vmem>>, vector<16xf32>,
        %mul3A_788 = arith.constant 8 : i32
        %mul3A_789 = arith.muli %scan3A_605, %mul3A_788 : i32
        %add3A_790 = arith.constant 6 : i32
        %add3A_791 = arith.addi %mul3A_789, %add3A_790 : i32
        %broadcast_in_dim3A_792 = vector.broadcast %add3A_791 : i32 to vector<16xi32>
        %gather3A_793 = arith.constant 0 : i32
        %gather3A_794 = arith.constant 0 : i32
        %gather3A_795 = tpu.memref_slice %arg13[%rem3A_393, %gather3A_793, %gather3A_794] : memref<3x16x129xf32, #tpu.memory_space<vmem>> -> memref<1x16x129xf32, #tpu.memory_space<vmem>>
        %gather3A_796 = tpu.memref_squeeze %gather3A_795 : memref<1x16x129xf32, #tpu.memory_space<vmem>> -> memref<16x129xf32, #tpu.memory_space<vmem>>
        %gather3A_797 = tpu.vector_load_idx %gather3A_796[%iota3A, %broadcast_in_dim3A_792] : memref<16x129xf32, #tpu.memory_space<vmem>>[vector<16xi32>, vector<16xi32>], vector<16xf32>,
        %get3A_798 = arith.index_cast %rem3A_393 : i32 to index
        %get3A_799 = arith.index_cast %add3A_791 : i32 to index
        %get3A_800 = arith.constant 0 : index
        %get3A_801 = tpu.vector_load %arg11[%get3A_798, %get3A_799, %get3A_800] {strides = array<i32>} : memref<3x128x16xf32, #tpu.memory_space<vmem>>, vector<16xf32>,
        %add3A_802 = arith.addf %gather3A_797, %get3A_801 : vector<16xf32>
        %get3A_803 = arith.index_cast %rem3A_393 : i32 to index
        %get3A_804 = arith.index_cast %add3A_791 : i32 to index
        %get3A_805 = arith.constant 0 : index
        %get3A_806 = tpu.vector_load %arg12[%get3A_803, %get3A_804, %get3A_805] {strides = array<i32>} : memref<3x128x16xf32, #tpu.memory_space<vmem>>, vector<16xf32>,
        %add3A_807 = arith.addf %add3A_802, %get3A_806 : vector<16xf32>
        %max3A_808 = arith.constant 0.000000e+00 : f32
        %max3A_809 = vector.broadcast %max3A_808 : f32 to vector<16xf32>
        %max3A_810 = arith.maximumf %add3A_807, %max3A_809 : vector<16xf32>
        %scatter3A_811 = arith.constant 0 : i32
        %scatter3A_812 = arith.constant 0 : i32
        %scatter3A_813 = tpu.memref_slice %arg13[%rem3A_393, %scatter3A_811, %scatter3A_812] : memref<3x16x129xf32, #tpu.memory_space<vmem>> -> memref<1x16x129xf32, #tpu.memory_space<vmem>>
        %scatter3A_814 = tpu.memref_squeeze %scatter3A_813 : memref<1x16x129xf32, #tpu.memory_space<vmem>> -> memref<16x129xf32, #tpu.memory_space<vmem>>
        tpu.vector_store_idx %scatter3A_814[%iota3A, %broadcast_in_dim3A_792], %max3A_810 : memref<16x129xf32, #tpu.memory_space<vmem>>[vector<16xi32>, vector<16xi32>], vector<16xf32>,
        %swap3A_815 = arith.index_cast %rem3A_393 : i32 to index
        %swap3A_816 = arith.index_cast %add3A_791 : i32 to index
        %swap3A_817 = arith.constant 0 : index
        %swap3A_818 = tpu.vector_load %arg14[%swap3A_815, %swap3A_816, %swap3A_817] {strides = array<i32>} : memref<3x128x16xf32, #tpu.memory_space<vmem>>, vector<16xf32>,
        tpu.vector_store %arg14[%swap3A_815, %swap3A_816, %swap3A_817], %max3A_810 {strides = array<i32>} : memref<3x128x16xf32, #tpu.memory_space<vmem>>, vector<16xf32>,
        %mul3A_819 = arith.constant 8 : i32
        %mul3A_820 = arith.muli %scan3A_605, %mul3A_819 : i32
        %add3A_821 = arith.constant 7 : i32
        %add3A_822 = arith.addi %mul3A_820, %add3A_821 : i32
        %broadcast_in_dim3A_823 = vector.broadcast %add3A_822 : i32 to vector<16xi32>
        %gather3A_824 = arith.constant 0 : i32
        %gather3A_825 = arith.constant 0 : i32
        %gather3A_826 = tpu.memref_slice %arg13[%rem3A_393, %gather3A_824, %gather3A_825] : memref<3x16x129xf32, #tpu.memory_space<vmem>> -> memref<1x16x129xf32, #tpu.memory_space<vmem>>
        %gather3A_827 = tpu.memref_squeeze %gather3A_826 : memref<1x16x129xf32, #tpu.memory_space<vmem>> -> memref<16x129xf32, #tpu.memory_space<vmem>>
        %gather3A_828 = tpu.vector_load_idx %gather3A_827[%iota3A, %broadcast_in_dim3A_823] : memref<16x129xf32, #tpu.memory_space<vmem>>[vector<16xi32>, vector<16xi32>], vector<16xf32>,
        %get3A_829 = arith.index_cast %rem3A_393 : i32 to index
        %get3A_830 = arith.index_cast %add3A_822 : i32 to index
        %get3A_831 = arith.constant 0 : index
        %get3A_832 = tpu.vector_load %arg11[%get3A_829, %get3A_830, %get3A_831] {strides = array<i32>} : memref<3x128x16xf32, #tpu.memory_space<vmem>>, vector<16xf32>,
        %add3A_833 = arith.addf %gather3A_828, %get3A_832 : vector<16xf32>
        %get3A_834 = arith.index_cast %rem3A_393 : i32 to index
        %get3A_835 = arith.index_cast %add3A_822 : i32 to index
        %get3A_836 = arith.constant 0 : index
        %get3A_837 = tpu.vector_load %arg12[%get3A_834, %get3A_835, %get3A_836] {strides = array<i32>} : memref<3x128x16xf32, #tpu.memory_space<vmem>>, vector<16xf32>,
        %add3A_838 = arith.addf %add3A_833, %get3A_837 : vector<16xf32>
        %max3A_839 = arith.constant 0.000000e+00 : f32
        %max3A_840 = vector.broadcast %max3A_839 : f32 to vector<16xf32>
        %max3A_841 = arith.maximumf %add3A_838, %max3A_840 : vector<16xf32>
        %scatter3A_842 = arith.constant 0 : i32
        %scatter3A_843 = arith.constant 0 : i32
        %scatter3A_844 = tpu.memref_slice %arg13[%rem3A_393, %scatter3A_842, %scatter3A_843] : memref<3x16x129xf32, #tpu.memory_space<vmem>> -> memref<1x16x129xf32, #tpu.memory_space<vmem>>
        %scatter3A_845 = tpu.memref_squeeze %scatter3A_844 : memref<1x16x129xf32, #tpu.memory_space<vmem>> -> memref<16x129xf32, #tpu.memory_space<vmem>>
        tpu.vector_store_idx %scatter3A_845[%iota3A, %broadcast_in_dim3A_823], %max3A_841 : memref<16x129xf32, #tpu.memory_space<vmem>>[vector<16xi32>, vector<16xi32>], vector<16xf32>,
        %swap3A_846 = arith.index_cast %rem3A_393 : i32 to index
        %swap3A_847 = arith.index_cast %add3A_822 : i32 to index
        %swap3A_848 = arith.constant 0 : index
        %swap3A_849 = tpu.vector_load %arg14[%swap3A_846, %swap3A_847, %swap3A_848] {strides = array<i32>} : memref<3x128x16xf32, #tpu.memory_space<vmem>>, vector<16xf32>,
        tpu.vector_store %arg14[%swap3A_846, %swap3A_847, %swap3A_848], %max3A_841 {strides = array<i32>} : memref<3x128x16xf32, #tpu.memory_space<vmem>>, vector<16xf32>,
        %scan3A_850 = arith.constant 0 : i32
        scf.yield %scan3A_850 : i32
      }
      %scan3A_540 = arith.constant 16 : i32
      %add3A_541 = arith.addi %mul3A_2, %while3A_390 : i32
      %dma_start3A_542 = arith.constant 0 : i32
      %dma_start3A_543 = arith.constant 0 : i32
      %dma_start3A_544 = arith.constant 0 : i32
      %dma_start3A_545 = tpu.memref_slice %arg13[%rem3A_393, %dma_start3A_543, %dma_start3A_544] : memref<3x16x129xf32, #tpu.memory_space<vmem>> -> memref<1x8x128xf32, #tpu.memory_space<vmem>>
      %dma_start3A_546 = tpu.memref_squeeze %dma_start3A_545 : memref<1x8x128xf32, #tpu.memory_space<vmem>> -> memref<8x128xf32, #tpu.memory_space<vmem>>
      %dma_start3A_547 = arith.constant 0 : i32
      %dma_start3A_548 = arith.constant 0 : i32
      %dma_start3A_549 = tpu.memref_slice %arg6[%dma_start3A_542, %add3A_541, %dma_start3A_547, %dma_start3A_548] : memref<2x2500x8x128xf32, #tpu.memory_space<hbm>> -> memref<1x1x8x128xf32, #tpu.memory_space<hbm>>
      %dma_start3A_550 = tpu.memref_squeeze %dma_start3A_549 : memref<1x1x8x128xf32, #tpu.memory_space<hbm>> -> memref<8x128xf32, #tpu.memory_space<hbm>>
      %dma_start3A_551 = tpu.memref_slice %arg20[%rem3A_393] : memref<3x!tpu.dma_semaphore, #tpu.memory_space<semaphore_mem>> -> memref<1x!tpu.dma_semaphore, #tpu.memory_space<semaphore_mem>>
      %dma_start3A_552 = tpu.memref_squeeze %dma_start3A_551 : memref<1x!tpu.dma_semaphore, #tpu.memory_space<semaphore_mem>> -> memref<!tpu.dma_semaphore, #tpu.memory_space<semaphore_mem>>
      %dma_start3A_553 = arith.constant 0 : i32
      %dma_start3A_554 = arith.constant 0 : i32
      %dma_start3A_555 = tpu.memref_slice %arg6[%dma_start3A_542, %add3A_541, %dma_start3A_553, %dma_start3A_554] : memref<2x2500x8x128xf32, #tpu.memory_space<hbm>> -> memref<1x1x8x128xf32, #tpu.memory_space<hbm>>
      %dma_start3A_556 = tpu.memref_squeeze %dma_start3A_555 : memref<1x1x8x128xf32, #tpu.memory_space<hbm>> -> memref<8x128xf32, #tpu.memory_space<hbm>>
      %dma_start3A_557 = arith.constant 0 : i32
      %dma_start3A_558 = arith.constant 0 : i32
      %dma_start3A_559 = tpu.memref_slice %arg13[%rem3A_393, %dma_start3A_557, %dma_start3A_558] : memref<3x16x129xf32, #tpu.memory_space<vmem>> -> memref<1x8x128xf32, #tpu.memory_space<vmem>>
      %dma_start3A_560 = tpu.memref_squeeze %dma_start3A_559 : memref<1x8x128xf32, #tpu.memory_space<vmem>> -> memref<8x128xf32, #tpu.memory_space<vmem>>
      tpu.enqueue_dma source(%dma_start3A_560 : memref<8x128xf32, #tpu.memory_space<vmem>>) target(%dma_start3A_556 : memref<8x128xf32, #tpu.memory_space<hbm>>) target_semaphore(%dma_start3A_552 : memref<!tpu.dma_semaphore, #tpu.memory_space<semaphore_mem>>)
      %dma_start3A_561 = arith.constant 1 : i32
      %dma_start3A_562 = arith.constant 8 : i32
      %dma_start3A_563 = arith.constant 0 : i32
      %dma_start3A_564 = tpu.memref_slice %arg13[%rem3A_393, %dma_start3A_562, %dma_start3A_563] : memref<3x16x129xf32, #tpu.memory_space<vmem>> -> memref<1x8x128xf32, #tpu.memory_space<vmem>>
      %dma_start3A_565 = tpu.memref_squeeze %dma_start3A_564 : memref<1x8x128xf32, #tpu.memory_space<vmem>> -> memref<8x128xf32, #tpu.memory_space<vmem>>
      %dma_start3A_566 = arith.constant 0 : i32
      %dma_start3A_567 = arith.constant 0 : i32
      %dma_start3A_568 = tpu.memref_slice %arg6[%dma_start3A_561, %add3A_541, %dma_start3A_566, %dma_start3A_567] : memref<2x2500x8x128xf32, #tpu.memory_space<hbm>> -> memref<1x1x8x128xf32, #tpu.memory_space<hbm>>
      %dma_start3A_569 = tpu.memref_squeeze %dma_start3A_568 : memref<1x1x8x128xf32, #tpu.memory_space<hbm>> -> memref<8x128xf32, #tpu.memory_space<hbm>>
      %dma_start3A_570 = tpu.memref_slice %arg20[%rem3A_393] : memref<3x!tpu.dma_semaphore, #tpu.memory_space<semaphore_mem>> -> memref<1x!tpu.dma_semaphore, #tpu.memory_space<semaphore_mem>>
      %dma_start3A_571 = tpu.memref_squeeze %dma_start3A_570 : memref<1x!tpu.dma_semaphore, #tpu.memory_space<semaphore_mem>> -> memref<!tpu.dma_semaphore, #tpu.memory_space<semaphore_mem>>
      %dma_start3A_572 = arith.constant 0 : i32
      %dma_start3A_573 = arith.constant 0 : i32
      %dma_start3A_574 = tpu.memref_slice %arg6[%dma_start3A_561, %add3A_541, %dma_start3A_572, %dma_start3A_573] : memref<2x2500x8x128xf32, #tpu.memory_space<hbm>> -> memref<1x1x8x128xf32, #tpu.memory_space<hbm>>
      %dma_start3A_575 = tpu.memref_squeeze %dma_start3A_574 : memref<1x1x8x128xf32, #tpu.memory_space<hbm>> -> memref<8x128xf32, #tpu.memory_space<hbm>>
      %dma_start3A_576 = arith.constant 8 : i32
      %dma_start3A_577 = arith.constant 0 : i32
      %dma_start3A_578 = tpu.memref_slice %arg13[%rem3A_393, %dma_start3A_576, %dma_start3A_577] : memref<3x16x129xf32, #tpu.memory_space<vmem>> -> memref<1x8x128xf32, #tpu.memory_space<vmem>>
      %dma_start3A_579 = tpu.memref_squeeze %dma_start3A_578 : memref<1x8x128xf32, #tpu.memory_space<vmem>> -> memref<8x128xf32, #tpu.memory_space<vmem>>
      tpu.enqueue_dma source(%dma_start3A_579 : memref<8x128xf32, #tpu.memory_space<vmem>>) target(%dma_start3A_575 : memref<8x128xf32, #tpu.memory_space<hbm>>) target_semaphore(%dma_start3A_571 : memref<!tpu.dma_semaphore, #tpu.memory_space<semaphore_mem>>)
      %dma_start3A_580 = arith.constant 0 : i32
      %dma_start3A_581 = arith.constant 0 : i32
      %dma_start3A_582 = tpu.memref_slice %arg14[%rem3A_393, %dma_start3A_580, %dma_start3A_581] : memref<3x128x16xf32, #tpu.memory_space<vmem>> -> memref<1x128x16xf32, #tpu.memory_space<vmem>>
      %dma_start3A_583 = tpu.memref_squeeze %dma_start3A_582 : memref<1x128x16xf32, #tpu.memory_space<vmem>> -> memref<128x16xf32, #tpu.memory_space<vmem>>
      %dma_start3A_584 = arith.constant 0 : i32
      %dma_start3A_585 = tpu.memref_slice %arg10[%while3A_390, %dma_start3A_584] : memref<80x128xi32, #tpu.memory_space<vmem>> -> memref<1x128xi32, #tpu.memory_space<vmem>>
      %dma_start3A_586 = tpu.memref_squeeze %dma_start3A_585 : memref<1x128xi32, #tpu.memory_space<vmem>> -> memref<128xi32, #tpu.memory_space<vmem>>
      %dma_start3A_587 = arith.constant 0 : i32
      %dma_start3A_588 = arith.constant 0 : i32
      %dma_start3A_589 = tpu.memref_slice %arg16[%dma_start3A_587, %dma_start3A_588] : memref<10112x16xf32, #tpu.memory_space<vmem_shared>> -> memref<10112x16xf32, #tpu.memory_space<vmem_shared>>
      %dma_start3A_590 = tpu.memref_slice %arg21[%rem3A_393] : memref<3x!tpu.dma_semaphore, #tpu.memory_space<semaphore_mem>> -> memref<1x!tpu.dma_semaphore, #tpu.memory_space<semaphore_mem>>
      %dma_start3A_591 = tpu.memref_squeeze %dma_start3A_590 : memref<1x!tpu.dma_semaphore, #tpu.memory_space<semaphore_mem>> -> memref<!tpu.dma_semaphore, #tpu.memory_space<semaphore_mem>>
      tpu.enqueue_indirect_dma source(%dma_start3A_583 : memref<128x16xf32, #tpu.memory_space<vmem>>) target(%dma_start3A_589 : memref<10112x16xf32, #tpu.memory_space<vmem_shared>>) offsets(%dma_start3A_586 : memref<128xi32, #tpu.memory_space<vmem>>) semaphore(%dma_start3A_591 : memref<!tpu.dma_semaphore, #tpu.memory_space<semaphore_mem>>) {add = true}
      %dma_start3A_592 = arith.constant 0 : i32
      %dma_start3A_593 = arith.constant 0 : i32
      %dma_start3A_594 = tpu.memref_slice %arg14[%rem3A_393, %dma_start3A_592, %dma_start3A_593] : memref<3x128x16xf32, #tpu.memory_space<vmem>> -> memref<1x128x16xf32, #tpu.memory_space<vmem>>
      %dma_start3A_595 = tpu.memref_squeeze %dma_start3A_594 : memref<1x128x16xf32, #tpu.memory_space<vmem>> -> memref<128x16xf32, #tpu.memory_space<vmem>>
      %dma_start3A_596 = arith.constant 0 : i32
      %dma_start3A_597 = tpu.memref_slice %arg9[%while3A_390, %dma_start3A_596] : memref<80x128xi32, #tpu.memory_space<vmem>> -> memref<1x128xi32, #tpu.memory_space<vmem>>
      %dma_start3A_598 = tpu.memref_squeeze %dma_start3A_597 : memref<1x128xi32, #tpu.memory_space<vmem>> -> memref<128xi32, #tpu.memory_space<vmem>>
      %dma_start3A_599 = arith.constant 0 : i32
      %dma_start3A_600 = arith.constant 0 : i32
      %dma_start3A_601 = tpu.memref_slice %arg17[%dma_start3A_599, %dma_start3A_600] : memref<10112x16xf32, #tpu.memory_space<vmem_shared>> -> memref<10112x16xf32, #tpu.memory_space<vmem_shared>>
      %dma_start3A_602 = tpu.memref_slice %arg21[%rem3A_393] : memref<3x!tpu.dma_semaphore, #tpu.memory_space<semaphore_mem>> -> memref<1x!tpu.dma_semaphore, #tpu.memory_space<semaphore_mem>>
      %dma_start3A_603 = tpu.memref_squeeze %dma_start3A_602 : memref<1x!tpu.dma_semaphore, #tpu.memory_space<semaphore_mem>> -> memref<!tpu.dma_semaphore, #tpu.memory_space<semaphore_mem>>
      tpu.enqueue_indirect_dma source(%dma_start3A_595 : memref<128x16xf32, #tpu.memory_space<vmem>>) target(%dma_start3A_601 : memref<10112x16xf32, #tpu.memory_space<vmem_shared>>) offsets(%dma_start3A_598 : memref<128xi32, #tpu.memory_space<vmem>>) semaphore(%dma_start3A_603 : memref<!tpu.dma_semaphore, #tpu.memory_space<semaphore_mem>>) {add = true}
      %while3A_604 = arith.constant 0 : i32
      scf.yield %while3A_604 : i32
    }
    %rem3A = arith.constant 3 : i32
    %rem3A_175 = arith.remsi %min3A, %rem3A : i32
    %dma_wait3A = arith.constant 0 : i32
    %dma_wait3A_176 = arith.constant 0 : i32
    %dma_wait3A_177 = arith.constant 0 : i32
    %dma_wait3A_178 = arith.constant 0 : i32
    %dma_wait3A_179 = tpu.memref_slice %arg13[%rem3A_175, %dma_wait3A_177, %dma_wait3A_178] : memref<3x16x129xf32, #tpu.memory_space<vmem>> -> memref<1x8x128xf32, #tpu.memory_space<vmem>>
    %dma_wait3A_180 = tpu.memref_squeeze %dma_wait3A_179 : memref<1x8x128xf32, #tpu.memory_space<vmem>> -> memref<8x128xf32, #tpu.memory_space<vmem>>
    %dma_wait3A_181 = arith.constant 0 : i32
    %dma_wait3A_182 = arith.constant 0 : i32
    %dma_wait3A_183 = tpu.memref_slice %arg4[%dma_wait3A, %dma_wait3A_176, %dma_wait3A_181, %dma_wait3A_182] : memref<2x2500x8x128xf32, #tpu.memory_space<hbm>> -> memref<1x1x8x128xf32, #tpu.memory_space<hbm>>
    %dma_wait3A_184 = tpu.memref_squeeze %dma_wait3A_183 : memref<1x1x8x128xf32, #tpu.memory_space<hbm>> -> memref<8x128xf32, #tpu.memory_space<hbm>>
    %dma_wait3A_185 = tpu.memref_slice %arg18[%rem3A_175] : memref<3x!tpu.dma_semaphore, #tpu.memory_space<semaphore_mem>> -> memref<1x!tpu.dma_semaphore, #tpu.memory_space<semaphore_mem>>
    %dma_wait3A_186 = tpu.memref_squeeze %dma_wait3A_185 : memref<1x!tpu.dma_semaphore, #tpu.memory_space<semaphore_mem>> -> memref<!tpu.dma_semaphore, #tpu.memory_space<semaphore_mem>>
    %dma_wait3A_187 = arith.constant 0 : i32
    %dma_wait3A_188 = arith.constant 0 : i32
    %dma_wait3A_189 = tpu.memref_slice %arg13[%rem3A_175, %dma_wait3A_187, %dma_wait3A_188] : memref<3x16x129xf32, #tpu.memory_space<vmem>> -> memref<1x8x128xf32, #tpu.memory_space<vmem>>
    %dma_wait3A_190 = tpu.memref_squeeze %dma_wait3A_189 : memref<1x8x128xf32, #tpu.memory_space<vmem>> -> memref<8x128xf32, #tpu.memory_space<vmem>>
    %dma_wait3A_191 = arith.constant 0 : i32
    %dma_wait3A_192 = arith.constant 0 : i32
    %dma_wait3A_193 = tpu.memref_slice %arg4[%dma_wait3A, %dma_wait3A_176, %dma_wait3A_191, %dma_wait3A_192] : memref<2x2500x8x128xf32, #tpu.memory_space<hbm>> -> memref<1x1x8x128xf32, #tpu.memory_space<hbm>>
    %dma_wait3A_194 = tpu.memref_squeeze %dma_wait3A_193 : memref<1x1x8x128xf32, #tpu.memory_space<hbm>> -> memref<8x128xf32, #tpu.memory_space<hbm>>
    tpu.wait_dma2 semaphore(%dma_wait3A_186 : memref<!tpu.dma_semaphore, #tpu.memory_space<semaphore_mem>>) src(%dma_wait3A_194 : memref<8x128xf32, #tpu.memory_space<hbm>>) dst(%dma_wait3A_190 : memref<8x128xf32, #tpu.memory_space<vmem>>)
    %dma_wait3A_195 = arith.constant 1 : i32
    %dma_wait3A_196 = arith.constant 0 : i32
    %dma_wait3A_197 = arith.constant 8 : i32
    %dma_wait3A_198 = arith.constant 0 : i32
    %dma_wait3A_199 = tpu.memref_slice %arg13[%rem3A_175, %dma_wait3A_197, %dma_wait3A_198] : memref<3x16x129xf32, #tpu.memory_space<vmem>> -> memref<1x8x128xf32, #tpu.memory_space<vmem>>
    %dma_wait3A_200 = tpu.memref_squeeze %dma_wait3A_199 : memref<1x8x128xf32, #tpu.memory_space<vmem>> -> memref<8x128xf32, #tpu.memory_space<vmem>>
    %dma_wait3A_201 = arith.constant 0 : i32
    %dma_wait3A_202 = arith.constant 0 : i32
    %dma_wait3A_203 = tpu.memref_slice %arg4[%dma_wait3A_195, %dma_wait3A_196, %dma_wait3A_201, %dma_wait3A_202] : memref<2x2500x8x128xf32, #tpu.memory_space<hbm>> -> memref<1x1x8x128xf32, #tpu.memory_space<hbm>>
    %dma_wait3A_204 = tpu.memref_squeeze %dma_wait3A_203 : memref<1x1x8x128xf32, #tpu.memory_space<hbm>> -> memref<8x128xf32, #tpu.memory_space<hbm>>
    %dma_wait3A_205 = tpu.memref_slice %arg18[%rem3A_175] : memref<3x!tpu.dma_semaphore, #tpu.memory_space<semaphore_mem>> -> memref<1x!tpu.dma_semaphore, #tpu.memory_space<semaphore_mem>>
    %dma_wait3A_206 = tpu.memref_squeeze %dma_wait3A_205 : memref<1x!tpu.dma_semaphore, #tpu.memory_space<semaphore_mem>> -> memref<!tpu.dma_semaphore, #tpu.memory_space<semaphore_mem>>
    %dma_wait3A_207 = arith.constant 8 : i32
    %dma_wait3A_208 = arith.constant 0 : i32
    %dma_wait3A_209 = tpu.memref_slice %arg13[%rem3A_175, %dma_wait3A_207, %dma_wait3A_208] : memref<3x16x129xf32, #tpu.memory_space<vmem>> -> memref<1x8x128xf32, #tpu.memory_space<vmem>>
    %dma_wait3A_210 = tpu.memref_squeeze %dma_wait3A_209 : memref<1x8x128xf32, #tpu.memory_space<vmem>> -> memref<8x128xf32, #tpu.memory_space<vmem>>
    %dma_wait3A_211 = arith.constant 0 : i32
    %dma_wait3A_212 = arith.constant 0 : i32
    %dma_wait3A_213 = tpu.memref_slice %arg4[%dma_wait3A_195, %dma_wait3A_196, %dma_wait3A_211, %dma_wait3A_212] : memref<2x2500x8x128xf32, #tpu.memory_space<hbm>> -> memref<1x1x8x128xf32, #tpu.memory_space<hbm>>
    %dma_wait3A_214 = tpu.memref_squeeze %dma_wait3A_213 : memref<1x1x8x128xf32, #tpu.memory_space<hbm>> -> memref<8x128xf32, #tpu.memory_space<hbm>>
    tpu.wait_dma2 semaphore(%dma_wait3A_206 : memref<!tpu.dma_semaphore, #tpu.memory_space<semaphore_mem>>) src(%dma_wait3A_214 : memref<8x128xf32, #tpu.memory_space<hbm>>) dst(%dma_wait3A_210 : memref<8x128xf32, #tpu.memory_space<vmem>>)
    %dma_wait3A_215 = arith.constant 0 : i32
    %dma_wait3A_216 = arith.constant 0 : i32
    %dma_wait3A_217 = arith.constant 0 : i32
    %dma_wait3A_218 = tpu.memref_slice %arg11[%rem3A_175, %dma_wait3A_216, %dma_wait3A_217] : memref<3x128x16xf32, #tpu.memory_space<vmem>> -> memref<1x128x16xf32, #tpu.memory_space<vmem>>
    %dma_wait3A_219 = tpu.memref_squeeze %dma_wait3A_218 : memref<1x128x16xf32, #tpu.memory_space<vmem>> -> memref<128x16xf32, #tpu.memory_space<vmem>>
    %dma_wait3A_220 = arith.constant 0 : i32
    %dma_wait3A_221 = tpu.memref_slice %arg9[%dma_wait3A_215, %dma_wait3A_220] : memref<80x128xi32, #tpu.memory_space<vmem>> -> memref<1x128xi32, #tpu.memory_space<vmem>>
    %dma_wait3A_222 = tpu.memref_squeeze %dma_wait3A_221 : memref<1x128xi32, #tpu.memory_space<vmem>> -> memref<128xi32, #tpu.memory_space<vmem>>
    %dma_wait3A_223 = arith.constant 0 : i32
    %dma_wait3A_224 = arith.constant 0 : i32
    %dma_wait3A_225 = tpu.memref_slice %arg2[%dma_wait3A_223, %dma_wait3A_224] : memref<10000x16xf32, #tpu.memory_space<hbm>> -> memref<10000x16xf32, #tpu.memory_space<hbm>>
    %dma_wait3A_226 = tpu.memref_slice %arg19[%rem3A_175] : memref<3x!tpu.dma_semaphore, #tpu.memory_space<semaphore_mem>> -> memref<1x!tpu.dma_semaphore, #tpu.memory_space<semaphore_mem>>
    %dma_wait3A_227 = tpu.memref_squeeze %dma_wait3A_226 : memref<1x!tpu.dma_semaphore, #tpu.memory_space<semaphore_mem>> -> memref<!tpu.dma_semaphore, #tpu.memory_space<semaphore_mem>>
    tpu.wait_indirect_dma semaphore(%dma_wait3A_227 : memref<!tpu.dma_semaphore, #tpu.memory_space<semaphore_mem>>) src(%dma_wait3A_225 : memref<10000x16xf32, #tpu.memory_space<hbm>>) dst(%dma_wait3A_219 : memref<128x16xf32, #tpu.memory_space<vmem>>)
    %dma_wait3A_228 = arith.constant 0 : i32
    %dma_wait3A_229 = arith.constant 0 : i32
    %dma_wait3A_230 = arith.constant 0 : i32
    %dma_wait3A_231 = tpu.memref_slice %arg12[%rem3A_175, %dma_wait3A_229, %dma_wait3A_230] : memref<3x128x16xf32, #tpu.memory_space<vmem>> -> memref<1x128x16xf32, #tpu.memory_space<vmem>>
    %dma_wait3A_232 = tpu.memref_squeeze %dma_wait3A_231 : memref<1x128x16xf32, #tpu.memory_space<vmem>> -> memref<128x16xf32, #tpu.memory_space<vmem>>
    %dma_wait3A_233 = arith.constant 0 : i32
    %dma_wait3A_234 = tpu.memref_slice %arg10[%dma_wait3A_228, %dma_wait3A_233] : memref<80x128xi32, #tpu.memory_space<vmem>> -> memref<1x128xi32, #tpu.memory_space<vmem>>
    %dma_wait3A_235 = tpu.memref_squeeze %dma_wait3A_234 : memref<1x128xi32, #tpu.memory_space<vmem>> -> memref<128xi32, #tpu.memory_space<vmem>>
    %dma_wait3A_236 = arith.constant 0 : i32
    %dma_wait3A_237 = arith.constant 0 : i32
    %dma_wait3A_238 = tpu.memref_slice %arg3[%dma_wait3A_236, %dma_wait3A_237] : memref<10000x16xf32, #tpu.memory_space<hbm>> -> memref<10000x16xf32, #tpu.memory_space<hbm>>
    %dma_wait3A_239 = tpu.memref_slice %arg19[%rem3A_175] : memref<3x!tpu.dma_semaphore, #tpu.memory_space<semaphore_mem>> -> memref<1x!tpu.dma_semaphore, #tpu.memory_space<semaphore_mem>>
    %dma_wait3A_240 = tpu.memref_squeeze %dma_wait3A_239 : memref<1x!tpu.dma_semaphore, #tpu.memory_space<semaphore_mem>> -> memref<!tpu.dma_semaphore, #tpu.memory_space<semaphore_mem>>
    tpu.wait_indirect_dma semaphore(%dma_wait3A_240 : memref<!tpu.dma_semaphore, #tpu.memory_space<semaphore_mem>>) src(%dma_wait3A_238 : memref<10000x16xf32, #tpu.memory_space<hbm>>) dst(%dma_wait3A_232 : memref<128x16xf32, #tpu.memory_space<vmem>>)
    %add3A_241 = arith.constant 1 : i32
    %add3A_242 = arith.addi %min3A, %add3A_241 : i32
    %rem3A_243 = arith.constant 3 : i32
    %rem3A_244 = arith.remsi %add3A_242, %rem3A_243 : i32
    %dma_wait3A_245 = arith.constant 0 : i32
    %dma_wait3A_246 = arith.constant 0 : i32
    %dma_wait3A_247 = arith.constant 0 : i32
    %dma_wait3A_248 = arith.constant 0 : i32
    %dma_wait3A_249 = tpu.memref_slice %arg13[%rem3A_244, %dma_wait3A_247, %dma_wait3A_248] : memref<3x16x129xf32, #tpu.memory_space<vmem>> -> memref<1x8x128xf32, #tpu.memory_space<vmem>>
    %dma_wait3A_250 = tpu.memref_squeeze %dma_wait3A_249 : memref<1x8x128xf32, #tpu.memory_space<vmem>> -> memref<8x128xf32, #tpu.memory_space<vmem>>
    %dma_wait3A_251 = arith.constant 0 : i32
    %dma_wait3A_252 = arith.constant 0 : i32
    %dma_wait3A_253 = tpu.memref_slice %arg4[%dma_wait3A_245, %dma_wait3A_246, %dma_wait3A_251, %dma_wait3A_252] : memref<2x2500x8x128xf32, #tpu.memory_space<hbm>> -> memref<1x1x8x128xf32, #tpu.memory_space<hbm>>
    %dma_wait3A_254 = tpu.memref_squeeze %dma_wait3A_253 : memref<1x1x8x128xf32, #tpu.memory_space<hbm>> -> memref<8x128xf32, #tpu.memory_space<hbm>>
    %dma_wait3A_255 = tpu.memref_slice %arg18[%rem3A_244] : memref<3x!tpu.dma_semaphore, #tpu.memory_space<semaphore_mem>> -> memref<1x!tpu.dma_semaphore, #tpu.memory_space<semaphore_mem>>
    %dma_wait3A_256 = tpu.memref_squeeze %dma_wait3A_255 : memref<1x!tpu.dma_semaphore, #tpu.memory_space<semaphore_mem>> -> memref<!tpu.dma_semaphore, #tpu.memory_space<semaphore_mem>>
    %dma_wait3A_257 = arith.constant 0 : i32
    %dma_wait3A_258 = arith.constant 0 : i32
    %dma_wait3A_259 = tpu.memref_slice %arg13[%rem3A_244, %dma_wait3A_257, %dma_wait3A_258] : memref<3x16x129xf32, #tpu.memory_space<vmem>> -> memref<1x8x128xf32, #tpu.memory_space<vmem>>
    %dma_wait3A_260 = tpu.memref_squeeze %dma_wait3A_259 : memref<1x8x128xf32, #tpu.memory_space<vmem>> -> memref<8x128xf32, #tpu.memory_space<vmem>>
    %dma_wait3A_261 = arith.constant 0 : i32
    %dma_wait3A_262 = arith.constant 0 : i32
    %dma_wait3A_263 = tpu.memref_slice %arg4[%dma_wait3A_245, %dma_wait3A_246, %dma_wait3A_261, %dma_wait3A_262] : memref<2x2500x8x128xf32, #tpu.memory_space<hbm>> -> memref<1x1x8x128xf32, #tpu.memory_space<hbm>>
    %dma_wait3A_264 = tpu.memref_squeeze %dma_wait3A_263 : memref<1x1x8x128xf32, #tpu.memory_space<hbm>> -> memref<8x128xf32, #tpu.memory_space<hbm>>
    tpu.wait_dma2 semaphore(%dma_wait3A_256 : memref<!tpu.dma_semaphore, #tpu.memory_space<semaphore_mem>>) src(%dma_wait3A_264 : memref<8x128xf32, #tpu.memory_space<hbm>>) dst(%dma_wait3A_260 : memref<8x128xf32, #tpu.memory_space<vmem>>)
    %dma_wait3A_265 = arith.constant 1 : i32
    %dma_wait3A_266 = arith.constant 0 : i32
    %dma_wait3A_267 = arith.constant 8 : i32
    %dma_wait3A_268 = arith.constant 0 : i32
    %dma_wait3A_269 = tpu.memref_slice %arg13[%rem3A_244, %dma_wait3A_267, %dma_wait3A_268] : memref<3x16x129xf32, #tpu.memory_space<vmem>> -> memref<1x8x128xf32, #tpu.memory_space<vmem>>
    %dma_wait3A_270 = tpu.memref_squeeze %dma_wait3A_269 : memref<1x8x128xf32, #tpu.memory_space<vmem>> -> memref<8x128xf32, #tpu.memory_space<vmem>>
    %dma_wait3A_271 = arith.constant 0 : i32
    %dma_wait3A_272 = arith.constant 0 : i32
    %dma_wait3A_273 = tpu.memref_slice %arg4[%dma_wait3A_265, %dma_wait3A_266, %dma_wait3A_271, %dma_wait3A_272] : memref<2x2500x8x128xf32, #tpu.memory_space<hbm>> -> memref<1x1x8x128xf32, #tpu.memory_space<hbm>>
    %dma_wait3A_274 = tpu.memref_squeeze %dma_wait3A_273 : memref<1x1x8x128xf32, #tpu.memory_space<hbm>> -> memref<8x128xf32, #tpu.memory_space<hbm>>
    %dma_wait3A_275 = tpu.memref_slice %arg18[%rem3A_244] : memref<3x!tpu.dma_semaphore, #tpu.memory_space<semaphore_mem>> -> memref<1x!tpu.dma_semaphore, #tpu.memory_space<semaphore_mem>>
    %dma_wait3A_276 = tpu.memref_squeeze %dma_wait3A_275 : memref<1x!tpu.dma_semaphore, #tpu.memory_space<semaphore_mem>> -> memref<!tpu.dma_semaphore, #tpu.memory_space<semaphore_mem>>
    %dma_wait3A_277 = arith.constant 8 : i32
    %dma_wait3A_278 = arith.constant 0 : i32
    %dma_wait3A_279 = tpu.memref_slice %arg13[%rem3A_244, %dma_wait3A_277, %dma_wait3A_278] : memref<3x16x129xf32, #tpu.memory_space<vmem>> -> memref<1x8x128xf32, #tpu.memory_space<vmem>>
    %dma_wait3A_280 = tpu.memref_squeeze %dma_wait3A_279 : memref<1x8x128xf32, #tpu.memory_space<vmem>> -> memref<8x128xf32, #tpu.memory_space<vmem>>
    %dma_wait3A_281 = arith.constant 0 : i32
    %dma_wait3A_282 = arith.constant 0 : i32
    %dma_wait3A_283 = tpu.memref_slice %arg4[%dma_wait3A_265, %dma_wait3A_266, %dma_wait3A_281, %dma_wait3A_282] : memref<2x2500x8x128xf32, #tpu.memory_space<hbm>> -> memref<1x1x8x128xf32, #tpu.memory_space<hbm>>
    %dma_wait3A_284 = tpu.memref_squeeze %dma_wait3A_283 : memref<1x1x8x128xf32, #tpu.memory_space<hbm>> -> memref<8x128xf32, #tpu.memory_space<hbm>>
    tpu.wait_dma2 semaphore(%dma_wait3A_276 : memref<!tpu.dma_semaphore, #tpu.memory_space<semaphore_mem>>) src(%dma_wait3A_284 : memref<8x128xf32, #tpu.memory_space<hbm>>) dst(%dma_wait3A_280 : memref<8x128xf32, #tpu.memory_space<vmem>>)
    %dma_wait3A_285 = arith.constant 0 : i32
    %dma_wait3A_286 = arith.constant 0 : i32
    %dma_wait3A_287 = arith.constant 0 : i32
    %dma_wait3A_288 = tpu.memref_slice %arg11[%rem3A_244, %dma_wait3A_286, %dma_wait3A_287] : memref<3x128x16xf32, #tpu.memory_space<vmem>> -> memref<1x128x16xf32, #tpu.memory_space<vmem>>
    %dma_wait3A_289 = tpu.memref_squeeze %dma_wait3A_288 : memref<1x128x16xf32, #tpu.memory_space<vmem>> -> memref<128x16xf32, #tpu.memory_space<vmem>>
    %dma_wait3A_290 = arith.constant 0 : i32
    %dma_wait3A_291 = tpu.memref_slice %arg9[%dma_wait3A_285, %dma_wait3A_290] : memref<80x128xi32, #tpu.memory_space<vmem>> -> memref<1x128xi32, #tpu.memory_space<vmem>>
    %dma_wait3A_292 = tpu.memref_squeeze %dma_wait3A_291 : memref<1x128xi32, #tpu.memory_space<vmem>> -> memref<128xi32, #tpu.memory_space<vmem>>
    %dma_wait3A_293 = arith.constant 0 : i32
    %dma_wait3A_294 = arith.constant 0 : i32
    %dma_wait3A_295 = tpu.memref_slice %arg2[%dma_wait3A_293, %dma_wait3A_294] : memref<10000x16xf32, #tpu.memory_space<hbm>> -> memref<10000x16xf32, #tpu.memory_space<hbm>>
    %dma_wait3A_296 = tpu.memref_slice %arg19[%rem3A_244] : memref<3x!tpu.dma_semaphore, #tpu.memory_space<semaphore_mem>> -> memref<1x!tpu.dma_semaphore, #tpu.memory_space<semaphore_mem>>
    %dma_wait3A_297 = tpu.memref_squeeze %dma_wait3A_296 : memref<1x!tpu.dma_semaphore, #tpu.memory_space<semaphore_mem>> -> memref<!tpu.dma_semaphore, #tpu.memory_space<semaphore_mem>>
    tpu.wait_indirect_dma semaphore(%dma_wait3A_297 : memref<!tpu.dma_semaphore, #tpu.memory_space<semaphore_mem>>) src(%dma_wait3A_295 : memref<10000x16xf32, #tpu.memory_space<hbm>>) dst(%dma_wait3A_289 : memref<128x16xf32, #tpu.memory_space<vmem>>)
    %dma_wait3A_298 = arith.constant 0 : i32
    %dma_wait3A_299 = arith.constant 0 : i32
    %dma_wait3A_300 = arith.constant 0 : i32
    %dma_wait3A_301 = tpu.memref_slice %arg12[%rem3A_244, %dma_wait3A_299, %dma_wait3A_300] : memref<3x128x16xf32, #tpu.memory_space<vmem>> -> memref<1x128x16xf32, #tpu.memory_space<vmem>>
    %dma_wait3A_302 = tpu.memref_squeeze %dma_wait3A_301 : memref<1x128x16xf32, #tpu.memory_space<vmem>> -> memref<128x16xf32, #tpu.memory_space<vmem>>
    %dma_wait3A_303 = arith.constant 0 : i32
    %dma_wait3A_304 = tpu.memref_slice %arg10[%dma_wait3A_298, %dma_wait3A_303] : memref<80x128xi32, #tpu.memory_space<vmem>> -> memref<1x128xi32, #tpu.memory_space<vmem>>
    %dma_wait3A_305 = tpu.memref_squeeze %dma_wait3A_304 : memref<1x128xi32, #tpu.memory_space<vmem>> -> memref<128xi32, #tpu.memory_space<vmem>>
    %dma_wait3A_306 = arith.constant 0 : i32
    %dma_wait3A_307 = arith.constant 0 : i32
    %dma_wait3A_308 = tpu.memref_slice %arg3[%dma_wait3A_306, %dma_wait3A_307] : memref<10000x16xf32, #tpu.memory_space<hbm>> -> memref<10000x16xf32, #tpu.memory_space<hbm>>
    %dma_wait3A_309 = tpu.memref_slice %arg19[%rem3A_244] : memref<3x!tpu.dma_semaphore, #tpu.memory_space<semaphore_mem>> -> memref<1x!tpu.dma_semaphore, #tpu.memory_space<semaphore_mem>>
    %dma_wait3A_310 = tpu.memref_squeeze %dma_wait3A_309 : memref<1x!tpu.dma_semaphore, #tpu.memory_space<semaphore_mem>> -> memref<!tpu.dma_semaphore, #tpu.memory_space<semaphore_mem>>
    tpu.wait_indirect_dma semaphore(%dma_wait3A_310 : memref<!tpu.dma_semaphore, #tpu.memory_space<semaphore_mem>>) src(%dma_wait3A_308 : memref<10000x16xf32, #tpu.memory_space<hbm>>) dst(%dma_wait3A_302 : memref<128x16xf32, #tpu.memory_space<vmem>>)
    %sub3A_311 = arith.constant 1 : i32
    %sub3A_312 = arith.subi %min3A, %sub3A_311 : i32
    %rem3A_313 = arith.constant 3 : i32
    %rem3A_314 = arith.remsi %sub3A_312, %rem3A_313 : i32
    %dma_wait3A_315 = arith.constant 0 : i32
    %dma_wait3A_316 = arith.constant 0 : i32
    %dma_wait3A_317 = arith.constant 0 : i32
    %dma_wait3A_318 = arith.constant 0 : i32
    %dma_wait3A_319 = tpu.memref_slice %arg13[%rem3A_314, %dma_wait3A_317, %dma_wait3A_318] : memref<3x16x129xf32, #tpu.memory_space<vmem>> -> memref<1x8x128xf32, #tpu.memory_space<vmem>>
    %dma_wait3A_320 = tpu.memref_squeeze %dma_wait3A_319 : memref<1x8x128xf32, #tpu.memory_space<vmem>> -> memref<8x128xf32, #tpu.memory_space<vmem>>
    %dma_wait3A_321 = arith.constant 0 : i32
    %dma_wait3A_322 = arith.constant 0 : i32
    %dma_wait3A_323 = tpu.memref_slice %arg6[%dma_wait3A_315, %dma_wait3A_316, %dma_wait3A_321, %dma_wait3A_322] : memref<2x2500x8x128xf32, #tpu.memory_space<hbm>> -> memref<1x1x8x128xf32, #tpu.memory_space<hbm>>
    %dma_wait3A_324 = tpu.memref_squeeze %dma_wait3A_323 : memref<1x1x8x128xf32, #tpu.memory_space<hbm>> -> memref<8x128xf32, #tpu.memory_space<hbm>>
    %dma_wait3A_325 = tpu.memref_slice %arg20[%rem3A_314] : memref<3x!tpu.dma_semaphore, #tpu.memory_space<semaphore_mem>> -> memref<1x!tpu.dma_semaphore, #tpu.memory_space<semaphore_mem>>
    %dma_wait3A_326 = tpu.memref_squeeze %dma_wait3A_325 : memref<1x!tpu.dma_semaphore, #tpu.memory_space<semaphore_mem>> -> memref<!tpu.dma_semaphore, #tpu.memory_space<semaphore_mem>>
    %dma_wait3A_327 = arith.constant 0 : i32
    %dma_wait3A_328 = arith.constant 0 : i32
    %dma_wait3A_329 = tpu.memref_slice %arg6[%dma_wait3A_315, %dma_wait3A_316, %dma_wait3A_327, %dma_wait3A_328] : memref<2x2500x8x128xf32, #tpu.memory_space<hbm>> -> memref<1x1x8x128xf32, #tpu.memory_space<hbm>>
    %dma_wait3A_330 = tpu.memref_squeeze %dma_wait3A_329 : memref<1x1x8x128xf32, #tpu.memory_space<hbm>> -> memref<8x128xf32, #tpu.memory_space<hbm>>
    %dma_wait3A_331 = arith.constant 0 : i32
    %dma_wait3A_332 = arith.constant 0 : i32
    %dma_wait3A_333 = tpu.memref_slice %arg13[%rem3A_314, %dma_wait3A_331, %dma_wait3A_332] : memref<3x16x129xf32, #tpu.memory_space<vmem>> -> memref<1x8x128xf32, #tpu.memory_space<vmem>>
    %dma_wait3A_334 = tpu.memref_squeeze %dma_wait3A_333 : memref<1x8x128xf32, #tpu.memory_space<vmem>> -> memref<8x128xf32, #tpu.memory_space<vmem>>
    tpu.wait_dma2 semaphore(%dma_wait3A_326 : memref<!tpu.dma_semaphore, #tpu.memory_space<semaphore_mem>>) src(%dma_wait3A_334 : memref<8x128xf32, #tpu.memory_space<vmem>>) dst(%dma_wait3A_330 : memref<8x128xf32, #tpu.memory_space<hbm>>)
    %dma_wait3A_335 = arith.constant 1 : i32
    %dma_wait3A_336 = arith.constant 0 : i32
    %dma_wait3A_337 = arith.constant 8 : i32
    %dma_wait3A_338 = arith.constant 0 : i32
    %dma_wait3A_339 = tpu.memref_slice %arg13[%rem3A_314, %dma_wait3A_337, %dma_wait3A_338] : memref<3x16x129xf32, #tpu.memory_space<vmem>> -> memref<1x8x128xf32, #tpu.memory_space<vmem>>
    %dma_wait3A_340 = tpu.memref_squeeze %dma_wait3A_339 : memref<1x8x128xf32, #tpu.memory_space<vmem>> -> memref<8x128xf32, #tpu.memory_space<vmem>>
    %dma_wait3A_341 = arith.constant 0 : i32
    %dma_wait3A_342 = arith.constant 0 : i32
    %dma_wait3A_343 = tpu.memref_slice %arg6[%dma_wait3A_335, %dma_wait3A_336, %dma_wait3A_341, %dma_wait3A_342] : memref<2x2500x8x128xf32, #tpu.memory_space<hbm>> -> memref<1x1x8x128xf32, #tpu.memory_space<hbm>>
    %dma_wait3A_344 = tpu.memref_squeeze %dma_wait3A_343 : memref<1x1x8x128xf32, #tpu.memory_space<hbm>> -> memref<8x128xf32, #tpu.memory_space<hbm>>
    %dma_wait3A_345 = tpu.memref_slice %arg20[%rem3A_314] : memref<3x!tpu.dma_semaphore, #tpu.memory_space<semaphore_mem>> -> memref<1x!tpu.dma_semaphore, #tpu.memory_space<semaphore_mem>>
    %dma_wait3A_346 = tpu.memref_squeeze %dma_wait3A_345 : memref<1x!tpu.dma_semaphore, #tpu.memory_space<semaphore_mem>> -> memref<!tpu.dma_semaphore, #tpu.memory_space<semaphore_mem>>
    %dma_wait3A_347 = arith.constant 0 : i32
    %dma_wait3A_348 = arith.constant 0 : i32
    %dma_wait3A_349 = tpu.memref_slice %arg6[%dma_wait3A_335, %dma_wait3A_336, %dma_wait3A_347, %dma_wait3A_348] : memref<2x2500x8x128xf32, #tpu.memory_space<hbm>> -> memref<1x1x8x128xf32, #tpu.memory_space<hbm>>
    %dma_wait3A_350 = tpu.memref_squeeze %dma_wait3A_349 : memref<1x1x8x128xf32, #tpu.memory_space<hbm>> -> memref<8x128xf32, #tpu.memory_space<hbm>>
    %dma_wait3A_351 = arith.constant 8 : i32
    %dma_wait3A_352 = arith.constant 0 : i32
    %dma_wait3A_353 = tpu.memref_slice %arg13[%rem3A_314, %dma_wait3A_351, %dma_wait3A_352] : memref<3x16x129xf32, #tpu.memory_space<vmem>> -> memref<1x8x128xf32, #tpu.memory_space<vmem>>
    %dma_wait3A_354 = tpu.memref_squeeze %dma_wait3A_353 : memref<1x8x128xf32, #tpu.memory_space<vmem>> -> memref<8x128xf32, #tpu.memory_space<vmem>>
    tpu.wait_dma2 semaphore(%dma_wait3A_346 : memref<!tpu.dma_semaphore, #tpu.memory_space<semaphore_mem>>) src(%dma_wait3A_354 : memref<8x128xf32, #tpu.memory_space<vmem>>) dst(%dma_wait3A_350 : memref<8x128xf32, #tpu.memory_space<hbm>>)
    %dma_wait3A_355 = arith.constant 0 : i32
    %dma_wait3A_356 = arith.constant 0 : i32
    %dma_wait3A_357 = arith.constant 0 : i32
    %dma_wait3A_358 = tpu.memref_slice %arg14[%rem3A_314, %dma_wait3A_356, %dma_wait3A_357] : memref<3x128x16xf32, #tpu.memory_space<vmem>> -> memref<1x128x16xf32, #tpu.memory_space<vmem>>
    %dma_wait3A_359 = tpu.memref_squeeze %dma_wait3A_358 : memref<1x128x16xf32, #tpu.memory_space<vmem>> -> memref<128x16xf32, #tpu.memory_space<vmem>>
    %dma_wait3A_360 = arith.constant 0 : i32
    %dma_wait3A_361 = tpu.memref_slice %arg10[%dma_wait3A_355, %dma_wait3A_360] : memref<80x128xi32, #tpu.memory_space<vmem>> -> memref<1x128xi32, #tpu.memory_space<vmem>>
    %dma_wait3A_362 = tpu.memref_squeeze %dma_wait3A_361 : memref<1x128xi32, #tpu.memory_space<vmem>> -> memref<128xi32, #tpu.memory_space<vmem>>
    %dma_wait3A_363 = arith.constant 0 : i32
    %dma_wait3A_364 = arith.constant 0 : i32
    %dma_wait3A_365 = tpu.memref_slice %arg16[%dma_wait3A_363, %dma_wait3A_364] : memref<10112x16xf32, #tpu.memory_space<vmem_shared>> -> memref<10112x16xf32, #tpu.memory_space<vmem_shared>>
    %dma_wait3A_366 = tpu.memref_slice %arg21[%rem3A_314] : memref<3x!tpu.dma_semaphore, #tpu.memory_space<semaphore_mem>> -> memref<1x!tpu.dma_semaphore, #tpu.memory_space<semaphore_mem>>
    %dma_wait3A_367 = tpu.memref_squeeze %dma_wait3A_366 : memref<1x!tpu.dma_semaphore, #tpu.memory_space<semaphore_mem>> -> memref<!tpu.dma_semaphore, #tpu.memory_space<semaphore_mem>>
    tpu.wait_indirect_dma semaphore(%dma_wait3A_367 : memref<!tpu.dma_semaphore, #tpu.memory_space<semaphore_mem>>) src(%dma_wait3A_359 : memref<128x16xf32, #tpu.memory_space<vmem>>) dst(%dma_wait3A_365 : memref<10112x16xf32, #tpu.memory_space<vmem_shared>>)
    %dma_wait3A_368 = arith.constant 0 : i32
    %dma_wait3A_369 = arith.constant 0 : i32
    %dma_wait3A_370 = arith.constant 0 : i32
    %dma_wait3A_371 = tpu.memref_slice %arg14[%rem3A_314, %dma_wait3A_369, %dma_wait3A_370] : memref<3x128x16xf32, #tpu.memory_space<vmem>> -> memref<1x128x16xf32, #tpu.memory_space<vmem>>
    %dma_wait3A_372 = tpu.memref_squeeze %dma_wait3A_371 : memref<1x128x16xf32, #tpu.memory_space<vmem>> -> memref<128x16xf32, #tpu.memory_space<vmem>>
    %dma_wait3A_373 = arith.constant 0 : i32
    %dma_wait3A_374 = tpu.memref_slice %arg9[%dma_wait3A_368, %dma_wait3A_373] : memref<80x128xi32, #tpu.memory_space<vmem>> -> memref<1x128xi32, #tpu.memory_space<vmem>>
    %dma_wait3A_375 = tpu.memref_squeeze %dma_wait3A_374 : memref<1x128xi32, #tpu.memory_space<vmem>> -> memref<128xi32, #tpu.memory_space<vmem>>
    %dma_wait3A_376 = arith.constant 0 : i32
    %dma_wait3A_377 = arith.constant 0 : i32
    %dma_wait3A_378 = tpu.memref_slice %arg17[%dma_wait3A_376, %dma_wait3A_377] : memref<10112x16xf32, #tpu.memory_space<vmem_shared>> -> memref<10112x16xf32, #tpu.memory_space<vmem_shared>>
    %dma_wait3A_379 = tpu.memref_slice %arg21[%rem3A_314] : memref<3x!tpu.dma_semaphore, #tpu.memory_space<semaphore_mem>> -> memref<1x!tpu.dma_semaphore, #tpu.memory_space<semaphore_mem>>
    %dma_wait3A_380 = tpu.memref_squeeze %dma_wait3A_379 : memref<1x!tpu.dma_semaphore, #tpu.memory_space<semaphore_mem>> -> memref<!tpu.dma_semaphore, #tpu.memory_space<semaphore_mem>>
    tpu.wait_indirect_dma semaphore(%dma_wait3A_380 : memref<!tpu.dma_semaphore, #tpu.memory_space<semaphore_mem>>) src(%dma_wait3A_372 : memref<128x16xf32, #tpu.memory_space<vmem>>) dst(%dma_wait3A_378 : memref<10112x16xf32, #tpu.memory_space<vmem_shared>>)
    %barrier3A_381 = arith.constant 0 : index
    tpu.barrier barrier_id(%barrier3A_381)
    %mul3A_382 = arith.constant 632 : i32
    %mul3A_383 = arith.muli %arg1, %mul3A_382 : i32
    "tpu.region"() ({
      %run_scoped3A_390 = tpu.sem_alloc : memref<!tpu.dma_semaphore, #tpu.memory_space<semaphore_mem>>
      %dma_start3A_391 = arith.constant 0 : i32
      %dma_start3A_392 = tpu.memref_slice %arg16[%mul3A_383, %dma_start3A_391] : memref<10112x16xf32, #tpu.memory_space<vmem_shared>> -> memref<632x16xf32, #tpu.memory_space<vmem_shared>>
      %dma_start3A_393 = arith.constant 0 : i32
      %dma_start3A_394 = tpu.memref_slice %arg16[%mul3A_383, %dma_start3A_393] : memref<10112x16xf32, #tpu.memory_space<vmem_shared>> -> memref<632x16xf32, #tpu.memory_space<vmem_shared>>
      tpu.enqueue_dma source(%dma_start3A_394 : memref<632x16xf32, #tpu.memory_space<vmem_shared>>) target(%arg15 : memref<632x16xf32, #tpu.memory_space<vmem>>) target_semaphore(%run_scoped3A_390 : memref<!tpu.dma_semaphore, #tpu.memory_space<semaphore_mem>>)
      %dma_wait3A_395 = arith.constant 0 : i32
      %dma_wait3A_396 = tpu.memref_slice %arg16[%mul3A_383, %dma_wait3A_395] : memref<10112x16xf32, #tpu.memory_space<vmem_shared>> -> memref<632x16xf32, #tpu.memory_space<vmem_shared>>
      %dma_wait3A_397 = arith.constant 0 : i32
      %dma_wait3A_398 = tpu.memref_slice %arg16[%mul3A_383, %dma_wait3A_397] : memref<10112x16xf32, #tpu.memory_space<vmem_shared>> -> memref<632x16xf32, #tpu.memory_space<vmem_shared>>
      tpu.wait_dma2 semaphore(%run_scoped3A_390 : memref<!tpu.dma_semaphore, #tpu.memory_space<semaphore_mem>>) src(%dma_wait3A_398 : memref<632x16xf32, #tpu.memory_space<vmem_shared>>) dst(%arg15 : memref<632x16xf32, #tpu.memory_space<vmem>>)
      tpu.yield
    }) : () -> ()
    %mul3A_384 = arith.constant 632 : i32
    %mul3A_385 = arith.muli %arg1, %mul3A_384 : i32
    "tpu.region"() ({
      %run_scoped3A_390 = tpu.sem_alloc : memref<!tpu.dma_semaphore, #tpu.memory_space<semaphore_mem>>
      %dma_start3A_391 = arith.constant 0 : i32
      %dma_start3A_392 = tpu.memref_slice %arg7[%arg0, %mul3A_385, %dma_start3A_391] : memref<2x10112x16xf32, #tpu.memory_space<hbm>> -> memref<1x632x16xf32, #tpu.memory_space<hbm>>
      %dma_start3A_393 = tpu.memref_squeeze %dma_start3A_392 : memref<1x632x16xf32, #tpu.memory_space<hbm>> -> memref<632x16xf32, #tpu.memory_space<hbm>>
      %dma_start3A_394 = arith.constant 0 : i32
      %dma_start3A_395 = tpu.memref_slice %arg7[%arg0, %mul3A_385, %dma_start3A_394] : memref<2x10112x16xf32, #tpu.memory_space<hbm>> -> memref<1x632x16xf32, #tpu.memory_space<hbm>>
      %dma_start3A_396 = tpu.memref_squeeze %dma_start3A_395 : memref<1x632x16xf32, #tpu.memory_space<hbm>> -> memref<632x16xf32, #tpu.memory_space<hbm>>
      tpu.enqueue_dma source(%arg15 : memref<632x16xf32, #tpu.memory_space<vmem>>) target(%dma_start3A_396 : memref<632x16xf32, #tpu.memory_space<hbm>>) target_semaphore(%run_scoped3A_390 : memref<!tpu.dma_semaphore, #tpu.memory_space<semaphore_mem>>)
      %dma_wait3A_397 = arith.constant 0 : i32
      %dma_wait3A_398 = tpu.memref_slice %arg7[%arg0, %mul3A_385, %dma_wait3A_397] : memref<2x10112x16xf32, #tpu.memory_space<hbm>> -> memref<1x632x16xf32, #tpu.memory_space<hbm>>
      %dma_wait3A_399 = tpu.memref_squeeze %dma_wait3A_398 : memref<1x632x16xf32, #tpu.memory_space<hbm>> -> memref<632x16xf32, #tpu.memory_space<hbm>>
      %dma_wait3A_400 = arith.constant 0 : i32
      %dma_wait3A_401 = tpu.memref_slice %arg7[%arg0, %mul3A_385, %dma_wait3A_400] : memref<2x10112x16xf32, #tpu.memory_space<hbm>> -> memref<1x632x16xf32, #tpu.memory_space<hbm>>
      %dma_wait3A_402 = tpu.memref_squeeze %dma_wait3A_401 : memref<1x632x16xf32, #tpu.memory_space<hbm>> -> memref<632x16xf32, #tpu.memory_space<hbm>>
      tpu.wait_dma2 semaphore(%run_scoped3A_390 : memref<!tpu.dma_semaphore, #tpu.memory_space<semaphore_mem>>) src(%arg15 : memref<632x16xf32, #tpu.memory_space<vmem>>) dst(%dma_wait3A_402 : memref<632x16xf32, #tpu.memory_space<hbm>>)
      tpu.yield
    }) : () -> ()
    %mul3A_386 = arith.constant 632 : i32
    %mul3A_387 = arith.muli %arg1, %mul3A_386 : i32
    "tpu.region"() ({
      %run_scoped3A_390 = tpu.sem_alloc : memref<!tpu.dma_semaphore, #tpu.memory_space<semaphore_mem>>
      %dma_start3A_391 = arith.constant 0 : i32
      %dma_start3A_392 = tpu.memref_slice %arg17[%mul3A_387, %dma_start3A_391] : memref<10112x16xf32, #tpu.memory_space<vmem_shared>> -> memref<632x16xf32, #tpu.memory_space<vmem_shared>>
      %dma_start3A_393 = arith.constant 0 : i32
      %dma_start3A_394 = tpu.memref_slice %arg17[%mul3A_387, %dma_start3A_393] : memref<10112x16xf32, #tpu.memory_space<vmem_shared>> -> memref<632x16xf32, #tpu.memory_space<vmem_shared>>
      tpu.enqueue_dma source(%dma_start3A_394 : memref<632x16xf32, #tpu.memory_space<vmem_shared>>) target(%arg15 : memref<632x16xf32, #tpu.memory_space<vmem>>) target_semaphore(%run_scoped3A_390 : memref<!tpu.dma_semaphore, #tpu.memory_space<semaphore_mem>>)
      %dma_wait3A_395 = arith.constant 0 : i32
      %dma_wait3A_396 = tpu.memref_slice %arg17[%mul3A_387, %dma_wait3A_395] : memref<10112x16xf32, #tpu.memory_space<vmem_shared>> -> memref<632x16xf32, #tpu.memory_space<vmem_shared>>
      %dma_wait3A_397 = arith.constant 0 : i32
      %dma_wait3A_398 = tpu.memref_slice %arg17[%mul3A_387, %dma_wait3A_397] : memref<10112x16xf32, #tpu.memory_space<vmem_shared>> -> memref<632x16xf32, #tpu.memory_space<vmem_shared>>
      tpu.wait_dma2 semaphore(%run_scoped3A_390 : memref<!tpu.dma_semaphore, #tpu.memory_space<semaphore_mem>>) src(%dma_wait3A_398 : memref<632x16xf32, #tpu.memory_space<vmem_shared>>) dst(%arg15 : memref<632x16xf32, #tpu.memory_space<vmem>>)
      tpu.yield
    }) : () -> ()
    %mul3A_388 = arith.constant 632 : i32
    %mul3A_389 = arith.muli %arg1, %mul3A_388 : i32
    "tpu.region"() ({
      %run_scoped3A_390 = tpu.sem_alloc : memref<!tpu.dma_semaphore, #tpu.memory_space<semaphore_mem>>
      %dma_start3A_391 = arith.constant 0 : i32
      %dma_start3A_392 = tpu.memref_slice %arg8[%arg0, %mul3A_389, %dma_start3A_391] : memref<2x10112x16xf32, #tpu.memory_space<hbm>> -> memref<1x632x16xf32, #tpu.memory_space<hbm>>
      %dma_start3A_393 = tpu.memref_squeeze %dma_start3A_392 : memref<1x632x16xf32, #tpu.memory_space<hbm>> -> memref<632x16xf32, #tpu.memory_space<hbm>>
      %dma_start3A_394 = arith.constant 0 : i32
      %dma_start3A_395 = tpu.memref_slice %arg8[%arg0, %mul3A_389, %dma_start3A_394] : memref<2x10112x16xf32, #tpu.memory_space<hbm>> -> memref<1x632x16xf32, #tpu.memory_space<hbm>>
      %dma_start3A_396 = tpu.memref_squeeze %dma_start3A_395 : memref<1x632x16xf32, #tpu.memory_space<hbm>> -> memref<632x16xf32, #tpu.memory_space<hbm>>
      tpu.enqueue_dma source(%arg15 : memref<632x16xf32, #tpu.memory_space<vmem>>) target(%dma_start3A_396 : memref<632x16xf32, #tpu.memory_space<hbm>>) target_semaphore(%run_scoped3A_390 : memref<!tpu.dma_semaphore, #tpu.memory_space<semaphore_mem>>)
      %dma_wait3A_397 = arith.constant 0 : i32
      %dma_wait3A_398 = tpu.memref_slice %arg8[%arg0, %mul3A_389, %dma_wait3A_397] : memref<2x10112x16xf32, #tpu.memory_space<hbm>> -> memref<1x632x16xf32, #tpu.memory_space<hbm>>
      %dma_wait3A_399 = tpu.memref_squeeze %dma_wait3A_398 : memref<1x632x16xf32, #tpu.memory_space<hbm>> -> memref<632x16xf32, #tpu.memory_space<hbm>>
      %dma_wait3A_400 = arith.constant 0 : i32
      %dma_wait3A_401 = tpu.memref_slice %arg8[%arg0, %mul3A_389, %dma_wait3A_400] : memref<2x10112x16xf32, #tpu.memory_space<hbm>> -> memref<1x632x16xf32, #tpu.memory_space<hbm>>
      %dma_wait3A_402 = tpu.memref_squeeze %dma_wait3A_401 : memref<1x632x16xf32, #tpu.memory_space<hbm>> -> memref<632x16xf32, #tpu.memory_space<hbm>>
      tpu.wait_dma2 semaphore(%run_scoped3A_390 : memref<!tpu.dma_semaphore, #tpu.memory_space<semaphore_mem>>) src(%arg15 : memref<632x16xf32, #tpu.memory_space<vmem>>) dst(%dma_wait3A_402 : memref<632x16xf32, #tpu.memory_space<hbm>>)
      tpu.yield
    }) : () -> ()
    return
  }
}

module attributes {stable_mosaic.version = 14 : i64} {
  func.func @_proj_body(%arg0: i32, %arg1: memref<2000x128xf32, #tpu.memory_space<vmem>>, %arg2: memref<128x16xf32, #tpu.memory_space<vmem>>, %arg3: memref<128x16xf32, #tpu.memory_space<vmem>>, %arg4: memref<2000x16xf32, #tpu.memory_space<vmem>>, %arg5: memref<2000x16xf32, #tpu.memory_space<vmem>>) attributes {dimension_semantics = [#tpu.dimension_semantics<arbitrary>], iteration_bounds = array<i64: 5>, scalar_prefetch = 0 : i64, scratch_operands = 0 : i64, tpu.core_type = #tpu.core_type<tc>, window_params = [{transform_indices = @transform_0, window_bounds = array<i64: 2000, 128>}, {pipeline_mode = #tpu.pipeline_mode<synchronous>, transform_indices = @transform_1, window_bounds = array<i64: 128, 16>}, {pipeline_mode = #tpu.pipeline_mode<synchronous>, transform_indices = @transform_2, window_bounds = array<i64: 128, 16>}, {transform_indices = @transform_3, window_bounds = array<i64: 2000, 16>}, {transform_indices = @transform_4, window_bounds = array<i64: 2000, 16>}]} {
    %get3A = arith.constant 0 : index
    %get3A_0 = arith.constant 0 : index
    %get3A_1 = vector.load %arg1[%get3A, %get3A_0] : memref<2000x128xf32, #tpu.memory_space<vmem>>, vector<2000x128xf32>
    %get3A_2 = arith.constant 0 : index
    %get3A_3 = arith.constant 0 : index
    %get3A_4 = vector.load %arg2[%get3A_2, %get3A_3] : memref<128x16xf32, #tpu.memory_space<vmem>>, vector<128x16xf32>
    %dot_general3A = arith.constant dense<0.000000e+00> : vector<2000x16xf32>
    %dot_general3A_5 = tpu.matmul %get3A_1, %get3A_4, %dot_general3A {dimension_numbers = #tpu.dot_dimension_numbers<[1], [0], [0], [1], [0, 0, 1, 1], [], []>, transpose_lhs_hint = false} : vector<2000x128xf32>, vector<128x16xf32>, vector<2000x16xf32> -> vector<2000x16xf32>
    %swap3A = arith.constant 0 : index
    %swap3A_6 = arith.constant 0 : index
    %swap3A_7 = vector.load %arg4[%swap3A, %swap3A_6] : memref<2000x16xf32, #tpu.memory_space<vmem>>, vector<2000x16xf32>
    tpu.vector_store %arg4[%swap3A, %swap3A_6], %dot_general3A_5 {strides = array<i32>} : memref<2000x16xf32, #tpu.memory_space<vmem>>, vector<2000x16xf32>,
    %get3A_8 = arith.constant 0 : index
    %get3A_9 = arith.constant 0 : index
    %get3A_10 = vector.load %arg3[%get3A_8, %get3A_9] : memref<128x16xf32, #tpu.memory_space<vmem>>, vector<128x16xf32>
    %dot_general3A_11 = arith.constant dense<0.000000e+00> : vector<2000x16xf32>
    %dot_general3A_12 = tpu.matmul %get3A_1, %get3A_10, %dot_general3A_11 {dimension_numbers = #tpu.dot_dimension_numbers<[1], [0], [0], [1], [0, 0, 1, 1], [], []>, transpose_lhs_hint = false} : vector<2000x128xf32>, vector<128x16xf32>, vector<2000x16xf32> -> vector<2000x16xf32>
    %swap3A_13 = arith.constant 0 : index
    %swap3A_14 = arith.constant 0 : index
    %swap3A_15 = vector.load %arg5[%swap3A_13, %swap3A_14] : memref<2000x16xf32, #tpu.memory_space<vmem>>, vector<2000x16xf32>
    tpu.vector_store %arg5[%swap3A_13, %swap3A_14], %dot_general3A_12 {strides = array<i32>} : memref<2000x16xf32, #tpu.memory_space<vmem>>, vector<2000x16xf32>,
    return
  }
  func.func @transform_0(%arg0: i32) -> (i32, i32) {
    %c0_i32 = arith.constant 0 : i32
    %c0_i32_0 = arith.constant 0 : i32
    return %arg0, %c0_i32 : i32, i32
  }
  func.func @transform_1(%arg0: i32) -> (i32, i32) {
    %c0_i32 = arith.constant 0 : i32
    %c0_i32_0 = arith.constant 0 : i32
    %c0_i32_1 = arith.constant 0 : i32
    return %c0_i32, %c0_i32_0 : i32, i32
  }
  func.func @transform_2(%arg0: i32) -> (i32, i32) {
    %c0_i32 = arith.constant 0 : i32
    %c0_i32_0 = arith.constant 0 : i32
    %c0_i32_1 = arith.constant 0 : i32
    return %c0_i32, %c0_i32_0 : i32, i32
  }
  func.func @transform_3(%arg0: i32) -> (i32, i32) {
    %c0_i32 = arith.constant 0 : i32
    %c0_i32_0 = arith.constant 0 : i32
    return %arg0, %c0_i32 : i32, i32
  }
  func.func @transform_4(%arg0: i32) -> (i32, i32) {
    %c0_i32 = arith.constant 0 : i32
    %c0_i32_0 = arith.constant 0 : i32
    return %arg0, %c0_i32 : i32, i32
  }
}

module attributes {stable_mosaic.version = 14 : i64} {
  func.func @_ebase_body(%arg0: i32, %arg1: memref<16x32000xf32, #tpu.memory_space<vmem>>, %arg2: memref<16x16xf32, #tpu.memory_space<vmem>>, %arg3: memref<16x128xf32, #tpu.memory_space<vmem>>, %arg4: memref<128x1xf32, #tpu.memory_space<vmem>>, %arg5: memref<16x1xf32, #tpu.memory_space<vmem>>, %arg6: memref<16x32000xf32, #tpu.memory_space<vmem>>) attributes {dimension_semantics = [#tpu.dimension_semantics<arbitrary>], iteration_bounds = array<i64: 10>, scalar_prefetch = 0 : i64, scratch_operands = 0 : i64, tpu.core_type = #tpu.core_type<tc>, window_params = [{transform_indices = @transform_0, window_bounds = array<i64: 16, 32000>}, {pipeline_mode = #tpu.pipeline_mode<synchronous>, transform_indices = @transform_1, window_bounds = array<i64: 16, 16>}, {pipeline_mode = #tpu.pipeline_mode<synchronous>, transform_indices = @transform_2, window_bounds = array<i64: 16, 128>}, {pipeline_mode = #tpu.pipeline_mode<synchronous>, transform_indices = @transform_3, window_bounds = array<i64: 128, 1>}, {pipeline_mode = #tpu.pipeline_mode<synchronous>, transform_indices = @transform_4, window_bounds = array<i64: 16, 1>}, {transform_indices = @transform_5, window_bounds = array<i64: 16, 32000>}]} {
    %get3A = arith.constant 0 : index
    %get3A_0 = arith.constant 0 : index
    %get3A_1 = vector.load %arg3[%get3A, %get3A_0] : memref<16x128xf32, #tpu.memory_space<vmem>>, vector<16x128xf32>
    %get3A_2 = arith.constant 0 : index
    %get3A_3 = arith.constant 0 : index
    %get3A_4 = vector.load %arg4[%get3A_2, %get3A_3] : memref<128x1xf32, #tpu.memory_space<vmem>>, vector<128x1xf32>
    %dot_general3A = arith.constant dense<0.000000e+00> : vector<16x1xf32>
    %dot_general3A_5 = tpu.matmul %get3A_1, %get3A_4, %dot_general3A {dimension_numbers = #tpu.dot_dimension_numbers<[1], [0], [0], [1], [0, 0, 1, 1], [], []>, transpose_lhs_hint = false} : vector<16x128xf32>, vector<128x1xf32>, vector<16x1xf32> -> vector<16x1xf32>
    %get3A_6 = arith.constant 0 : index
    %get3A_7 = arith.constant 0 : index
    %get3A_8 = vector.load %arg2[%get3A_6, %get3A_7] : memref<16x16xf32, #tpu.memory_space<vmem>>, vector<16x16xf32>
    %get3A_9 = arith.constant 0 : index
    %get3A_10 = arith.constant 0 : index
    %get3A_11 = vector.load %arg1[%get3A_9, %get3A_10] : memref<16x32000xf32, #tpu.memory_space<vmem>>, vector<16x32000xf32>
    %dot_general3A_12 = arith.constant dense<0.000000e+00> : vector<16x32000xf32>
    %dot_general3A_13 = tpu.matmul %get3A_8, %get3A_11, %dot_general3A_12 {dimension_numbers = #tpu.dot_dimension_numbers<[1], [0], [0], [1], [0, 0, 1, 1], [], []>, transpose_lhs_hint = false} : vector<16x16xf32>, vector<16x32000xf32>, vector<16x32000xf32> -> vector<16x32000xf32>
    %add3A = vector.broadcast %dot_general3A_5 : vector<16x1xf32> to vector<16x32000xf32>
    %add3A_14 = arith.addf %dot_general3A_13, %add3A : vector<16x32000xf32>
    %get3A_15 = arith.constant 0 : index
    %get3A_16 = arith.constant 0 : index
    %get3A_17 = vector.load %arg5[%get3A_15, %get3A_16] : memref<16x1xf32, #tpu.memory_space<vmem>>, vector<16x1xf32>
    %add3A_18 = vector.broadcast %get3A_17 : vector<16x1xf32> to vector<16x32000xf32>
    %add3A_19 = arith.addf %add3A_14, %add3A_18 : vector<16x32000xf32>
    %swap3A = arith.constant 0 : index
    %swap3A_20 = arith.constant 0 : index
    %swap3A_21 = vector.load %arg6[%swap3A, %swap3A_20] : memref<16x32000xf32, #tpu.memory_space<vmem>>, vector<16x32000xf32>
    tpu.vector_store %arg6[%swap3A, %swap3A_20], %add3A_19 {strides = array<i32>} : memref<16x32000xf32, #tpu.memory_space<vmem>>, vector<16x32000xf32>,
    return
  }
  func.func @transform_0(%arg0: i32) -> (i32, i32) {
    %c0_i32 = arith.constant 0 : i32
    %c0_i32_0 = arith.constant 0 : i32
    return %c0_i32, %arg0 : i32, i32
  }
  func.func @transform_1(%arg0: i32) -> (i32, i32) {
    %c0_i32 = arith.constant 0 : i32
    %c0_i32_0 = arith.constant 0 : i32
    %c0_i32_1 = arith.constant 0 : i32
    return %c0_i32, %c0_i32_0 : i32, i32
  }
  func.func @transform_2(%arg0: i32) -> (i32, i32) {
    %c0_i32 = arith.constant 0 : i32
    %c0_i32_0 = arith.constant 0 : i32
    %c0_i32_1 = arith.constant 0 : i32
    return %c0_i32, %c0_i32_0 : i32, i32
  }
  func.func @transform_3(%arg0: i32) -> (i32, i32) {
    %c0_i32 = arith.constant 0 : i32
    %c0_i32_0 = arith.constant 0 : i32
    %c0_i32_1 = arith.constant 0 : i32
    return %c0_i32, %c0_i32_0 : i32, i32
  }
  func.func @transform_4(%arg0: i32) -> (i32, i32) {
    %c0_i32 = arith.constant 0 : i32
    %c0_i32_0 = arith.constant 0 : i32
    %c0_i32_1 = arith.constant 0 : i32
    return %c0_i32, %c0_i32_0 : i32, i32
  }
  func.func @transform_5(%arg0: i32) -> (i32, i32) {
    %c0_i32 = arith.constant 0 : i32
    %c0_i32_0 = arith.constant 0 : i32
    return %c0_i32, %arg0 : i32, i32
  }
}

module attributes {stable_mosaic.version = 14 : i64} {
  func.func @_node_body(%arg0: i32, %arg1: memref<2000x128xf32, #tpu.memory_space<vmem>>, %arg2: memref<2x2000x16xf32, #tpu.memory_space<vmem>>, %arg3: memref<2x2000x16xf32, #tpu.memory_space<vmem>>, %arg4: memref<128x128xf32, #tpu.memory_space<vmem>>, %arg5: memref<16x128xf32, #tpu.memory_space<vmem>>, %arg6: memref<16x128xf32, #tpu.memory_space<vmem>>, %arg7: memref<1x128xf32, #tpu.memory_space<vmem>>, %arg8: memref<128x128xf32, #tpu.memory_space<vmem>>, %arg9: memref<1x128xf32, #tpu.memory_space<vmem>>, %arg10: memref<128x128xf32, #tpu.memory_space<vmem>>, %arg11: memref<16x128xf32, #tpu.memory_space<vmem>>, %arg12: memref<128x128xf32, #tpu.memory_space<vmem>>, %arg13: memref<1x128xf32, #tpu.memory_space<vmem>>, %arg14: memref<2000x128xf32, #tpu.memory_space<vmem>>, %arg15: memref<1x128xf32, #tpu.memory_space<vmem>>, %arg16: memref<1x128xf32, #tpu.memory_space<vmem>>, %arg17: memref<1x16xf32, #tpu.memory_space<vmem>>) attributes {dimension_semantics = [#tpu.dimension_semantics<arbitrary>], iteration_bounds = array<i64: 5>, scalar_prefetch = 0 : i64, scratch_operands = 2 : i64, tpu.core_type = #tpu.core_type<tc>, window_params = [{transform_indices = @transform_0, window_bounds = array<i64: 2000, 128>}, {transform_indices = @transform_1, window_bounds = array<i64: 2, 2000, 16>}, {transform_indices = @transform_2, window_bounds = array<i64: 2, 2000, 16>}, {pipeline_mode = #tpu.pipeline_mode<synchronous>, transform_indices = @transform_3, window_bounds = array<i64: 128, 128>}, {pipeline_mode = #tpu.pipeline_mode<synchronous>, transform_indices = @transform_4, window_bounds = array<i64: 16, 128>}, {pipeline_mode = #tpu.pipeline_mode<synchronous>, transform_indices = @transform_5, window_bounds = array<i64: 16, 128>}, {pipeline_mode = #tpu.pipeline_mode<synchronous>, transform_indices = @transform_6, window_bounds = array<i64: 1, 128>}, {pipeline_mode = #tpu.pipeline_mode<synchronous>, transform_indices = @transform_7, window_bounds = array<i64: 128, 128>}, {pipeline_mode = #tpu.pipeline_mode<synchronous>, transform_indices = @transform_8, window_bounds = array<i64: 1, 128>}, {pipeline_mode = #tpu.pipeline_mode<synchronous>, transform_indices = @transform_9, window_bounds = array<i64: 128, 128>}, {pipeline_mode = #tpu.pipeline_mode<synchronous>, transform_indices = @transform_10, window_bounds = array<i64: 16, 128>}, {pipeline_mode = #tpu.pipeline_mode<synchronous>, transform_indices = @transform_11, window_bounds = array<i64: 128, 128>}, {pipeline_mode = #tpu.pipeline_mode<synchronous>, transform_indices = @transform_12, window_bounds = array<i64: 1, 128>}, {transform_indices = @transform_13, window_bounds = array<i64: 2000, 128>}, {pipeline_mode = #tpu.pipeline_mode<synchronous>, transform_indices = @transform_14, window_bounds = array<i64: 1, 128>}]} {
    %eq3A = arith.constant 0 : i32
    %eq3A_0 = arith.cmpi eq, %arg0, %eq3A : i32
    %convert_element_type3A = arith.extui %eq3A_0 : i1 to i32
    %cond3A = arith.constant 0 : i32
    %cond3A_1 = arith.cmpi ne, %convert_element_type3A, %cond3A : i32
    scf.if %cond3A_1 {
      %broadcast_in_dim3A_83 = arith.constant 0.000000e+00 : f32
      %broadcast_in_dim3A_84 = vector.broadcast %broadcast_in_dim3A_83 : f32 to vector<1x128xf32>
      %swap3A_85 = arith.constant 0 : index
      %swap3A_86 = arith.constant 0 : index
      %swap3A_87 = vector.load %arg16[%swap3A_85, %swap3A_86] : memref<1x128xf32, #tpu.memory_space<vmem>>, vector<1x128xf32>
      tpu.vector_store %arg16[%swap3A_85, %swap3A_86], %broadcast_in_dim3A_84 {strides = array<i32>} : memref<1x128xf32, #tpu.memory_space<vmem>>, vector<1x128xf32>,
      %broadcast_in_dim3A_88 = arith.constant 0.000000e+00 : f32
      %broadcast_in_dim3A_89 = vector.broadcast %broadcast_in_dim3A_88 : f32 to vector<1x16xf32>
      %swap3A_90 = arith.constant 0 : index
      %swap3A_91 = arith.constant 0 : index
      %swap3A_92 = vector.load %arg17[%swap3A_90, %swap3A_91] : memref<1x16xf32, #tpu.memory_space<vmem>>, vector<1x16xf32>
      tpu.vector_store %arg17[%swap3A_90, %swap3A_91], %broadcast_in_dim3A_89 {strides = array<i32>} : memref<1x16xf32, #tpu.memory_space<vmem>>, vector<1x16xf32>,
    } else {
    }
    %get3A = arith.constant 0 : index
    %get3A_2 = arith.constant 0 : index
    %get3A_3 = arith.constant 0 : index
    %get3A_4 = vector.load %arg2[%get3A, %get3A_2, %get3A_3] : memref<2x2000x16xf32, #tpu.memory_space<vmem>>, vector<1x2000x16xf32>
    %get3A_5 = vector.shape_cast %get3A_4 : vector<1x2000x16xf32> to vector<2000x16xf32>
    %get3A_6 = arith.constant 1 : index
    %get3A_7 = arith.constant 0 : index
    %get3A_8 = arith.constant 0 : index
    %get3A_9 = vector.load %arg2[%get3A_6, %get3A_7, %get3A_8] : memref<2x2000x16xf32, #tpu.memory_space<vmem>>, vector<1x2000x16xf32>
    %get3A_10 = vector.shape_cast %get3A_9 : vector<1x2000x16xf32> to vector<2000x16xf32>
    %add3A = arith.addf %get3A_5, %get3A_10 : vector<2000x16xf32>
    %get3A_11 = arith.constant 0 : index
    %get3A_12 = arith.constant 0 : index
    %get3A_13 = arith.constant 0 : index
    %get3A_14 = vector.load %arg3[%get3A_11, %get3A_12, %get3A_13] : memref<2x2000x16xf32, #tpu.memory_space<vmem>>, vector<1x2000x16xf32>
    %get3A_15 = vector.shape_cast %get3A_14 : vector<1x2000x16xf32> to vector<2000x16xf32>
    %get3A_16 = arith.constant 1 : index
    %get3A_17 = arith.constant 0 : index
    %get3A_18 = arith.constant 0 : index
    %get3A_19 = vector.load %arg3[%get3A_16, %get3A_17, %get3A_18] : memref<2x2000x16xf32, #tpu.memory_space<vmem>>, vector<1x2000x16xf32>
    %get3A_20 = vector.shape_cast %get3A_19 : vector<1x2000x16xf32> to vector<2000x16xf32>
    %add3A_21 = arith.addf %get3A_15, %get3A_20 : vector<2000x16xf32>
    %get3A_22 = arith.constant 0 : index
    %get3A_23 = arith.constant 0 : index
    %get3A_24 = vector.load %arg7[%get3A_22, %get3A_23] : memref<1x128xf32, #tpu.memory_space<vmem>>, vector<1x128xf32>
    %get3A_25 = arith.constant 0 : index
    %get3A_26 = arith.constant 0 : index
    %get3A_27 = vector.load %arg8[%get3A_25, %get3A_26] : memref<128x128xf32, #tpu.memory_space<vmem>>, vector<128x128xf32>
    %dot_general3A = arith.constant dense<0.000000e+00> : vector<1x128xf32>
    %dot_general3A_28 = tpu.matmul %get3A_24, %get3A_27, %dot_general3A {dimension_numbers = #tpu.dot_dimension_numbers<[1], [0], [0], [1], [0, 0, 1, 1], [], []>, transpose_lhs_hint = false} : vector<1x128xf32>, vector<128x128xf32>, vector<1x128xf32> -> vector<1x128xf32>
    %get3A_29 = arith.constant 0 : index
    %get3A_30 = arith.constant 0 : index
    %get3A_31 = vector.load %arg1[%get3A_29, %get3A_30] : memref<2000x128xf32, #tpu.memory_space<vmem>>, vector<2000x128xf32>
    %get3A_32 = arith.constant 0 : index
    %get3A_33 = arith.constant 0 : index
    %get3A_34 = vector.load %arg4[%get3A_32, %get3A_33] : memref<128x128xf32, #tpu.memory_space<vmem>>, vector<128x128xf32>
    %dot_general3A_35 = arith.constant dense<0.000000e+00> : vector<2000x128xf32>
    %dot_general3A_36 = tpu.matmul %get3A_31, %get3A_34, %dot_general3A_35 {dimension_numbers = #tpu.dot_dimension_numbers<[1], [0], [0], [1], [0, 0, 1, 1], [], []>, transpose_lhs_hint = false} : vector<2000x128xf32>, vector<128x128xf32>, vector<2000x128xf32> -> vector<2000x128xf32>
    %get3A_37 = arith.constant 0 : index
    %get3A_38 = arith.constant 0 : index
    %get3A_39 = vector.load %arg5[%get3A_37, %get3A_38] : memref<16x128xf32, #tpu.memory_space<vmem>>, vector<16x128xf32>
    %dot_general3A_40 = arith.constant dense<0.000000e+00> : vector<2000x128xf32>
    %dot_general3A_41 = tpu.matmul %add3A, %get3A_39, %dot_general3A_40 {dimension_numbers = #tpu.dot_dimension_numbers<[1], [0], [0], [1], [0, 0, 1, 1], [], []>, transpose_lhs_hint = false} : vector<2000x16xf32>, vector<16x128xf32>, vector<2000x128xf32> -> vector<2000x128xf32>
    %add3A_42 = arith.addf %dot_general3A_36, %dot_general3A_41 : vector<2000x128xf32>
    %get3A_43 = arith.constant 0 : index
    %get3A_44 = arith.constant 0 : index
    %get3A_45 = vector.load %arg6[%get3A_43, %get3A_44] : memref<16x128xf32, #tpu.memory_space<vmem>>, vector<16x128xf32>
    %dot_general3A_46 = arith.constant dense<0.000000e+00> : vector<2000x128xf32>
    %dot_general3A_47 = tpu.matmul %add3A_21, %get3A_45, %dot_general3A_46 {dimension_numbers = #tpu.dot_dimension_numbers<[1], [0], [0], [1], [0, 0, 1, 1], [], []>, transpose_lhs_hint = false} : vector<2000x16xf32>, vector<16x128xf32>, vector<2000x128xf32> -> vector<2000x128xf32>
    %add3A_48 = arith.addf %add3A_42, %dot_general3A_47 : vector<2000x128xf32>
    %add3A_49 = vector.broadcast %dot_general3A_28 : vector<1x128xf32> to vector<2000x128xf32>
    %add3A_50 = arith.addf %add3A_48, %add3A_49 : vector<2000x128xf32>
    %get3A_51 = arith.constant 0 : index
    %get3A_52 = arith.constant 0 : index
    %get3A_53 = vector.load %arg9[%get3A_51, %get3A_52] : memref<1x128xf32, #tpu.memory_space<vmem>>, vector<1x128xf32>
    %add3A_54 = vector.broadcast %get3A_53 : vector<1x128xf32> to vector<2000x128xf32>
    %add3A_55 = arith.addf %add3A_50, %add3A_54 : vector<2000x128xf32>
    %max3A = arith.constant 0.000000e+00 : f32
    %max3A_56 = vector.broadcast %max3A : f32 to vector<2000x128xf32>
    %max3A_57 = arith.maximumf %add3A_55, %max3A_56 : vector<2000x128xf32>
    %swap3A = arith.constant 0 : index
    %swap3A_58 = arith.constant 0 : index
    %swap3A_59 = vector.load %arg14[%swap3A, %swap3A_58] : memref<2000x128xf32, #tpu.memory_space<vmem>>, vector<2000x128xf32>
    tpu.vector_store %arg14[%swap3A, %swap3A_58], %max3A_57 {strides = array<i32>} : memref<2000x128xf32, #tpu.memory_space<vmem>>, vector<2000x128xf32>,
    %get3A_60 = arith.constant 0 : index
    %get3A_61 = arith.constant 0 : index
    %get3A_62 = vector.load %arg16[%get3A_60, %get3A_61] : memref<1x128xf32, #tpu.memory_space<vmem>>, vector<1x128xf32>
    %reduce_sum3A = arith.constant dense<0.000000e+00> : vector<128xf32>
    %reduce_sum3A_63 = vector.multi_reduction <add>, %max3A_57, %reduce_sum3A [0] : vector<2000x128xf32> to vector<128xf32>
    %broadcast_in_dim3A = vector.shape_cast %reduce_sum3A_63 : vector<128xf32> to vector<1x128xf32>
    %add3A_64 = arith.addf %get3A_62, %broadcast_in_dim3A : vector<1x128xf32>
    %swap3A_65 = arith.constant 0 : index
    %swap3A_66 = arith.constant 0 : index
    %swap3A_67 = vector.load %arg16[%swap3A_65, %swap3A_66] : memref<1x128xf32, #tpu.memory_space<vmem>>, vector<1x128xf32>
    tpu.vector_store %arg16[%swap3A_65, %swap3A_66], %add3A_64 {strides = array<i32>} : memref<1x128xf32, #tpu.memory_space<vmem>>, vector<1x128xf32>,
    %get3A_68 = arith.constant 0 : index
    %get3A_69 = arith.constant 0 : index
    %get3A_70 = vector.load %arg17[%get3A_68, %get3A_69] : memref<1x16xf32, #tpu.memory_space<vmem>>, vector<1x16xf32>
    %reduce_sum3A_71 = arith.constant dense<0.000000e+00> : vector<16xf32>
    %reduce_sum3A_72 = vector.multi_reduction <add>, %add3A, %reduce_sum3A_71 [0] : vector<2000x16xf32> to vector<16xf32>
    %broadcast_in_dim3A_73 = vector.shape_cast %reduce_sum3A_72 : vector<16xf32> to vector<1x16xf32>
    %add3A_74 = arith.addf %get3A_70, %broadcast_in_dim3A_73 : vector<1x16xf32>
    %swap3A_75 = arith.constant 0 : index
    %swap3A_76 = arith.constant 0 : index
    %swap3A_77 = vector.load %arg17[%swap3A_75, %swap3A_76] : memref<1x16xf32, #tpu.memory_space<vmem>>, vector<1x16xf32>
    tpu.vector_store %arg17[%swap3A_75, %swap3A_76], %add3A_74 {strides = array<i32>} : memref<1x16xf32, #tpu.memory_space<vmem>>, vector<1x16xf32>,
    %eq3A_78 = arith.constant 4 : i32
    %eq3A_79 = arith.cmpi eq, %arg0, %eq3A_78 : i32
    %convert_element_type3A_80 = arith.extui %eq3A_79 : i1 to i32
    %cond3A_81 = arith.constant 0 : i32
    %cond3A_82 = arith.cmpi ne, %convert_element_type3A_80, %cond3A_81 : i32
    scf.if %cond3A_82 {
      %get3A_83 = arith.constant 0 : index
      %get3A_84 = arith.constant 0 : index
      %get3A_85 = vector.load %arg16[%get3A_83, %get3A_84] : memref<1x128xf32, #tpu.memory_space<vmem>>, vector<1x128xf32>
      %mul3A = arith.constant 9.99999974E-5 : f32
      %mul3A_86 = vector.broadcast %mul3A : f32 to vector<1x128xf32>
      %mul3A_87 = arith.mulf %get3A_85, %mul3A_86 : vector<1x128xf32>
      %get3A_88 = arith.constant 0 : index
      %get3A_89 = arith.constant 0 : index
      %get3A_90 = vector.load %arg17[%get3A_88, %get3A_89] : memref<1x16xf32, #tpu.memory_space<vmem>>, vector<1x16xf32>
      %mul3A_91 = arith.constant 3.125000e-06 : f32
      %mul3A_92 = vector.broadcast %mul3A_91 : f32 to vector<1x16xf32>
      %mul3A_93 = arith.mulf %get3A_90, %mul3A_92 : vector<1x16xf32>
      %get3A_94 = arith.constant 0 : index
      %get3A_95 = arith.constant 0 : index
      %get3A_96 = vector.load %arg10[%get3A_94, %get3A_95] : memref<128x128xf32, #tpu.memory_space<vmem>>, vector<128x128xf32>
      %dot_general3A_97 = arith.constant dense<0.000000e+00> : vector<1x128xf32>
      %dot_general3A_98 = tpu.matmul %mul3A_87, %get3A_96, %dot_general3A_97 {dimension_numbers = #tpu.dot_dimension_numbers<[1], [0], [0], [1], [0, 0, 1, 1], [], []>, transpose_lhs_hint = false} : vector<1x128xf32>, vector<128x128xf32>, vector<1x128xf32> -> vector<1x128xf32>
      %get3A_99 = arith.constant 0 : index
      %get3A_100 = arith.constant 0 : index
      %get3A_101 = vector.load %arg11[%get3A_99, %get3A_100] : memref<16x128xf32, #tpu.memory_space<vmem>>, vector<16x128xf32>
      %dot_general3A_102 = arith.constant dense<0.000000e+00> : vector<1x128xf32>
      %dot_general3A_103 = tpu.matmul %mul3A_93, %get3A_101, %dot_general3A_102 {dimension_numbers = #tpu.dot_dimension_numbers<[1], [0], [0], [1], [0, 0, 1, 1], [], []>, transpose_lhs_hint = false} : vector<1x16xf32>, vector<16x128xf32>, vector<1x128xf32> -> vector<1x128xf32>
      %add3A_104 = arith.addf %dot_general3A_98, %dot_general3A_103 : vector<1x128xf32>
      %get3A_105 = arith.constant 0 : index
      %get3A_106 = arith.constant 0 : index
      %get3A_107 = vector.load %arg7[%get3A_105, %get3A_106] : memref<1x128xf32, #tpu.memory_space<vmem>>, vector<1x128xf32>
      %get3A_108 = arith.constant 0 : index
      %get3A_109 = arith.constant 0 : index
      %get3A_110 = vector.load %arg12[%get3A_108, %get3A_109] : memref<128x128xf32, #tpu.memory_space<vmem>>, vector<128x128xf32>
      %dot_general3A_111 = arith.constant dense<0.000000e+00> : vector<1x128xf32>
      %dot_general3A_112 = tpu.matmul %get3A_107, %get3A_110, %dot_general3A_111 {dimension_numbers = #tpu.dot_dimension_numbers<[1], [0], [0], [1], [0, 0, 1, 1], [], []>, transpose_lhs_hint = false} : vector<1x128xf32>, vector<128x128xf32>, vector<1x128xf32> -> vector<1x128xf32>
      %add3A_113 = arith.addf %add3A_104, %dot_general3A_112 : vector<1x128xf32>
      %get3A_114 = arith.constant 0 : index
      %get3A_115 = arith.constant 0 : index
      %get3A_116 = vector.load %arg13[%get3A_114, %get3A_115] : memref<1x128xf32, #tpu.memory_space<vmem>>, vector<1x128xf32>
      %add3A_117 = arith.addf %add3A_113, %get3A_116 : vector<1x128xf32>
      %max3A_118 = arith.constant 0.000000e+00 : f32
      %max3A_119 = vector.broadcast %max3A_118 : f32 to vector<1x128xf32>
      %max3A_120 = arith.maximumf %add3A_117, %max3A_119 : vector<1x128xf32>
      %swap3A_121 = arith.constant 0 : index
      %swap3A_122 = arith.constant 0 : index
      %swap3A_123 = vector.load %arg15[%swap3A_121, %swap3A_122] : memref<1x128xf32, #tpu.memory_space<vmem>>, vector<1x128xf32>
      tpu.vector_store %arg15[%swap3A_121, %swap3A_122], %max3A_120 {strides = array<i32>} : memref<1x128xf32, #tpu.memory_space<vmem>>, vector<1x128xf32>,
    } else {
    }
    return
  }
  func.func @transform_0(%arg0: i32) -> (i32, i32) {
    %c0_i32 = arith.constant 0 : i32
    %c0_i32_0 = arith.constant 0 : i32
    return %arg0, %c0_i32 : i32, i32
  }
  func.func @transform_1(%arg0: i32) -> (i32, i32, i32) {
    %c0_i32 = arith.constant 0 : i32
    %c0_i32_0 = arith.constant 0 : i32
    %c0_i32_1 = arith.constant 0 : i32
    return %c0_i32, %arg0, %c0_i32_0 : i32, i32, i32
  }
  func.func @transform_2(%arg0: i32) -> (i32, i32, i32) {
    %c0_i32 = arith.constant 0 : i32
    %c0_i32_0 = arith.constant 0 : i32
    %c0_i32_1 = arith.constant 0 : i32
    return %c0_i32, %arg0, %c0_i32_0 : i32, i32, i32
  }
  func.func @transform_3(%arg0: i32) -> (i32, i32) {
    %c0_i32 = arith.constant 0 : i32
    %c0_i32_0 = arith.constant 0 : i32
    %c0_i32_1 = arith.constant 0 : i32
    return %c0_i32, %c0_i32_0 : i32, i32
  }
  func.func @transform_4(%arg0: i32) -> (i32, i32) {
    %c0_i32 = arith.constant 0 : i32
    %c0_i32_0 = arith.constant 0 : i32
    %c0_i32_1 = arith.constant 0 : i32
    return %c0_i32, %c0_i32_0 : i32, i32
  }
  func.func @transform_5(%arg0: i32) -> (i32, i32) {
    %c0_i32 = arith.constant 0 : i32
    %c0_i32_0 = arith.constant 0 : i32
    %c0_i32_1 = arith.constant 0 : i32
    return %c0_i32, %c0_i32_0 : i32, i32
  }
  func.func @transform_6(%arg0: i32) -> (i32, i32) {
    %c0_i32 = arith.constant 0 : i32
    %c0_i32_0 = arith.constant 0 : i32
    %c0_i32_1 = arith.constant 0 : i32
    return %c0_i32, %c0_i32_0 : i32, i32
  }
  func.func @transform_7(%arg0: i32) -> (i32, i32) {
    %c0_i32 = arith.constant 0 : i32
    %c0_i32_0 = arith.constant 0 : i32
    %c0_i32_1 = arith.constant 0 : i32
    return %c0_i32, %c0_i32_0 : i32, i32
  }
  func.func @transform_8(%arg0: i32) -> (i32, i32) {
    %c0_i32 = arith.constant 0 : i32
    %c0_i32_0 = arith.constant 0 : i32
    %c0_i32_1 = arith.constant 0 : i32
    return %c0_i32, %c0_i32_0 : i32, i32
  }
  func.func @transform_9(%arg0: i32) -> (i32, i32) {
    %c0_i32 = arith.constant 0 : i32
    %c0_i32_0 = arith.constant 0 : i32
    %c0_i32_1 = arith.constant 0 : i32
    return %c0_i32, %c0_i32_0 : i32, i32
  }
  func.func @transform_10(%arg0: i32) -> (i32, i32) {
    %c0_i32 = arith.constant 0 : i32
    %c0_i32_0 = arith.constant 0 : i32
    %c0_i32_1 = arith.constant 0 : i32
    return %c0_i32, %c0_i32_0 : i32, i32
  }
  func.func @transform_11(%arg0: i32) -> (i32, i32) {
    %c0_i32 = arith.constant 0 : i32
    %c0_i32_0 = arith.constant 0 : i32
    %c0_i32_1 = arith.constant 0 : i32
    return %c0_i32, %c0_i32_0 : i32, i32
  }
  func.func @transform_12(%arg0: i32) -> (i32, i32) {
    %c0_i32 = arith.constant 0 : i32
    %c0_i32_0 = arith.constant 0 : i32
    %c0_i32_1 = arith.constant 0 : i32
    return %c0_i32, %c0_i32_0 : i32, i32
  }
  func.func @transform_13(%arg0: i32) -> (i32, i32) {
    %c0_i32 = arith.constant 0 : i32
    %c0_i32_0 = arith.constant 0 : i32
    return %arg0, %c0_i32 : i32, i32
  }
  func.func @transform_14(%arg0: i32) -> (i32, i32) {
    %c0_i32 = arith.constant 0 : i32
    %c0_i32_0 = arith.constant 0 : i32
    %c0_i32_1 = arith.constant 0 : i32
    return %c0_i32, %c0_i32_0 : i32, i32
  }
}

</mosaic_0001>

<sc_bundles>
// kernel: kernel.6.cloned.1.call-start
scs
__scs_entry_jumppad:
0x0: {  	(pc) =	sbr.rel $0x88, $3  }
0x1: {  	(tag) =	ssettag $0x0;
	lr =	simm.s32 $0x1  }
0x2: {  	[smem:$0x3F97] =	sst lr;
	_ =	strace $0xD0000000  }
0x3: {  	_ = 	snop  }
0x4: {  	_ = 	snop  }
0x5: {  	_ = 	snop  }
0x6: {  	_ = 	snop  }
0x7: {  	_ = 	snop  }
__scs_overlays_trampoline_lowered:
0x8: {  	[smem:$0x3FA6] =	sst s0  }
0x9: {  	[smem:$0x3FA7] =	sst s1  }
0xa: {  	[smem:$0x3FA8] =	sst s2  }
0xb: {  	[smem:$0x3FA9] =	sst s3  }
0xc: {  	[smem:$0x3FAA] =	sst s4  }
0xd: {  	[smem:$0x3FAB] =	sst s5  }
0xe: {  	[smem:$0x3FAC] =	sst s6  }
0xf: {  	[smem:$0x3FAD] =	sst s7  }
0x10: {  	[smem:$0x3FAE] =	sst s8  }
0x11: {  	[smem:$0x3FAF] =	sst s9;
	s0 =	simm.s32 @!p0 $0x0  }
0x12: {  	s1 =	sld [smem:$0x3F95];
	s0 =	simm.s32 @p0 $0x1  }
0x13: {  	[smem:$0x3FB0] =	sst s0;
	s0 =	simm.s32 @!p1 $0x0  }
0x14: {  	s2 =	sld [smem:$0x3F94];
	s0 =	simm.s32 @p1 $0x1  }
0x15: {  	[smem:$0x3FB1] =	sst s0;
	s0 =	simm.s32 @!p2 $0x0  }
0x16: {  	s3 =	sld [smem:$0x3FDB];
	s0 =	simm.s32 @p2 $0x1  }
0x17: {  	s4 =	simm.s32 $0x1BF5;
	[smem:$0x3FB3] =	sst s0  }
0x18: {  	s0 =	sld [smem:$0x3F96];
	_ =	swait.ge [sflag:s4], $0x0  }
0x19: {  	s7 =	sld [smem:$0x3F97]  }
0x1a: {  	s8 =	sadd.s32 $0xFFFFE003, lr  }
0x1b: {  	s9 =	sadd.s32 $0xFFFFFEF7, lr;
	s5 =	simm.s32 $0xFFFFFFFF;
	p2 =	slt.u32 s8, $0xFFFFF086  }
0x1c: {  	p1 =	slt.u32 s9, $0xF7A;
	s5 =	simm.s32 @!p2 $0x0  }
0x1d: {  	s5 =	simm.s32 @p1 $0x1;
	p0 =	seq.s32 s7, s2  }
0x1e: {  	s7 =	smul.u32 @!p0 $0xF7A, s2;
	p2 =	seq.s32 @!p0 s5, $0x0  }
0x1f: {  	s9 =	smul.u32 $0xF7A, s1;
	s8 =	simm.s32 @!p0 $0x1BF5;
	p2 =	por !p2, p0  }
0x20: {  	[sflag:s8] =	ssyncset.s32 @!p0 $0xFFFFF086;
	s6 =	sadd.s32 @!p0 s3, s7;
	s7 =	simm.s32 @!p0 $0x108  }
0x21: {  	s3 =	sadd.s32 s3, s9;
	s6 =	sadd.s32 @!p0 $0x88, s6;
	s7 =	simm.s32 @p2 $0x1082  }
0x22: {  	[simem:s7], [sflag:s8] =	dma.local @!p0 [hbm:s6], $0xF7A  }
0x23: {  	s9 =	sor.u32 $0xD0000000, s2;
	s6 =	simm.s32 $0x108;
	_ =	swait.ge @!p0 [sflag:s8], $0x0  }
0x24: {  	s3 =	sadd.s32 $0x88, s3;
	s6 =	simm.s32 @!p1 $0x1082;
	[sflag:s4] =	ssyncset.s32 $0xFFFFF086  }
0x25: {  	[simem:s6], [sflag:s4] =	dma.local [hbm:s3], $0xF7A  }
0x26: {  	[smem:$0x3F97] =	sst s1;
	(tag) =	ssettag s2;
	_ =	strace s9  }
0x27: {  	s1 =	sld [smem:$0x3FA7]  }
0x28: {  	s2 =	sld [smem:$0x3FA8]  }
0x29: {  	s4 =	sld [smem:$0x3FAA]  }
0x2a: {  	p0 =	seq.s32 s5, $0x0;
	s5 =	sld [smem:$0x3FAB]  }
0x2b: {  	s6 =	sld [smem:$0x3FAC]  }
0x2c: {  	s7 =	sld [smem:$0x3FAD]  }
0x2d: {  	s3 =	simm.s32 $0x108;
	s8 =	sld [smem:$0x3FAE]  }
0x2e: {  	s3 =	simm.s32 @!p0 $0x1082;
	s9 =	sld [smem:$0x3FAF]  }
0x2f: {  	lr =	sadd.s32 s0, s3;
	s0 =	sld [smem:$0x3FA6]  }
0x30: {  	s3 =	sld [smem:$0x3FA9]  }
0x31: {  	[smem:$0x3FB2] =	sst s10  }
0x32: {  	s10 =	sld [smem:$0x3FB0];
	_ =	sdelay $0x3  }
0x33: {  	p0 =	seq.s32 s10, $0x1;
	s10 =	sld [smem:$0x3FB2];
	_ =	sdelay $0x3  }
0x34: {  	[smem:$0x3FB2] =	sst s10  }
0x35: {  	s10 =	sld [smem:$0x3FB1];
	_ =	sdelay $0x3  }
0x36: {  	p1 =	seq.s32 s10, $0x1;
	s10 =	sld [smem:$0x3FB2];
	_ =	sdelay $0x3  }
0x37: {  	[smem:$0x3FB2] =	sst s10  }
0x38: {  	s10 =	sld [smem:$0x3FB3]  }
0x39: {  	_ = 	snop;
	(pc) =	sbr.ind lr, $3  }
0x3a: {  	_ = 	snop  }
0x3b: {  	_ = 	snop  }
0x3c: {  	p2 =	seq.s32 s10, $0x1;
	s10 =	sld [smem:$0x3FB2]  }
0x3d: {  	_ =	shalt  }
0x3e: {  	_ =	shalt  }
0x3f: {  	_ =	shalt  }
0x40: {  	_ =	shalt  }
0x41: {  	_ =	shalt  }
0x42: {  	_ =	shalt  }
0x43: {  	_ =	shalt  }
0x44: {  	_ =	shalt  }
0x45: {  	_ =	shalt  }
0x46: {  	_ =	shalt  }
0x47: {  	_ =	shalt  }
0x48: {  	_ =	shalt  }
0x49: {  	_ =	shalt  }
0x4a: {  	_ =	shalt  }
0x4b: {  	_ =	shalt  }
0x4c: {  	_ =	shalt  }
0x4d: {  	_ =	shalt  }
0x4e: {  	_ =	shalt  }
0x4f: {  	_ =	shalt  }
0x50: {  	_ =	shalt  }
0x51: {  	_ =	shalt  }
0x52: {  	_ =	shalt  }
0x53: {  	_ =	shalt  }
0x54: {  	_ =	shalt  }
0x55: {  	_ =	shalt  }
0x56: {  	_ =	shalt  }
0x57: {  	_ =	shalt  }
0x58: {  	_ =	shalt  }
0x59: {  	_ =	shalt  }
0x5a: {  	_ =	shalt  }
0x5b: {  	_ =	shalt  }
0x5c: {  	_ =	shalt  }
0x5d: {  	_ =	shalt  }
0x5e: {  	_ =	shalt  }
0x5f: {  	_ =	shalt  }
0x60: {  	_ =	shalt  }
0x61: {  	_ =	shalt  }
0x62: {  	_ =	shalt  }
0x63: {  	_ =	shalt  }
0x64: {  	_ =	shalt  }
0x65: {  	_ =	shalt  }
0x66: {  	_ =	shalt  }
0x67: {  	_ =	shalt  }
0x68: {  	_ =	shalt  }
0x69: {  	_ =	shalt  }
0x6a: {  	_ =	shalt  }
0x6b: {  	_ =	shalt  }
0x6c: {  	_ =	shalt  }
0x6d: {  	_ =	shalt  }
0x6e: {  	_ =	shalt  }
0x6f: {  	_ =	shalt  }
0x70: {  	_ =	shalt  }
0x71: {  	_ =	shalt  }
0x72: {  	_ =	shalt  }
0x73: {  	_ =	shalt  }
0x74: {  	_ =	shalt  }
0x75: {  	_ =	shalt  }
0x76: {  	_ =	shalt  }
0x77: {  	_ =	shalt  }
0x78: {  	_ =	shalt  }
0x79: {  	_ =	shalt  }
0x7a: {  	_ =	shalt  }
0x7b: {  	_ =	shalt  }
0x7c: {  	_ =	shalt  }
0x7d: {  	_ =	shalt  }
0x7e: {  	_ =	shalt  }
0x7f: {  	_ =	shalt  }
0x80: {  	_ =	shalt  }
0x81: {  	_ =	shalt  }
0x82: {  	_ =	shalt  }
0x83: {  	_ =	shalt  }
0x84: {  	_ =	shalt  }
0x85: {  	_ =	shalt  }
0x86: {  	_ =	shalt  }
0x87: {  	_ =	shalt  }
.Lfunc_end0:
.L_simem_size_0:
called_computation_lowered:
.L_overlay_start_0:
0x88: {  	s2 =	sld [smem:$0x3FD9]  }
0x89: {  	s3 =	sld [smem:$0x3FFE];
	_ =	sdelay $0x1  }
0x8a: {  	s1 =	srdreg.scid  }
0x8b: {  	s0 =	sand.u32 $0x1, s1  }
0x8c: {  	s14 =	sshll.u32 s0, $0xA;
	s2 =	sadd.s32 s3, s2  }
0x8d: {  	s2 =	sadd.s32 s2, s14  }
0x8e: {  	[smem:$0x3FBE] =	sst s2  }
0x8f: {  	_ = 	snop  }
0x90: {  	s2 =	sld [smem:$0x3FD0];
	_ =	sdelay $0x2  }
0x91: {  	s15 =	simm.s32 $0xA;
	s4 =	simm.s32 $0x10  }
0x92: {  	[smem:s4], [sflag:s15] =	dma.local [hbm:s2], $0x1  }
0x93: {  	_ =	swait.eq [sflag:s15], $0x1  }
0x94: {  	[sflag:s15] =	ssyncset.done $0x0  }
0x95: {  	s16 =	sld [smem:$0x10];
	[sflag:s15] =	ssyncadd.s32 $0xFFFFFFFF  }
0x96: {  	s17 =	sld [smem:$0x11];
	(tm) =	ssettm $0x1  }
0x97: {  	s18 =	sld [smem:$0x3FFB];
	_ =	sdelay $0x3  }
0x98: {  	_ =	strace s18  }
0x99: {  	s4 =	sld [smem:$0x3FFC];
	_ =	sdelay $0x3  }
0x9a: {  	_ =	strace s4  }
0x9b: {  	s4 =	sld [smem:$0x3FFD];
	_ =	sdelay $0x3  }
0x9c: {  	_ =	strace s4  }
0x9d: {  	_ =	strace $0x8FFFFFFF  }
0x9e: {  	s19 =	sld [smem:$0x3FDB];
	_ =	sdelay $0x1  }
0x9f: {  	s5 =	simm.s32 $_scs_section_size  }
0xa0: {  	s6 =	simm.s32 $_size__tile_overlayer_lowered;
	s7 =	simm.s32 $_tile_overlayer_lowered  }
0xa1: {  	s22 =	simm.s32 $0x1BFF;
	s21 =	sshll.u32 s7, $0x1;
	s4 =	sadd.s32 s5, s19  }
0xa2: {  	s8 =	simm.s32 $0x0;
	s20 =	sshll.u32 s6, $0x1;
	s6 =	sadd.s32 s21, s4  }
0xa3: {  	[timem:s8], [sflag:s22] =	dma.local [hbm:s6], s20  }
0xa4: {  	_ =	swait.ge [sflag:s22], s20  }
0xa5: {  	s5 =	ssub.s32 $0x0, s20;
	[sflag:s22] =	ssyncset.done $0x0  }
0xa6: {  	[sflag:s22] =	ssyncadd.s32 s5;
	_ =	sdelay $0x1  }
0xa7: {  	s23 =	simm.s32 $0x1B8B  }
0xa8: {  	_ =	swait.ge [sflag:s23], $0x1  }
0xa9: {  	[sflag:s23] =	ssyncset.done $0x0  }
0xaa: {  	s25 =	simm.s32 $0x1B8E;
	s24 =	sld [smem:$0x3FFE];
	[sflag:s23] =	ssyncadd.s32 $0xFFFFFFFF  }
0xab: {  	s26 =	simm.s32 $execute0_lowered;
	[smem:$0x3FD2] =	sst s25  }
0xac: {  	s6 =	sshll.u32 s26, $0x1;
	_ =	strace $0x80000046;
	[dreg:$0x1] =	wrdreg $0xFFFFFFFF  }
0xad: {  	s28 =	simm.s32 $_size_execute0_lowered;
	s4 =	sadd.s32 s4, s6;
	[dreg:$0x0] =	wrdreg $0x0  }
0xae: {  	s6 =	sshll.u32 s28, $0x1;
	[dreg:$0x2] =	wrdreg s4  }
0xaf: {  	[dreg:$0x3] =	wrdreg s6  }
0xb0: {  	[dreg:$0x4] =	wrdreg $0xC0  }
0xb1: {  	_ =	task [dreg:s8], $0x5FFFF  }
0xb2: {  	[dreg:$0x1] =	wrdreg $0xFFFFFFFF  }
0xb3: {  	[dreg:$0x0] =	wrdreg $0x60  }
0xb4: {  	[dreg:$0x2] =	wrdreg s24  }
0xb5: {  	[dreg:$0x3] =	wrdreg s16  }
0xb6: {  	[dreg:$0x4] =	wrdreg s17  }
0xb7: {  	[dreg:$0x5] =	wrdreg $0xD9000  }
0xb8: {  	[dreg:$0x6] =	wrdreg $0x100800  }
0xb9: {  	[dreg:$0x7] =	wrdreg $0x9  }
0xba: {  	_ =	task.clear_ibuf [dreg:s8], $0x8FFFF;
	_ =	strace $0x90000046  }
0xbb: {  	s29 =	simm.s32 $0x9;
	_ =	strace $0x80000048  }
0xbc: {  	_ =	swait.ge [sflag:s29], $0x1  }
0xbd: {  	[sflag:s29] =	ssyncadd.s32 $0xFFFFFFFF  }
0xbe: {  	_ =	strace $0x90000048  }
0xbf: {  	_ =	sfence  }
0xc0: {  	s30 =	sld [smem:$0x0];
	_ =	sdelay $0x2  }
0xc1: {  	s31 =	sshll.u32 s1, $0xD;
	s1 =	sshrl.u32 s1, $0x2  }
0xc2: {  	s3 =	sand.u32 $0x4000, s31;
	s1 =	sadd.s32 s1, s30  }
0xc3: {  	s0 =	sor.u32 s3, s0;
	s1 =	sshll.u32 s1, $0x11  }
0xc4: {  	s0 =	sor.u32 s1, s0  }
0xc5: {  	s0 =	sadd.s32 $0x8F2B, s0  }
0xc6: {  	[sflag:s0] =	ssyncadd.remote.s32 $0x1  }
0xc7: {  	_ =	sfence.sel $0xFFFF  }
0xc8: {  	[dreg:$0x0] =	wrdreg $0xFFFFFFFF;
	(pc) =	sbr.abs _section_cstart, $3  }
0xc9: {  	[dreg:$0x1] =	wrdreg $0xFFFFFFFF  }
0xca: {  	_ =	task.clear_ibuf [dreg:s8], $0x2FFFF;
	_ =	strace $0x9FFFFFFF  }
0xcb: {  	(tm) =	ssettm $0x7FFFFFFF  }
tec
execute0_lowered:
.L_overlay_start_1:
0x0: {  	(tag) =	ssettag $0x1  }
0x1: {  	s0 =	rddreg [dreg:$0x0]  }
0x2: {  	s2 =	rddreg [dreg:$0x1]  }
0x3: {  	s1 =	rddreg [dreg:$0x2]  }
0x4: {  	s3 =	rddreg [dreg:$0x3]  }
0x5: {  	s4 =	rddreg [dreg:$0x4];
	s6 =	srdreg.scid  }
0x6: {  	s20 =	stileid.u32;
	s5 =	simm.s32 $0x0;
	s31 =	simm.s32 $0xD  }
0x7: {  	s10 =	sand.u32 $0x1, s6;
	s12 =	smul.u32 $0x2780, s20;
	[smem:$0x7FF] =	sst s5  }
0x8: {  	s6 =	sadd.s32 $0x7E00, s0;
	s7 =	sadd.s32 $0x2E00, s0;
	s8 =	smul.u32 $0x27800, s10  }
0x9: {  	_ =	strace $0x80000047;
	s9 =	sshll.u32 s10, $0x4;
	s14 =	ssub.s32 $0x2, s10  }
0xa: {  	s10 =	smul.u32 $0xFFFFFB00, s10;
	s11 =	sor.u32 s20, s9;
	s9 =	sadd.s32 $0xCE00, s0  }
0xb: {  	s25 =	sshrl.u32 s14, $0x1;
	s22 =	sadd.s32 s12, s3;
	s15 =	smul.u32 $0xA00, s11  }
0xc: {  	s23 =	sadd.s32 s12, s4;
	s8 =	sadd.s32 s12, s8;
	s16 =	smul.u32 $0x14000, s11  }
0xd: {  	[dreg:$0x6] =	wrdreg s22;
	s13 =	sshrl.u32 s8, $0x3;
	s8 =	smul.u32 $0x50, s11  }
0xe: {  	[dreg:$0x7] =	wrdreg s23;
	s0 =	sadd.s32 s13, s0;
	s13 =	ssub.s32 s14, s25  }
0xf: {  	s21 =	sadd.s32 s2, s15;
	s16 =	sshrl.u32 s16, $0x3;
	s26 =	ssub.s32 $0x9C4, s8  }
0x10: {  	[dreg:$0x8] =	wrdreg s21;
	s15 =	sadd.s32 s9, s16;
	s14 =	smin.u32 s26, $0x50  }
0x11: {  	s26 =	sadd.s32 $0x10, s21;
	s28 =	sadd.s32 $0x80, s15;
	s29 =	sadd.s32 $0x4E280, s15  }
0x12: {  	s11 =	sadd.s32 $0xFFFFFFFF, s14;
	s17 =	smul.u32 $0x56, s14;
	s18 =	sor.u32 $0x1, s14  }
0x13: {  	[dreg:$0x9] =	wrdreg s26;
	s26 =	sadd.s32 $0xB3000, s0;
	s0 =	sadd.s32 $0xA9200, s0  }
0x14: {  	s30 =	smul.u32 $0x56, s18;
	s19 =	sand.u32 $0xFF, s11;
	[dreg:$0xf] =	wrdreg s26  }
0x15: {  	[dreg:$0x10] =	wrdreg s0;
	s24 =	sshrl.u32 s17, $0x8;
	s25 =	smul.u32 $0xAB, s19  }
0x16: {  	s26 =	sadd.s32 $0x4E200, s15;
	s2 =	smul.u32 $0x3, s24;
	s12 =	sshrl.u32 s30, $0x8  }
0x17: {  	s0 =	simm.s32 $0x80;
	s12 =	smul.u32 $0x3, s12;
	s30 =	sshrl.u32 s25, $0x9  }
0x18: {  	s2 =	ssub.s32 s14, s2;
	s16 =	smul.u32 $0x3, s30;
	s30 =	smax.u32 s13, $0x1  }
0x19: {  	s13 =	simm.s32 $0xB180;
	s14 =	simm.s32 $0x0;
	s2 =	sand.u32 $0xFF, s2  }
0x1a: {  	s12 =	ssub.s32 s18, s12;
	[dreg:$0x11] =	wrdreg s30;
	s19 =	sadd.s32 $0x1, s2  }
0x1b: {  	v0 =	vlaneseq.u32;
	s12 =	sand.u32 $0xFF, s12;
	s2 =	sor.u32 $0x4, s2;
	[dreg:$0xa] =	wrdreg s19  }
0x1c: {  	v0 =	vmul.u32 $0x88, v0;
	s18 =	smul.u32 $0xFFFFFFB0, s20;
	[dreg:$0xb] =	wrdreg s2;
	s20 =	sadd.s32 $0x1, s12  }
0x1d: {  	v2 =	vimm.s32 $0x0;
	vm0 =	vcmask $0x300;
	s21 =	ssub.s32 s11, s16;
	s12 =	sor.u32 $0x4, s12;
	[dreg:$0xc] =	wrdreg s20  }
0x1e: {  	v1 =	vimm.f32 $0.0e+00;
	v2 =	vsel vm0, $0x3, v2;
	v3 =	vor.u32 $0x1, v0;
	s2 =	sand.u32 $0xFF, s21;
	s10 =	sadd.s32 s10, s18;
	[dreg:$0xd] =	wrdreg s12  }
0x1f: {  	v4 =	vor.u32 $0x2, v0;
	v5 =	vor.u32 $0x3, v0;
	v6 =	vor.u32 $0x4, v0;
	s24 =	sadd.s32 $0x7, s2;
	s21 =	sadd.s32 $0xA, s2;
	s25 =	sadd.s32 $0x9C4, s10  }
0x20: {  	v7 =	vor.u32 $0x5, v0;
	v8 =	vor.u32 $0x6, v0;
	v9 =	vor.u32 $0x7, v0;
	s2 =	simm.s32 $0x0;
	[dreg:$0xe] =	wrdreg s24;
	s24 =	smin.u32 s25, $0x50  }
.LBB2_1:
0x21: {  	s10 =	simm.s32 $0x40;
	s12 =	simm.s32 $0x0  }
.LBB2_2:
0x22: {  	p0 =	sne.s32 s10, $0x9DC0;
	[tilespmem:s12+$0xB180] =	vst v1;
	s12 =	smov.u32 s10;
	s10 =	sadd.s32 $0x40, s10  }
.Ltmp0:
0x23: {  	(pc) =	sbr.rel @p0 .LBB2_2-.Ltmp0, $2  }
0x24: {  	_ =	sdelay $0x2  }
0x25: {  	s12 =	sshra.s32 s12, $0x2  }
0x26: {  	[tilespmem:s12+$0xB180] =	vst v1  }
0x27: {  	[spmem:s22] =	stream.linear.scatter [tilespmem:s13], [sflag:$0xD], $0x2780, $0x38;
	[tilespmem:$0x12800] =	vst v63  }
0x28: {  	_ =	swait.ge [sflag:s31], $0x2780  }
0x29: {  	[sflag:s31] =	ssyncset.done $0x0  }
0x2a: {  	[sflag:s31] =	ssyncadd.s32 $0xFFFFD880  }
0x2b: {  	[spmem:s23] =	stream.linear.scatter [tilespmem:s13], [sflag:$0xD], $0x2780, $0x38;
	[tilespmem:$0x12800] =	vst v63  }
0x2c: {  	_ =	swait.ge [sflag:s31], $0x2780  }
0x2d: {  	[sflag:s31] =	ssyncset.done $0x0  }
0x2e: {  	[sflag:s31] =	ssyncadd.s32 $0xFFFFD880  }
0x2f: {  	[bflag:$0x0] =	sbarrier.arrive $0xFFFF  }
0x30: {  	s25 =	simm.s32 $0x100;
	s10 =	rddreg [dreg:$0x8]  }
0x31: {  	[tilespmem:s14], [sflag:$0xD] =	stream.strided.gather [hbm4b:s10+s0], $0x2800, s25, s0, $0x38;
	[tilespmem:$0x12800] =	vst v63  }
0x32: {  	_ =	swait.ge [sflag:s31], $0x2800  }
0x33: {  	[sflag:s31] =	ssyncset.done $0x0  }
0x34: {  	s16 =	simm.s32 $0x2800;
	s30 =	rddreg [dreg:$0x9];
	[sflag:s31] =	ssyncadd.s32 $0xFFFFD800  }
0x35: {  	[tilespmem:s16], [sflag:$0xD] =	stream.strided.gather [hbm4b:s30+s0], $0x2800, s25, s0, $0x38;
	[tilespmem:$0x12800] =	vst v63  }
0x36: {  	_ =	swait.ge [sflag:s31], $0x2800  }
0x37: {  	[sflag:s31] =	ssyncset.done $0x0  }
0x38: {  	s13 =	simm.s32 $0x8000;
	[sflag:s31] =	ssyncadd.s32 $0xFFFFD800  }
0x39: {  	[tilespmem:s13], [sflag:$0x1] =	stream.linear.gather [hbm4b:s15+s14], $0x80, $0x38;
	[tilespmem:$0x12800] =	vst v63  }
0x3a: {  	s17 =	sadd.s32 $0x10, s15;
	s18 =	simm.s32 $0x8088  }
0x3b: {  	[tilespmem:s18], [sflag:$0x1] =	stream.linear.gather [hbm4b:s17+s14], $0x80, $0x38;
	[tilespmem:$0x12800] =	vst v63  }
0x3c: {  	s19 =	sadd.s32 $0x20, s15;
	s20 =	simm.s32 $0x8110  }
0x3d: {  	[tilespmem:s20], [sflag:$0x1] =	stream.linear.gather [hbm4b:s19+s14], $0x80, $0x38;
	[tilespmem:$0x12800] =	vst v63  }
0x3e: {  	s22 =	sadd.s32 $0x30, s15;
	s23 =	simm.s32 $0x8198  }
0x3f: {  	[tilespmem:s23], [sflag:$0x1] =	stream.linear.gather [hbm4b:s22+s14], $0x80, $0x38;
	[tilespmem:$0x12800] =	vst v63  }
0x40: {  	s25 =	sadd.s32 $0x40, s15;
	s30 =	simm.s32 $0x8220  }
0x41: {  	[tilespmem:s30], [sflag:$0x1] =	stream.linear.gather [hbm4b:s25+s14], $0x80, $0x38;
	[tilespmem:$0x12800] =	vst v63  }
0x42: {  	s13 =	sadd.s32 $0x50, s15;
	s17 =	simm.s32 $0x82A8  }
0x43: {  	[tilespmem:s17], [sflag:$0x1] =	stream.linear.gather [hbm4b:s13+s14], $0x80, $0x38;
	[tilespmem:$0x12800] =	vst v63  }
0x44: {  	s18 =	sadd.s32 $0x60, s15;
	s19 =	simm.s32 $0x8330  }
0x45: {  	[tilespmem:s19], [sflag:$0x1] =	stream.linear.gather [hbm4b:s18+s14], $0x80, $0x38;
	[tilespmem:$0x12800] =	vst v63  }
0x46: {  	s20 =	sadd.s32 $0x70, s15;
	s22 =	simm.s32 $0x83B8  }
0x47: {  	[tilespmem:s22], [sflag:$0x1] =	stream.linear.gather [hbm4b:s20+s14], $0x80, $0x38;
	[tilespmem:$0x12800] =	vst v63  }
0x48: {  	s23 =	simm.s32 $0x8440  }
0x49: {  	[tilespmem:s23], [sflag:$0x1] =	stream.linear.gather [hbm4b:s26+s14], $0x80, $0x38;
	[tilespmem:$0x12800] =	vst v63  }
0x4a: {  	s25 =	sadd.s32 $0x10, s26;
	s30 =	simm.s32 $0x84C8  }
0x4b: {  	[tilespmem:s30], [sflag:$0x1] =	stream.linear.gather [hbm4b:s25+s14], $0x80, $0x38;
	[tilespmem:$0x12800] =	vst v63  }
0x4c: {  	s12 =	sadd.s32 $0x20, s26;
	s13 =	simm.s32 $0x8550  }
0x4d: {  	[tilespmem:s13], [sflag:$0x1] =	stream.linear.gather [hbm4b:s12+s14], $0x80, $0x38;
	[tilespmem:$0x12800] =	vst v63  }
0x4e: {  	s17 =	sadd.s32 $0x30, s26;
	s18 =	simm.s32 $0x85D8  }
0x4f: {  	[tilespmem:s18], [sflag:$0x1] =	stream.linear.gather [hbm4b:s17+s14], $0x80, $0x38;
	[tilespmem:$0x12800] =	vst v63  }
0x50: {  	s19 =	sadd.s32 $0x40, s26;
	s20 =	simm.s32 $0x8660  }
0x51: {  	[tilespmem:s20], [sflag:$0x1] =	stream.linear.gather [hbm4b:s19+s14], $0x80, $0x38;
	[tilespmem:$0x12800] =	vst v63  }
0x52: {  	s22 =	sadd.s32 $0x50, s26;
	s23 =	simm.s32 $0x86E8  }
0x53: {  	[tilespmem:s23], [sflag:$0x1] =	stream.linear.gather [hbm4b:s22+s14], $0x80, $0x38;
	[tilespmem:$0x12800] =	vst v63  }
0x54: {  	s25 =	sadd.s32 $0x60, s26;
	s30 =	simm.s32 $0x8770  }
0x55: {  	[tilespmem:s30], [sflag:$0x1] =	stream.linear.gather [hbm4b:s25+s14], $0x80, $0x38;
	[tilespmem:$0x12800] =	vst v63  }
0x56: {  	s12 =	sadd.s32 $0x70, s26;
	s13 =	simm.s32 $0x87F8  }
0x57: {  	[tilespmem:s13], [sflag:$0x1] =	stream.linear.gather [hbm4b:s12+s14], $0x80, $0x38;
	[tilespmem:$0x12800] =	vst v63  }
0x58: {  	s22 =	simm.s32 $0x5000  }
0x59: {  	[tilespmem:s22], [sflag:$0x4] =	stream.indirect.gather [hbm4b:s6+s0], $0x10, s14, s0, $0xb8;
	[tilespmem:$0x12800] =	vst v63  }
0x5a: {  	s13 =	simm.s32 $0x6800  }
0x5b: {  	[tilespmem:s13], [sflag:$0x4] =	stream.indirect.gather [hbm4b:s7+s0], $0x10, s16, s0, $0xb8;
	[tilespmem:$0x12800] =	vst v63  }
0x5c: {  	s17 =	simm.s32 $0x8880  }
0x5d: {  	[tilespmem:s17], [sflag:$0x2] =	stream.linear.gather [hbm4b:s28+s14], $0x80, $0x38;
	[tilespmem:$0x12800] =	vst v63  }
0x5e: {  	s18 =	sadd.s32 $0x10, s28;
	s19 =	simm.s32 $0x8908  }
0x5f: {  	[tilespmem:s19], [sflag:$0x2] =	stream.linear.gather [hbm4b:s18+s14], $0x80, $0x38;
	[tilespmem:$0x12800] =	vst v63  }
0x60: {  	s20 =	sadd.s32 $0x20, s28;
	s23 =	simm.s32 $0x8990  }
0x61: {  	[tilespmem:s23], [sflag:$0x2] =	stream.linear.gather [hbm4b:s20+s14], $0x80, $0x38;
	[tilespmem:$0x12800] =	vst v63  }
0x62: {  	s25 =	sadd.s32 $0x30, s28;
	s30 =	simm.s32 $0x8A18  }
0x63: {  	[tilespmem:s30], [sflag:$0x2] =	stream.linear.gather [hbm4b:s25+s14], $0x80, $0x38;
	[tilespmem:$0x12800] =	vst v63  }
0x64: {  	s16 =	sadd.s32 $0x40, s28;
	s17 =	simm.s32 $0x8AA0  }
0x65: {  	[tilespmem:s17], [sflag:$0x2] =	stream.linear.gather [hbm4b:s16+s14], $0x80, $0x38;
	[tilespmem:$0x12800] =	vst v63  }
0x66: {  	s18 =	sadd.s32 $0x50, s28;
	s19 =	simm.s32 $0x8B28  }
0x67: {  	[tilespmem:s19], [sflag:$0x2] =	stream.linear.gather [hbm4b:s18+s14], $0x80, $0x38;
	[tilespmem:$0x12800] =	vst v63  }
0x68: {  	s20 =	sadd.s32 $0x60, s28;
	s23 =	simm.s32 $0x8BB0  }
0x69: {  	[tilespmem:s23], [sflag:$0x2] =	stream.linear.gather [hbm4b:s20+s14], $0x80, $0x38;
	[tilespmem:$0x12800] =	vst v63  }
0x6a: {  	s25 =	sadd.s32 $0x70, s28;
	s30 =	simm.s32 $0x8C38  }
0x6b: {  	[tilespmem:s30], [sflag:$0x2] =	stream.linear.gather [hbm4b:s25+s14], $0x80, $0x38;
	[tilespmem:$0x12800] =	vst v63  }
0x6c: {  	s12 =	simm.s32 $0x8CC0  }
0x6d: {  	[tilespmem:s12], [sflag:$0x2] =	stream.linear.gather [hbm4b:s29+s14], $0x80, $0x38;
	[tilespmem:$0x12800] =	vst v63  }
0x6e: {  	s16 =	sadd.s32 $0x10, s29;
	s17 =	simm.s32 $0x8D48  }
0x6f: {  	[tilespmem:s17], [sflag:$0x2] =	stream.linear.gather [hbm4b:s16+s14], $0x80, $0x38;
	[tilespmem:$0x12800] =	vst v63  }
0x70: {  	s18 =	sadd.s32 $0x20, s29;
	s19 =	simm.s32 $0x8DD0  }
0x71: {  	[tilespmem:s19], [sflag:$0x2] =	stream.linear.gather [hbm4b:s18+s14], $0x80, $0x38;
	[tilespmem:$0x12800] =	vst v63  }
0x72: {  	s20 =	sadd.s32 $0x30, s29;
	s23 =	simm.s32 $0x8E58  }
0x73: {  	[tilespmem:s23], [sflag:$0x2] =	stream.linear.gather [hbm4b:s20+s14], $0x80, $0x38;
	[tilespmem:$0x12800] =	vst v63  }
0x74: {  	s25 =	sadd.s32 $0x40, s29;
	s30 =	simm.s32 $0x8EE0  }
0x75: {  	[tilespmem:s30], [sflag:$0x2] =	stream.linear.gather [hbm4b:s25+s14], $0x80, $0x38;
	[tilespmem:$0x12800] =	vst v63  }
0x76: {  	s12 =	sadd.s32 $0x50, s29;
	s16 =	simm.s32 $0x8F68  }
0x77: {  	[tilespmem:s16], [sflag:$0x2] =	stream.linear.gather [hbm4b:s12+s14], $0x80, $0x38;
	[tilespmem:$0x12800] =	vst v63  }
0x78: {  	s17 =	sadd.s32 $0x60, s29;
	s18 =	simm.s32 $0x8FF0  }
0x79: {  	[tilespmem:s18], [sflag:$0x2] =	stream.linear.gather [hbm4b:s17+s14], $0x80, $0x38;
	[tilespmem:$0x12800] =	vst v63  }
0x7a: {  	s19 =	sadd.s32 $0x70, s29;
	s20 =	simm.s32 $0x9078  }
0x7b: {  	[tilespmem:s20], [sflag:$0x2] =	stream.linear.gather [hbm4b:s19+s14], $0x80, $0x38;
	[tilespmem:$0x12800] =	vst v63  }
0x7c: {  	s23 =	simm.s32 $0x5800  }
0x7d: {  	[tilespmem:s23], [sflag:$0x5] =	stream.indirect.gather [hbm4b:s6+s0], $0x10, s0, s0, $0xb8;
	[tilespmem:$0x12800] =	vst v63  }
0x7e: {  	s25 =	simm.s32 $0x2880;
	s30 =	simm.s32 $0x7000  }
0x7f: {  	[tilespmem:s30], [sflag:$0x5] =	stream.indirect.gather [hbm4b:s7+s0], $0x10, s25, s0, $0xb8;
	[tilespmem:$0x12800] =	vst v63  }
0x80: {  	s23 =	simm.s32 $0x9980;
	s25 =	simm.s32 $0x0  }
.LBB2_4:
0x81: {  	s16 =	sadd.s32 $0x2, s25  }
0x82: {  	s10 =	smulhi.u32 $0xAAAAAAAB, s16;
	_ =	sdelay $0x1  }
0x83: {  	s10 =	sshrl.u32 s10, $0x1  }
0x84: {  	s10 =	smul.u32 $0x3, s10;
	_ =	sdelay $0x1  }
0x85: {  	p0 =	seq.s32 s25, $0x0;
	s10 =	ssub.s32 s16, s10  }
0x86: {  	s12 =	sadd.s32 @!p0 $0x7, s10  }
0x87: {  	_ =	swait.ge @!p0 [sflag:s12], $0x400  }
0x88: {  	[sflag:s12] =	ssyncset.done @!p0 $0x0  }
0x89: {  	[sflag:s12] =	ssyncadd.s32 @!p0 $0xFFFFFC00  }
0x8a: {  	_ =	swait.ge @!p0 [sflag:s12], $0x400  }
0x8b: {  	[sflag:s12] =	ssyncset.done @!p0 $0x0  }
0x8c: {  	s17 =	sadd.s32 @!p0 $0xA, s10;
	[sflag:s12] =	ssyncadd.s32 @!p0 $0xFFFFFC00  }
0x8d: {  	_ =	swait.ge @!p0 [sflag:s17], $0x800  }
0x8e: {  	p1 =	slt.s32 s16, s11;
	s12 =	smov.u32 s11;
	[sflag:s17] =	ssyncset.done @!p0 $0x0  }
0x8f: {  	s12 =	smov.u32 @p1 s16;
	[sflag:s17] =	ssyncadd.s32 @!p0 $0xFFFFF800  }
0x90: {  	s18 =	smul.u32 $0x2200, s10;
	s16 =	sadd.s32 s8, s12;
	_ =	swait.ge @!p0 [sflag:s17], $0x800  }
0x91: {  	s16 =	sshll.u32 s16, $0xA;
	[sflag:s17] =	ssyncset.done @!p0 $0x0  }
0x92: {  	s20 =	sshrl.u32 s16, $0x3;
	[sflag:s17] =	ssyncadd.s32 @!p0 $0xFFFFF800;
	s17 =	sshra.s32 s18, $0x2  }
0x93: {  	s19 =	sadd.s32 $0x1, s10;
	s18 =	sadd.s32 s9, s20;
	s30 =	sadd.s32 $0x8000, s17  }
0x94: {  	[tilespmem:s30], [sflag:s19] =	stream.linear.gather [hbm4b:s18+s14], $0x80, $0x38;
	[tilespmem:$0x12800] =	vst v63  }
0x95: {  	s20 =	sadd.s32 $0x8088, s17;
	s30 =	sadd.s32 $0x10, s18  }
0x96: {  	[tilespmem:s20], [sflag:s19] =	stream.linear.gather [hbm4b:s30+s14], $0x80, $0x38;
	[tilespmem:$0x12800] =	vst v63  }
0x97: {  	s20 =	sadd.s32 $0x20, s18;
	s30 =	sadd.s32 $0x8110, s17  }
0x98: {  	[tilespmem:s30], [sflag:s19] =	stream.linear.gather [hbm4b:s20+s14], $0x80, $0x38;
	[tilespmem:$0x12800] =	vst v63  }
0x99: {  	s20 =	sadd.s32 $0x30, s18;
	s30 =	sadd.s32 $0x8198, s17  }
0x9a: {  	[tilespmem:s30], [sflag:s19] =	stream.linear.gather [hbm4b:s20+s14], $0x80, $0x38;
	[tilespmem:$0x12800] =	vst v63  }
0x9b: {  	s20 =	sadd.s32 $0x40, s18;
	s30 =	sadd.s32 $0x8220, s17  }
0x9c: {  	[tilespmem:s30], [sflag:s19] =	stream.linear.gather [hbm4b:s20+s14], $0x80, $0x38;
	[tilespmem:$0x12800] =	vst v63  }
0x9d: {  	s20 =	sadd.s32 $0x50, s18;
	s30 =	sadd.s32 $0x82A8, s17  }
0x9e: {  	[tilespmem:s30], [sflag:s19] =	stream.linear.gather [hbm4b:s20+s14], $0x80, $0x38;
	[tilespmem:$0x12800] =	vst v63  }
0x9f: {  	s16 =	sadd.s32 $0x271000, s16;
	s20 =	sadd.s32 $0x60, s18;
	s30 =	sadd.s32 $0x8330, s17  }
0xa0: {  	[tilespmem:s30], [sflag:s19] =	stream.linear.gather [hbm4b:s20+s14], $0x80, $0x38;
	[tilespmem:$0x12800] =	vst v63  }
0xa1: {  	s16 =	sshrl.u32 s16, $0x3;
	s18 =	sadd.s32 $0x70, s18;
	s20 =	sadd.s32 $0x83B8, s17  }
0xa2: {  	[tilespmem:s20], [sflag:s19] =	stream.linear.gather [hbm4b:s18+s14], $0x80, $0x38;
	[tilespmem:$0x12800] =	vst v63  }
0xa3: {  	s16 =	sadd.s32 s9, s16;
	s20 =	sadd.s32 $0x8440, s17  }
0xa4: {  	[tilespmem:s20], [sflag:s19] =	stream.linear.gather [hbm4b:s16+s14], $0x80, $0x38;
	[tilespmem:$0x12800] =	vst v63  }
0xa5: {  	s18 =	sadd.s32 $0x10, s16;
	s20 =	sadd.s32 $0x84C8, s17  }
0xa6: {  	[tilespmem:s20], [sflag:s19] =	stream.linear.gather [hbm4b:s18+s14], $0x80, $0x38;
	[tilespmem:$0x12800] =	vst v63  }
0xa7: {  	s18 =	sadd.s32 $0x20, s16;
	s20 =	sadd.s32 $0x8550, s17  }
0xa8: {  	[tilespmem:s20], [sflag:s19] =	stream.linear.gather [hbm4b:s18+s14], $0x80, $0x38;
	[tilespmem:$0x12800] =	vst v63  }
0xa9: {  	s18 =	sadd.s32 $0x30, s16;
	s20 =	sadd.s32 $0x85D8, s17  }
0xaa: {  	[tilespmem:s20], [sflag:s19] =	stream.linear.gather [hbm4b:s18+s14], $0x80, $0x38;
	[tilespmem:$0x12800] =	vst v63  }
0xab: {  	s18 =	sadd.s32 $0x40, s16;
	s20 =	sadd.s32 $0x8660, s17  }
0xac: {  	[tilespmem:s20], [sflag:s19] =	stream.linear.gather [hbm4b:s18+s14], $0x80, $0x38;
	[tilespmem:$0x12800] =	vst v63  }
0xad: {  	s18 =	sadd.s32 $0x50, s16;
	s20 =	sadd.s32 $0x86E8, s17  }
0xae: {  	[tilespmem:s20], [sflag:s19] =	stream.linear.gather [hbm4b:s18+s14], $0x80, $0x38;
	[tilespmem:$0x12800] =	vst v63  }
0xaf: {  	s30 =	sadd.s32 $0x8770, s17;
	s20 =	sadd.s32 $0x60, s16  }
0xb0: {  	[tilespmem:s30], [sflag:s19] =	stream.linear.gather [hbm4b:s20+s14], $0x80, $0x38;
	[tilespmem:$0x12800] =	vst v63  }
0xb1: {  	s17 =	sadd.s32 $0x87F8, s17;
	s18 =	smulhi.u32 $0xAAAAAAAB, s25;
	s16 =	sadd.s32 $0x70, s16  }
0xb2: {  	[tilespmem:s17], [sflag:s19] =	stream.linear.gather [hbm4b:s16+s14], $0x80, $0x38;
	[tilespmem:$0x12800] =	vst v63  }
0xb3: {  	s12 =	sshll.u32 s12, $0x7;
	s18 =	sshrl.u32 s18, $0x1;
	s17 =	sshll.u32 s10, $0xB  }
0xb4: {  	s20 =	sadd.s32 $0x4, s10;
	s16 =	smul.u32 $0x3, s18;
	s19 =	sadd.s32 $0x5000, s17  }
0xb5: {  	[tilespmem:s19], [sflag:s20] =	stream.indirect.gather [hbm4b:s6+s0], $0x10, s12, s0, $0xb8;
	[tilespmem:$0x12800] =	vst v63  }
0xb6: {  	s10 =	ssub.s32 s25, s16  }
0xb7: {  	s17 =	sadd.s32 $0x6800, s17;
	s12 =	sadd.s32 $0x2800, s12;
	s19 =	sadd.s32 $0x1, s10  }
0xb8: {  	[tilespmem:s17], [sflag:s20] =	stream.indirect.gather [hbm4b:s7+s0], $0x10, s12, s0, $0xb8;
	[tilespmem:$0x12800] =	vst v63  }
0xb9: {  	_ =	swait.ge [sflag:s19], $0x400  }
0xba: {  	[sflag:s19] =	ssyncset.done $0x0  }
0xbb: {  	v10 =	vmov s14;
	[sflag:s19] =	ssyncadd.s32 $0xFFFFFC00  }
0xbc: {  	v10 =	vshrl.u32 v10, $0x3;
	_ =	swait.ge [sflag:s19], $0x400  }
0xbd: {  	v10 =	vshll.u32 v10, v2;
	s20 =	smul.u32 $0xFFFFA000, s18;
	[sflag:s19] =	ssyncset.done $0x0  }
0xbe: {  	v10 =	vbroadcast v10, $0x0;
	s17 =	sadd.s32 $0x4, s10;
	[sflag:s19] =	ssyncadd.s32 $0xFFFFFC00  }
0xbf: {  	s18 =	sshra.s32 s20, $0x2;
	_ =	swait.ge [sflag:s17], $0x800  }
0xc0: {  	v13 =	vadd.s32 v0, v10;
	s16 =	sadd.s32 s18, s22;
	[sflag:s17] =	ssyncset.done $0x0  }
0xc1: {  	v10 =	vmov s16;
	s19 =	smul.u32 $0x2200, s10;
	[sflag:s17] =	ssyncadd.s32 $0xFFFFF800  }
0xc2: {  	s20 =	sadd.s32 s18, s13;
	_ =	swait.ge [sflag:s17], $0x800  }
0xc3: {  	v11 =	vmov s20;
	s12 =	sshra.s32 s19, $0x2;
	[sflag:s17] =	ssyncset.done $0x0  }
0xc4: {  	s30 =	sadd.s32 $0x8000, s12;
	[sflag:s17] =	ssyncadd.s32 $0xFFFFF800  }
0xc5: {  	s16 =	simm.s32 $0x0;
	v12 =	vld.idx.msk [tilespmem:v13+s30+$0x0], $0xffff  }
0xc6: {  	v14 =	vld.idx.msk [tilespmem:v10+s16+$0x0 ss:$0x1], $0xffff  }
0xc7: {  	s19 =	simm.s32 $0x1  }
0xc8: {  	v16 =	vmov s19;
	v15 =	vld.idx.msk [tilespmem:v11+s16+$0x0 ss:$0x1], $0xffff  }
0xc9: {  	v16 =	vshrl.u32 v16, $0x3  }
0xca: {  	v16 =	vshll.u32 v16, v2  }
0xcb: {  	s20 =	sadd.s32 s18, s23;
	v16 =	vbroadcast v16, $0x0;
	v14 =	vadd.f32 v14, v12  }
0xcc: {  	v12 =	vmov s20  }
0xcd: {  	v14 =	vadd.f32 v15, v14;
	v15 =	vadd.s32 v3, v16;
	_ =	sdelay $0x1  }
0xce: {  	v14 =	vmax.f32 v14, $0.0e+00  }
0xcf: {  	[tilespmem:v13+s30+$0x0] =	vst.idx.msk $0xffff, v14  }
0xd0: {  	[tilespmem:v12+s16+$0x0 ss:$0x1] =	vst.idx.msk $0xffff, v14  }
0xd1: {  	v13 =	vld.idx.msk [tilespmem:v15+s30+$0x0], $0xffff  }
0xd2: {  	v14 =	vld.idx.msk [tilespmem:v10+s16+$0x10 ss:$0x1], $0xffff  }
0xd3: {  	s18 =	simm.s32 $0x2  }
0xd4: {  	v17 =	vmov s18;
	v16 =	vld.idx.msk [tilespmem:v11+s16+$0x10 ss:$0x1], $0xffff  }
0xd5: {  	v17 =	vshrl.u32 v17, $0x3  }
0xd6: {  	v17 =	vshll.u32 v17, v2  }
0xd7: {  	v13 =	vadd.f32 v14, v13;
	v14 =	vbroadcast v17, $0x0;
	_ =	sdelay $0x1  }
0xd8: {  	v13 =	vadd.f32 v16, v13;
	v14 =	vadd.s32 v4, v14;
	_ =	sdelay $0x1  }
0xd9: {  	v13 =	vmax.f32 v13, $0.0e+00  }
0xda: {  	[tilespmem:v15+s30+$0x0] =	vst.idx.msk $0xffff, v13  }
0xdb: {  	[tilespmem:v12+s16+$0x10 ss:$0x1] =	vst.idx.msk $0xffff, v13  }
0xdc: {  	v13 =	vld.idx.msk [tilespmem:v14+s30+$0x0], $0xffff  }
0xdd: {  	v15 =	vld.idx.msk [tilespmem:v10+s16+$0x20 ss:$0x1], $0xffff  }
0xde: {  	s19 =	simm.s32 $0x3  }
0xdf: {  	v17 =	vmov s19;
	v16 =	vld.idx.msk [tilespmem:v11+s16+$0x20 ss:$0x1], $0xffff  }
0xe0: {  	v17 =	vshrl.u32 v17, $0x3  }
0xe1: {  	v17 =	vshll.u32 v17, v2  }
0xe2: {  	v13 =	vadd.f32 v15, v13;
	v15 =	vbroadcast v17, $0x0;
	_ =	sdelay $0x1  }
0xe3: {  	v13 =	vadd.f32 v16, v13;
	v15 =	vadd.s32 v5, v15;
	_ =	sdelay $0x1  }
0xe4: {  	v13 =	vmax.f32 v13, $0.0e+00  }
0xe5: {  	[tilespmem:v14+s30+$0x0] =	vst.idx.msk $0xffff, v13  }
0xe6: {  	[tilespmem:v12+s16+$0x20 ss:$0x1] =	vst.idx.msk $0xffff, v13  }
0xe7: {  	v13 =	vld.idx.msk [tilespmem:v15+s30+$0x0], $0xffff  }
0xe8: {  	v14 =	vld.idx.msk [tilespmem:v10+s16+$0x30 ss:$0x1], $0xffff  }
0xe9: {  	s20 =	simm.s32 $0x4  }
0xea: {  	v17 =	vmov s20;
	v16 =	vld.idx.msk [tilespmem:v11+s16+$0x30 ss:$0x1], $0xffff  }
0xeb: {  	v17 =	vshrl.u32 v17, $0x3  }
0xec: {  	v17 =	vshll.u32 v17, v2  }
0xed: {  	v13 =	vadd.f32 v14, v13;
	v14 =	vbroadcast v17, $0x0;
	_ =	sdelay $0x1  }
0xee: {  	v13 =	vadd.f32 v16, v13;
	v14 =	vadd.s32 v6, v14;
	_ =	sdelay $0x1  }
0xef: {  	v13 =	vmax.f32 v13, $0.0e+00  }
0xf0: {  	[tilespmem:v15+s30+$0x0] =	vst.idx.msk $0xffff, v13  }
0xf1: {  	[tilespmem:v12+s16+$0x30 ss:$0x1] =	vst.idx.msk $0xffff, v13  }
0xf2: {  	v13 =	vld.idx.msk [tilespmem:v14+s30+$0x0], $0xffff  }
0xf3: {  	v15 =	vld.idx.msk [tilespmem:v10+s16+$0x40 ss:$0x1], $0xffff  }
0xf4: {  	s18 =	simm.s32 $0x5  }
0xf5: {  	v17 =	vmov s18;
	v16 =	vld.idx.msk [tilespmem:v11+s16+$0x40 ss:$0x1], $0xffff  }
0xf6: {  	v17 =	vshrl.u32 v17, $0x3  }
0xf7: {  	v17 =	vshll.u32 v17, v2  }
0xf8: {  	v13 =	vadd.f32 v15, v13;
	v15 =	vbroadcast v17, $0x0;
	_ =	sdelay $0x1  }
0xf9: {  	v13 =	vadd.f32 v16, v13;
	v15 =	vadd.s32 v7, v15;
	_ =	sdelay $0x1  }
0xfa: {  	v13 =	vmax.f32 v13, $0.0e+00  }
0xfb: {  	[tilespmem:v14+s30+$0x0] =	vst.idx.msk $0xffff, v13  }
0xfc: {  	[tilespmem:v12+s16+$0x40 ss:$0x1] =	vst.idx.msk $0xffff, v13  }
0xfd: {  	v13 =	vld.idx.msk [tilespmem:v15+s30+$0x0], $0xffff  }
0xfe: {  	v14 =	vld.idx.msk [tilespmem:v10+s16+$0x50 ss:$0x1], $0xffff  }
0xff: {  	s19 =	simm.s32 $0x6  }
0x100: {  	v17 =	vmov s19;
	v16 =	vld.idx.msk [tilespmem:v11+s16+$0x50 ss:$0x1], $0xffff  }
0x101: {  	v17 =	vshrl.u32 v17, $0x3  }
0x102: {  	v17 =	vshll.u32 v17, v2  }
0x103: {  	v13 =	vadd.f32 v14, v13;
	v14 =	vbroadcast v17, $0x0;
	_ =	sdelay $0x1  }
0x104: {  	v13 =	vadd.f32 v16, v13;
	v14 =	vadd.s32 v8, v14;
	_ =	sdelay $0x1  }
0x105: {  	v13 =	vmax.f32 v13, $0.0e+00  }
0x106: {  	[tilespmem:v15+s30+$0x0] =	vst.idx.msk $0xffff, v13  }
0x107: {  	[tilespmem:v12+s16+$0x50 ss:$0x1] =	vst.idx.msk $0xffff, v13  }
0x108: {  	v13 =	vld.idx.msk [tilespmem:v14+s30+$0x0], $0xffff  }
0x109: {  	v15 =	vld.idx.msk [tilespmem:v10+s16+$0x60 ss:$0x1], $0xffff  }
0x10a: {  	s20 =	simm.s32 $0x7  }
0x10b: {  	v17 =	vmov s20;
	v16 =	vld.idx.msk [tilespmem:v11+s16+$0x60 ss:$0x1], $0xffff  }
0x10c: {  	v17 =	vshrl.u32 v17, $0x3  }
0x10d: {  	v17 =	vshll.u32 v17, v2  }
0x10e: {  	v13 =	vadd.f32 v15, v13;
	v15 =	vbroadcast v17, $0x0;
	_ =	sdelay $0x1  }
0x10f: {  	v16 =	vadd.f32 v16, v13;
	v13 =	vadd.s32 v9, v15;
	_ =	sdelay $0x1  }
0x110: {  	v15 =	vmax.f32 v16, $0.0e+00  }
0x111: {  	[tilespmem:v14+s30+$0x0] =	vst.idx.msk $0xffff, v15  }
0x112: {  	[tilespmem:v12+s16+$0x60 ss:$0x1] =	vst.idx.msk $0xffff, v15  }
0x113: {  	v14 =	vld.idx.msk [tilespmem:v13+s30+$0x0], $0xffff  }
0x114: {  	v15 =	vld.idx.msk [tilespmem:v10+s16+$0x70 ss:$0x1], $0xffff  }
0x115: {  	s17 =	simm.s32 $0x8  }
0x116: {  	s18 =	simm.s32 $0x200;
	s19 =	simm.s32 $0x400;
	v17 =	vmov s17;
	v16 =	vld.idx.msk [tilespmem:v11+s16+$0x70 ss:$0x1], $0xffff  }
.LBB2_5:
0x117: {  	p0 =	sne.s32 s19, $0x1E00;
	v17 =	vshrl.u32 v17, $0x3;
	s20 =	smov.u32 s19;
	s19 =	sadd.s32 $0x200, s19  }
0x118: {  	v17 =	vshll.u32 v17, v2  }
0x119: {  	v14 =	vadd.f32 v15, v14;
	v17 =	vbroadcast v17, $0x0;
	_ =	sdelay $0x1  }
0x11a: {  	v14 =	vadd.f32 v16, v14;
	v15 =	vadd.s32 v0, v17;
	_ =	sdelay $0x1  }
0x11b: {  	v14 =	vmax.f32 v14, $0.0e+00  }
0x11c: {  	[tilespmem:v13+s30+$0x0] =	vst.idx.msk $0xffff, v14  }
0x11d: {  	[tilespmem:v12+s16+$0x70 ss:$0x1] =	vst.idx.msk $0xffff, v14  }
0x11e: {  	s16 =	sshra.s32 s18, $0x2;
	s18 =	smov.u32 s20;
	v13 =	vld.idx.msk [tilespmem:v15+s30+$0x0], $0xffff  }
0x11f: {  	v14 =	vld.idx.msk [tilespmem:v10+s16+$0x0 ss:$0x1], $0xffff  }
0x120: {  	v16 =	vld.idx.msk [tilespmem:v11+s16+$0x0 ss:$0x1], $0xffff  }
0x121: {  	s20 =	sadd.s32 $0x1, s17  }
0x122: {  	v17 =	vmov s20  }
0x123: {  	v17 =	vshrl.u32 v17, $0x3  }
0x124: {  	v17 =	vshll.u32 v17, v2  }
0x125: {  	v13 =	vadd.f32 v14, v13;
	v14 =	vbroadcast v17, $0x0;
	_ =	sdelay $0x1  }
0x126: {  	v13 =	vadd.f32 v16, v13;
	v14 =	vadd.s32 v3, v14;
	_ =	sdelay $0x1  }
0x127: {  	v13 =	vmax.f32 v13, $0.0e+00  }
0x128: {  	[tilespmem:v15+s30+$0x0] =	vst.idx.msk $0xffff, v13  }
0x129: {  	[tilespmem:v12+s16+$0x0 ss:$0x1] =	vst.idx.msk $0xffff, v13  }
0x12a: {  	v13 =	vld.idx.msk [tilespmem:v14+s30+$0x0], $0xffff  }
0x12b: {  	v15 =	vld.idx.msk [tilespmem:v10+s16+$0x10 ss:$0x1], $0xffff;
	_ =	sdelay $0x1  }
0x12c: {  	s20 =	sadd.s32 $0x2, s17;
	v16 =	vld.idx.msk [tilespmem:v11+s16+$0x10 ss:$0x1], $0xffff  }
0x12d: {  	v17 =	vmov s20  }
0x12e: {  	v17 =	vshrl.u32 v17, $0x3  }
0x12f: {  	v17 =	vshll.u32 v17, v2  }
0x130: {  	v13 =	vadd.f32 v15, v13;
	v15 =	vbroadcast v17, $0x0;
	_ =	sdelay $0x1  }
0x131: {  	v13 =	vadd.f32 v16, v13;
	v15 =	vadd.s32 v4, v15;
	_ =	sdelay $0x1  }
0x132: {  	v13 =	vmax.f32 v13, $0.0e+00  }
0x133: {  	[tilespmem:v14+s30+$0x0] =	vst.idx.msk $0xffff, v13  }
0x134: {  	[tilespmem:v12+s16+$0x10 ss:$0x1] =	vst.idx.msk $0xffff, v13  }
0x135: {  	v13 =	vld.idx.msk [tilespmem:v15+s30+$0x0], $0xffff  }
0x136: {  	v14 =	vld.idx.msk [tilespmem:v10+s16+$0x20 ss:$0x1], $0xffff;
	_ =	sdelay $0x1  }
0x137: {  	s20 =	sadd.s32 $0x3, s17;
	v16 =	vld.idx.msk [tilespmem:v11+s16+$0x20 ss:$0x1], $0xffff  }
0x138: {  	v17 =	vmov s20  }
0x139: {  	v17 =	vshrl.u32 v17, $0x3  }
0x13a: {  	v17 =	vshll.u32 v17, v2  }
0x13b: {  	v13 =	vadd.f32 v14, v13;
	v14 =	vbroadcast v17, $0x0;
	_ =	sdelay $0x1  }
0x13c: {  	v13 =	vadd.f32 v16, v13;
	v14 =	vadd.s32 v5, v14;
	_ =	sdelay $0x1  }
0x13d: {  	v13 =	vmax.f32 v13, $0.0e+00  }
0x13e: {  	[tilespmem:v15+s30+$0x0] =	vst.idx.msk $0xffff, v13  }
0x13f: {  	[tilespmem:v12+s16+$0x20 ss:$0x1] =	vst.idx.msk $0xffff, v13  }
0x140: {  	v13 =	vld.idx.msk [tilespmem:v14+s30+$0x0], $0xffff  }
0x141: {  	v15 =	vld.idx.msk [tilespmem:v10+s16+$0x30 ss:$0x1], $0xffff;
	_ =	sdelay $0x1  }
0x142: {  	s20 =	sadd.s32 $0x4, s17;
	v16 =	vld.idx.msk [tilespmem:v11+s16+$0x30 ss:$0x1], $0xffff  }
0x143: {  	v17 =	vmov s20  }
0x144: {  	v17 =	vshrl.u32 v17, $0x3  }
0x145: {  	v17 =	vshll.u32 v17, v2  }
0x146: {  	v13 =	vadd.f32 v15, v13;
	v15 =	vbroadcast v17, $0x0;
	_ =	sdelay $0x1  }
0x147: {  	v13 =	vadd.f32 v16, v13;
	v15 =	vadd.s32 v6, v15;
	_ =	sdelay $0x1  }
0x148: {  	v13 =	vmax.f32 v13, $0.0e+00  }
0x149: {  	[tilespmem:v14+s30+$0x0] =	vst.idx.msk $0xffff, v13  }
0x14a: {  	[tilespmem:v12+s16+$0x30 ss:$0x1] =	vst.idx.msk $0xffff, v13  }
0x14b: {  	v13 =	vld.idx.msk [tilespmem:v15+s30+$0x0], $0xffff  }
0x14c: {  	v14 =	vld.idx.msk [tilespmem:v10+s16+$0x40 ss:$0x1], $0xffff  }
0x14d: {  	v16 =	vld.idx.msk [tilespmem:v11+s16+$0x40 ss:$0x1], $0xffff  }
0x14e: {  	s20 =	sadd.s32 $0x5, s17  }
0x14f: {  	v17 =	vmov s20  }
0x150: {  	v17 =	vshrl.u32 v17, $0x3  }
0x151: {  	v17 =	vshll.u32 v17, v2  }
0x152: {  	v13 =	vadd.f32 v14, v13;
	v14 =	vbroadcast v17, $0x0;
	_ =	sdelay $0x1  }
0x153: {  	v13 =	vadd.f32 v16, v13;
	v14 =	vadd.s32 v7, v14;
	_ =	sdelay $0x1  }
0x154: {  	v13 =	vmax.f32 v13, $0.0e+00  }
0x155: {  	[tilespmem:v15+s30+$0x0] =	vst.idx.msk $0xffff, v13  }
0x156: {  	[tilespmem:v12+s16+$0x40 ss:$0x1] =	vst.idx.msk $0xffff, v13  }
0x157: {  	v13 =	vld.idx.msk [tilespmem:v14+s30+$0x0], $0xffff  }
0x158: {  	v15 =	vld.idx.msk [tilespmem:v10+s16+$0x50 ss:$0x1], $0xffff  }
0x159: {  	v16 =	vld.idx.msk [tilespmem:v11+s16+$0x50 ss:$0x1], $0xffff  }
0x15a: {  	s20 =	sadd.s32 $0x6, s17  }
0x15b: {  	v17 =	vmov s20  }
0x15c: {  	v17 =	vshrl.u32 v17, $0x3  }
0x15d: {  	v17 =	vshll.u32 v17, v2  }
0x15e: {  	v13 =	vadd.f32 v15, v13;
	v15 =	vbroadcast v17, $0x0;
	_ =	sdelay $0x1  }
0x15f: {  	v13 =	vadd.f32 v16, v13;
	v15 =	vadd.s32 v8, v15;
	_ =	sdelay $0x1  }
0x160: {  	v13 =	vmax.f32 v13, $0.0e+00  }
0x161: {  	[tilespmem:v14+s30+$0x0] =	vst.idx.msk $0xffff, v13  }
0x162: {  	[tilespmem:v12+s16+$0x50 ss:$0x1] =	vst.idx.msk $0xffff, v13  }
0x163: {  	v13 =	vld.idx.msk [tilespmem:v15+s30+$0x0], $0xffff  }
0x164: {  	v14 =	vld.idx.msk [tilespmem:v10+s16+$0x60 ss:$0x1], $0xffff  }
0x165: {  	v16 =	vld.idx.msk [tilespmem:v11+s16+$0x60 ss:$0x1], $0xffff  }
0x166: {  	s20 =	sadd.s32 $0x7, s17  }
0x167: {  	v17 =	vmov s20  }
0x168: {  	v17 =	vshrl.u32 v17, $0x3  }
0x169: {  	v17 =	vshll.u32 v17, v2  }
0x16a: {  	v13 =	vadd.f32 v14, v13;
	v14 =	vbroadcast v17, $0x0;
	_ =	sdelay $0x1  }
0x16b: {  	v16 =	vadd.f32 v16, v13;
	v13 =	vadd.s32 v9, v14;
	_ =	sdelay $0x1  }
0x16c: {  	v14 =	vmax.f32 v16, $0.0e+00  }
0x16d: {  	[tilespmem:v15+s30+$0x0] =	vst.idx.msk $0xffff, v14  }
0x16e: {  	[tilespmem:v12+s16+$0x60 ss:$0x1] =	vst.idx.msk $0xffff, v14  }
.Ltmp1:
0x16f: {  	v14 =	vld.idx.msk [tilespmem:v13+s30+$0x0], $0xffff;
	(pc) =	sbr.rel @p0 .LBB2_5-.Ltmp1, $4  }
0x170: {  	v15 =	vld.idx.msk [tilespmem:v10+s16+$0x70 ss:$0x1], $0xffff  }
0x171: {  	v16 =	vld.idx.msk [tilespmem:v11+s16+$0x70 ss:$0x1], $0xffff  }
0x172: {  	s17 =	sadd.s32 $0x8, s17  }
0x173: {  	v17 =	vmov s17  }
0x174: {  	v17 =	vshrl.u32 v17, $0x3  }
0x175: {  	v17 =	vshll.u32 v17, v2;
	v14 =	vadd.f32 v15, v14  }
0x176: {  	v17 =	vbroadcast v17, $0x0  }
0x177: {  	v14 =	vadd.f32 v16, v14  }
0x178: {  	v42 =	vadd.s32 v0, v17  }
0x179: {  	v14 =	vmax.f32 v14, $0.0e+00  }
0x17a: {  	[tilespmem:v13+s30+$0x0] =	vst.idx.msk $0xffff, v14  }
0x17b: {  	[tilespmem:v12+s16+$0x70 ss:$0x1] =	vst.idx.msk $0xffff, v14;
	s16 =	sshra.s32 s18, $0x2  }
0x17c: {  	v14 =	vld.idx.msk [tilespmem:v10+s16+$0x0 ss:$0x1], $0xffff  }
0x17d: {  	v13 =	vld.idx.msk [tilespmem:v42+s30+$0x0], $0xffff  }
0x17e: {  	s19 =	sadd.s32 $0x1, s17  }
0x17f: {  	v44 =	vmov s19;
	v43 =	vld.idx.msk [tilespmem:v11+s16+$0x0 ss:$0x1], $0xffff  }
0x180: {  	v17 =	vshrl.u32 v44, $0x3  }
0x181: {  	v17 =	vshll.u32 v17, v2  }
0x182: {  	v45 =	vbroadcast v17, $0x0;
	v13 =	vadd.f32 v14, v13;
	_ =	sdelay $0x1  }
0x183: {  	v14 =	vadd.s32 v3, v45;
	v13 =	vadd.f32 v43, v13;
	_ =	sdelay $0x1  }
0x184: {  	v13 =	vmax.f32 v13, $0.0e+00  }
0x185: {  	[tilespmem:v42+s30+$0x0] =	vst.idx.msk $0xffff, v13  }
0x186: {  	[tilespmem:v12+s16+$0x0 ss:$0x1] =	vst.idx.msk $0xffff, v13  }
0x187: {  	v13 =	vld.idx.msk [tilespmem:v14+s30+$0x0], $0xffff  }
0x188: {  	v15 =	vld.idx.msk [tilespmem:v10+s16+$0x10 ss:$0x1], $0xffff  }
0x189: {  	s20 =	sadd.s32 $0x2, s17  }
0x18a: {  	v47 =	vmov s20;
	v46 =	vld.idx.msk [tilespmem:v11+s16+$0x10 ss:$0x1], $0xffff  }
0x18b: {  	v17 =	vshrl.u32 v47, $0x3  }
0x18c: {  	v17 =	vshll.u32 v17, v2  }
0x18d: {  	v48 =	vbroadcast v17, $0x0;
	v13 =	vadd.f32 v15, v13;
	_ =	sdelay $0x1  }
0x18e: {  	v15 =	vadd.s32 v4, v48;
	v13 =	vadd.f32 v46, v13;
	_ =	sdelay $0x1  }
0x18f: {  	v13 =	vmax.f32 v13, $0.0e+00  }
0x190: {  	[tilespmem:v14+s30+$0x0] =	vst.idx.msk $0xffff, v13  }
0x191: {  	[tilespmem:v12+s16+$0x10 ss:$0x1] =	vst.idx.msk $0xffff, v13  }
0x192: {  	v13 =	vld.idx.msk [tilespmem:v15+s30+$0x0], $0xffff  }
0x193: {  	v14 =	vld.idx.msk [tilespmem:v10+s16+$0x20 ss:$0x1], $0xffff  }
0x194: {  	s19 =	sadd.s32 $0x3, s17  }
0x195: {  	v50 =	vmov s19;
	v49 =	vld.idx.msk [tilespmem:v11+s16+$0x20 ss:$0x1], $0xffff  }
0x196: {  	v17 =	vshrl.u32 v50, $0x3  }
0x197: {  	v17 =	vshll.u32 v17, v2  }
0x198: {  	v51 =	vbroadcast v17, $0x0;
	v13 =	vadd.f32 v14, v13;
	_ =	sdelay $0x1  }
0x199: {  	v14 =	vadd.s32 v5, v51;
	v13 =	vadd.f32 v49, v13;
	_ =	sdelay $0x1  }
0x19a: {  	v13 =	vmax.f32 v13, $0.0e+00  }
0x19b: {  	[tilespmem:v15+s30+$0x0] =	vst.idx.msk $0xffff, v13  }
0x19c: {  	[tilespmem:v12+s16+$0x20 ss:$0x1] =	vst.idx.msk $0xffff, v13  }
0x19d: {  	v13 =	vld.idx.msk [tilespmem:v14+s30+$0x0], $0xffff  }
0x19e: {  	v15 =	vld.idx.msk [tilespmem:v10+s16+$0x30 ss:$0x1], $0xffff  }
0x19f: {  	s20 =	sadd.s32 $0x4, s17  }
0x1a0: {  	v53 =	vmov s20;
	v52 =	vld.idx.msk [tilespmem:v11+s16+$0x30 ss:$0x1], $0xffff  }
0x1a1: {  	v17 =	vshrl.u32 v53, $0x3  }
0x1a2: {  	v17 =	vshll.u32 v17, v2  }
0x1a3: {  	v54 =	vbroadcast v17, $0x0;
	v13 =	vadd.f32 v15, v13;
	_ =	sdelay $0x1  }
0x1a4: {  	v15 =	vadd.s32 v6, v54;
	v13 =	vadd.f32 v52, v13;
	_ =	sdelay $0x1  }
0x1a5: {  	v13 =	vmax.f32 v13, $0.0e+00  }
0x1a6: {  	[tilespmem:v14+s30+$0x0] =	vst.idx.msk $0xffff, v13  }
0x1a7: {  	[tilespmem:v12+s16+$0x30 ss:$0x1] =	vst.idx.msk $0xffff, v13  }
0x1a8: {  	v13 =	vld.idx.msk [tilespmem:v15+s30+$0x0], $0xffff  }
0x1a9: {  	v14 =	vld.idx.msk [tilespmem:v10+s16+$0x40 ss:$0x1], $0xffff  }
0x1aa: {  	s19 =	sadd.s32 $0x5, s17  }
0x1ab: {  	v56 =	vmov s19;
	v55 =	vld.idx.msk [tilespmem:v11+s16+$0x40 ss:$0x1], $0xffff  }
0x1ac: {  	v17 =	vshrl.u32 v56, $0x3  }
0x1ad: {  	v17 =	vshll.u32 v17, v2  }
0x1ae: {  	v57 =	vbroadcast v17, $0x0;
	v13 =	vadd.f32 v14, v13;
	_ =	sdelay $0x1  }
0x1af: {  	v14 =	vadd.s32 v7, v57;
	v13 =	vadd.f32 v55, v13;
	_ =	sdelay $0x1  }
0x1b0: {  	v13 =	vmax.f32 v13, $0.0e+00  }
0x1b1: {  	[tilespmem:v15+s30+$0x0] =	vst.idx.msk $0xffff, v13  }
0x1b2: {  	[tilespmem:v12+s16+$0x40 ss:$0x1] =	vst.idx.msk $0xffff, v13  }
0x1b3: {  	v13 =	vld.idx.msk [tilespmem:v14+s30+$0x0], $0xffff  }
0x1b4: {  	v15 =	vld.idx.msk [tilespmem:v10+s16+$0x50 ss:$0x1], $0xffff  }
0x1b5: {  	s20 =	sadd.s32 $0x6, s17  }
0x1b6: {  	v59 =	vmov s20;
	v58 =	vld.idx.msk [tilespmem:v11+s16+$0x50 ss:$0x1], $0xffff  }
0x1b7: {  	v17 =	vshrl.u32 v59, $0x3  }
0x1b8: {  	v17 =	vshll.u32 v17, v2  }
0x1b9: {  	v60 =	vbroadcast v17, $0x0;
	v13 =	vadd.f32 v15, v13;
	_ =	sdelay $0x1  }
0x1ba: {  	v15 =	vadd.s32 v8, v60;
	v13 =	vadd.f32 v58, v13;
	_ =	sdelay $0x1  }
0x1bb: {  	v13 =	vmax.f32 v13, $0.0e+00  }
0x1bc: {  	[tilespmem:v14+s30+$0x0] =	vst.idx.msk $0xffff, v13  }
0x1bd: {  	[tilespmem:v12+s16+$0x50 ss:$0x1] =	vst.idx.msk $0xffff, v13  }
0x1be: {  	v13 =	vld.idx.msk [tilespmem:v15+s30+$0x0], $0xffff  }
0x1bf: {  	v14 =	vld.idx.msk [tilespmem:v10+s16+$0x60 ss:$0x1], $0xffff  }
0x1c0: {  	s19 =	sadd.s32 $0x7, s17  }
0x1c1: {  	v62 =	vmov s19;
	v61 =	vld.idx.msk [tilespmem:v11+s16+$0x60 ss:$0x1], $0xffff  }
0x1c2: {  	v17 =	vshrl.u32 v62, $0x3  }
0x1c3: {  	v17 =	vshll.u32 v17, v2  }
0x1c4: {  	v63 =	vbroadcast v17, $0x0;
	v13 =	vadd.f32 v14, v13;
	_ =	sdelay $0x1  }
0x1c5: {  	v14 =	vadd.s32 v9, v63;
	v13 =	vadd.f32 v61, v13;
	_ =	sdelay $0x1  }
0x1c6: {  	v13 =	vmax.f32 v13, $0.0e+00  }
0x1c7: {  	[tilespmem:v15+s30+$0x0] =	vst.idx.msk $0xffff, v13  }
0x1c8: {  	[tilespmem:v12+s16+$0x60 ss:$0x1] =	vst.idx.msk $0xffff, v13  }
0x1c9: {  	v13 =	vld.idx.msk [tilespmem:v14+s30+$0x0], $0xffff  }
0x1ca: {  	v10 =	vld.idx.msk [tilespmem:v10+s16+$0x70 ss:$0x1], $0xffff;
	_ =	sdelay $0x1  }
0x1cb: {  	v11 =	vld.idx.msk [tilespmem:v11+s16+$0x70 ss:$0x1], $0xffff;
	_ =	sdelay $0x2  }
0x1cc: {  	v10 =	vadd.f32 v10, v13;
	_ =	sdelay $0x1  }
0x1cd: {  	v10 =	vadd.f32 v11, v10  }
0x1ce: {  	s20 =	sadd.s32 s8, s25  }
0x1cf: {  	s17 =	sshll.u32 s20, $0x7;
	v10 =	vmax.f32 v10, $0.0e+00  }
0x1d0: {  	s17 =	sand.u32 $0x1FFFFF80, s17;
	[tilespmem:v14+s30+$0x0] =	vst.idx.msk $0xffff, v10  }
0x1d1: {  	s17 =	sadd.s32 s1, s17;
	[tilespmem:v12+s16+$0x70 ss:$0x1] =	vst.idx.msk $0xffff, v10;
	s16 =	sadd.s32 $0x7, s10  }
0x1d2: {  	[hbm4b:s17+s5] =	stream.linear.scatter [tilespmem:s30], [sflag:s16], $0x80, $0x38;
	[tilespmem:$0x12800] =	vst v63  }
0x1d3: {  	s19 =	sadd.s32 $0x10, s17;
	s30 =	sadd.s32 $0x8088, s12  }
0x1d4: {  	[hbm4b:s19+s5] =	stream.linear.scatter [tilespmem:s30], [sflag:s16], $0x80, $0x38;
	[tilespmem:$0x12800] =	vst v63  }
0x1d5: {  	s20 =	sadd.s32 $0x8110, s12;
	s30 =	sadd.s32 $0x20, s17  }
0x1d6: {  	[hbm4b:s30+s5] =	stream.linear.scatter [tilespmem:s20], [sflag:s16], $0x80, $0x38;
	[tilespmem:$0x12800] =	vst v63  }
0x1d7: {  	s20 =	sadd.s32 $0x8198, s12;
	s30 =	sadd.s32 $0x30, s17  }
0x1d8: {  	[hbm4b:s30+s5] =	stream.linear.scatter [tilespmem:s20], [sflag:s16], $0x80, $0x38;
	[tilespmem:$0x12800] =	vst v63  }
0x1d9: {  	s20 =	sadd.s32 $0x8220, s12;
	s30 =	sadd.s32 $0x40, s17  }
0x1da: {  	[hbm4b:s30+s5] =	stream.linear.scatter [tilespmem:s20], [sflag:s16], $0x80, $0x38;
	[tilespmem:$0x12800] =	vst v63  }
0x1db: {  	s20 =	sadd.s32 $0x82A8, s12;
	s30 =	sadd.s32 $0x50, s17  }
0x1dc: {  	[hbm4b:s30+s5] =	stream.linear.scatter [tilespmem:s20], [sflag:s16], $0x80, $0x38;
	[tilespmem:$0x12800] =	vst v63  }
0x1dd: {  	s20 =	sadd.s32 $0x8330, s12;
	s30 =	sadd.s32 $0x60, s17  }
0x1de: {  	[hbm4b:s30+s5] =	stream.linear.scatter [tilespmem:s20], [sflag:s16], $0x80, $0x38;
	[tilespmem:$0x12800] =	vst v63  }
0x1df: {  	s20 =	sadd.s32 $0x83B8, s12;
	s30 =	sadd.s32 $0x70, s17  }
0x1e0: {  	[hbm4b:s30+s5] =	stream.linear.scatter [tilespmem:s20], [sflag:s16], $0x80, $0x38;
	[tilespmem:$0x12800] =	vst v63  }
0x1e1: {  	s19 =	sadd.s32 $0x8440, s12;
	s17 =	sadd.s32 $0x4E200, s17  }
0x1e2: {  	[hbm4b:s17+s5] =	stream.linear.scatter [tilespmem:s19], [sflag:s16], $0x80, $0x38;
	[tilespmem:$0x12800] =	vst v63  }
0x1e3: {  	s20 =	sadd.s32 $0x84C8, s12;
	s30 =	sadd.s32 $0x10, s17  }
0x1e4: {  	[hbm4b:s30+s5] =	stream.linear.scatter [tilespmem:s20], [sflag:s16], $0x80, $0x38;
	[tilespmem:$0x12800] =	vst v63  }
0x1e5: {  	s20 =	sadd.s32 $0x8550, s12;
	s30 =	sadd.s32 $0x20, s17  }
0x1e6: {  	[hbm4b:s30+s5] =	stream.linear.scatter [tilespmem:s20], [sflag:s16], $0x80, $0x38;
	[tilespmem:$0x12800] =	vst v63  }
0x1e7: {  	s20 =	sadd.s32 $0x85D8, s12;
	s30 =	sadd.s32 $0x30, s17  }
0x1e8: {  	[hbm4b:s30+s5] =	stream.linear.scatter [tilespmem:s20], [sflag:s16], $0x80, $0x38;
	[tilespmem:$0x12800] =	vst v63  }
0x1e9: {  	s20 =	sadd.s32 $0x8660, s12;
	s30 =	sadd.s32 $0x40, s17  }
0x1ea: {  	[hbm4b:s30+s5] =	stream.linear.scatter [tilespmem:s20], [sflag:s16], $0x80, $0x38;
	[tilespmem:$0x12800] =	vst v63  }
0x1eb: {  	s20 =	sadd.s32 $0x86E8, s12;
	s30 =	sadd.s32 $0x50, s17  }
0x1ec: {  	[hbm4b:s30+s5] =	stream.linear.scatter [tilespmem:s20], [sflag:s16], $0x80, $0x38;
	[tilespmem:$0x12800] =	vst v63  }
0x1ed: {  	s19 =	sadd.s32 $0x8770, s12;
	s20 =	sadd.s32 $0x60, s17  }
0x1ee: {  	[hbm4b:s20+s5] =	stream.linear.scatter [tilespmem:s19], [sflag:s16], $0x80, $0x38;
	[tilespmem:$0x12800] =	vst v63  }
0x1ef: {  	s18 =	sshll.u32 s10, $0xB;
	s19 =	sshll.u32 s25, $0x7;
	s25 =	sadd.s32 $0x1, s25  }
0x1f0: {  	s30 =	sadd.s32 $0x87F8, s12;
	s17 =	sadd.s32 $0x70, s17;
	p0 =	sne.s32 s25, s24  }
0x1f1: {  	[hbm4b:s17+s5] =	stream.linear.scatter [tilespmem:s30], [sflag:s16], $0x80, $0x38;
	[tilespmem:$0x12800] =	vst v63  }
.Ltmp2:
0x1f2: {  	s12 =	sand.u32 $0x3FFFF800, s18;
	(pc) =	sbr.rel @p0 .LBB2_4-.Ltmp2, $4  }
0x1f3: {  	s12 =	sadd.s32 $0x9980, s12;
	s20 =	sadd.s32 $0x2800, s19;
	s30 =	sadd.s32 $0xA, s10  }
0x1f4: {  	[spmem:s3] =	stream.indirect.scatter.add.f32 [tilespmem:s12], [sflag:s30], $0x10, s20, s0, $0xb8;
	[tilespmem:$0x12800] =	vst v63  }
0x1f5: {  	s22 =	sadd.s32 $0x800, s22;
	s23 =	sadd.s32 $0x800, s23;
	s13 =	sadd.s32 $0x800, s13  }
0x1f6: {  	[spmem:s4] =	stream.indirect.scatter.add.f32 [tilespmem:s12], [sflag:s30], $0x10, s19, s0, $0xb8;
	[tilespmem:$0x12800] =	vst v63  }
0x1f7: {  	s10 =	rddreg [dreg:$0xa]  }
0x1f8: {  	_ =	swait.ge [sflag:s10], $0x400  }
0x1f9: {  	[sflag:s10] =	ssyncset.done $0x0  }
0x1fa: {  	[sflag:s10] =	ssyncadd.s32 $0xFFFFFC00  }
0x1fb: {  	_ =	swait.ge [sflag:s10], $0x400  }
0x1fc: {  	[sflag:s10] =	ssyncset.done $0x0  }
0x1fd: {  	s18 =	rddreg [dreg:$0xb];
	[sflag:s10] =	ssyncadd.s32 $0xFFFFFC00  }
0x1fe: {  	_ =	swait.ge [sflag:s18], $0x800  }
0x1ff: {  	[sflag:s18] =	ssyncset.done $0x0  }
0x200: {  	[sflag:s18] =	ssyncadd.s32 $0xFFFFF800  }
0x201: {  	_ =	swait.ge [sflag:s18], $0x800  }
0x202: {  	[sflag:s18] =	ssyncset.done $0x0  }
0x203: {  	s19 =	rddreg [dreg:$0xc];
	[sflag:s18] =	ssyncadd.s32 $0xFFFFF800  }
0x204: {  	_ =	swait.ge [sflag:s19], $0x400  }
0x205: {  	[sflag:s19] =	ssyncset.done $0x0  }
0x206: {  	[sflag:s19] =	ssyncadd.s32 $0xFFFFFC00  }
0x207: {  	_ =	swait.ge [sflag:s19], $0x400  }
0x208: {  	[sflag:s19] =	ssyncset.done $0x0  }
0x209: {  	s20 =	rddreg [dreg:$0xd];
	[sflag:s19] =	ssyncadd.s32 $0xFFFFFC00  }
0x20a: {  	_ =	swait.ge [sflag:s20], $0x800  }
0x20b: {  	[sflag:s20] =	ssyncset.done $0x0  }
0x20c: {  	[sflag:s20] =	ssyncadd.s32 $0xFFFFF800  }
0x20d: {  	_ =	swait.ge [sflag:s20], $0x800  }
0x20e: {  	[sflag:s20] =	ssyncset.done $0x0  }
0x20f: {  	s22 =	rddreg [dreg:$0xe];
	[sflag:s20] =	ssyncadd.s32 $0xFFFFF800  }
0x210: {  	_ =	swait.ge [sflag:s22], $0x400  }
0x211: {  	[sflag:s22] =	ssyncset.done $0x0  }
0x212: {  	[sflag:s22] =	ssyncadd.s32 $0xFFFFFC00  }
0x213: {  	_ =	swait.ge [sflag:s22], $0x400  }
0x214: {  	[sflag:s22] =	ssyncset.done $0x0  }
0x215: {  	[sflag:s22] =	ssyncadd.s32 $0xFFFFFC00  }
0x216: {  	_ =	swait.ge [sflag:s21], $0x800  }
0x217: {  	[sflag:s21] =	ssyncset.done $0x0  }
0x218: {  	[sflag:s21] =	ssyncadd.s32 $0xFFFFF800  }
0x219: {  	_ =	swait.ge [sflag:s21], $0x800  }
0x21a: {  	[sflag:s21] =	ssyncset.done $0x0  }
0x21b: {  	[sflag:s21] =	ssyncadd.s32 $0xFFFFF800  }
0x21c: {  	[bflag:$0x0] =	sbarrier.arrive $0xFFFF  }
0x21d: {  	s13 =	simm.s32 $0xB180;
	s22 =	rddreg [dreg:$0x6]  }
0x21e: {  	[tilespmem:s13], [sflag:$0xD] =	stream.linear.gather [spmem:s22], $0x2780, $0x38;
	[tilespmem:$0x12800] =	vst v63  }
0x21f: {  	_ =	swait.ge [sflag:s31], $0x2780  }
0x220: {  	[sflag:s31] =	ssyncset.done $0x0  }
0x221: {  	s23 =	rddreg [dreg:$0xf];
	[sflag:s31] =	ssyncadd.s32 $0xFFFFD880  }
0x222: {  	[hbm4b:s23+s5] =	stream.linear.scatter [tilespmem:s13], [sflag:$0xD], $0x2780, $0x38;
	[tilespmem:$0x12800] =	vst v63  }
0x223: {  	_ =	swait.ge [sflag:s31], $0x2780  }
0x224: {  	[sflag:s31] =	ssyncset.done $0x0  }
0x225: {  	s23 =	rddreg [dreg:$0x7];
	[sflag:s31] =	ssyncadd.s32 $0xFFFFD880  }
0x226: {  	[tilespmem:s13], [sflag:$0xD] =	stream.linear.gather [spmem:s23], $0x2780, $0x38;
	[tilespmem:$0x12800] =	vst v63  }
0x227: {  	_ =	swait.ge [sflag:s31], $0x2780  }
0x228: {  	[sflag:s31] =	ssyncset.done $0x0  }
0x229: {  	s25 =	rddreg [dreg:$0x10];
	[sflag:s31] =	ssyncadd.s32 $0xFFFFD880  }
0x22a: {  	[hbm4b:s25+s5] =	stream.linear.scatter [tilespmem:s13], [sflag:$0xD], $0x2780, $0x38;
	[tilespmem:$0x12800] =	vst v63  }
0x22b: {  	_ =	swait.ge [sflag:s31], $0x2780  }
0x22c: {  	s2 =	sadd.s32 $0x1, s2;
	s30 =	rddreg [dreg:$0x11]  }
0x22d: {  	p0 =	sne.s32 s2, s30  }
.Ltmp3:
0x22e: {  	_ = 	snop;
	(pc) =	sbr.rel @p0 .LBB2_1-.Ltmp3, $3  }
0x22f: {  	_ =	sdelay $0x1  }
0x230: {  	[sflag:s31] =	ssyncset.done $0x0  }
0x231: {  	[sflag:s31] =	ssyncadd.s32 $0xFFFFD880  }
0x232: {  	_ =	sfence.sel $0x180000  }
0x233: {  	[bflag:$0x0] =	sbarrier.arrive $0xFFFF  }
0x234: {  	_ =	strace $0x90000047  }
0x235: {  	s0 =	stileid.u32;
	[bflag:$0x2] =	sbarrier.arrive $0xFFFF  }
0x236: {  	p0 =	sne.s32 s0, $0x0;
	s0 =	rddreg [dreg:$0x5]  }
0x237: {  	s0 =	sadd.s32 @!p0 $0x100000, s0  }
0x238: {  	[sflag:s0] =	ssyncadd.tile.s32 @!p0 $0x1;
	_ =	shalt  }
.Lfunc_end2:
_tile_overlayer_lowered:
.L_overlay_start_2:
0x239: {  	(tag) =	ssettag $0x2  }
0x23a: {  	s0 =	rddreg [dreg:$0x0];
	s2 =	stileid.u32  }
0x23b: {  	s1 =	rddreg [dreg:$0x1];
	p0 =	sne.s32 s2, $0x0  }
0x23c: {  	s3 =	rddreg [dreg:$0x2];
	[bflag:$0x3] =	sbarrier.arrive $0xFFFF;
	s2 =	simm.s32 @!p0 $0x1C0D  }
0x23d: {  	[timem:s3], [sflag:s2] =	dma.local @!p0 [hbm:s0], s1  }
0x23e: {  	s0 =	simm.s32 @!p0 $0xD  }
0x23f: {  	_ =	swait.ge @!p0 [sflag:s0], s1  }
0x240: {  	s1 =	ssub.s32 @!p0 $0x0, s1;
	[sflag:s0] =	ssyncset.done @!p0 $0x0  }
0x241: {  	[sflag:s0] =	ssyncadd.s32 @!p0 s1  }
0x242: {  	[bflag:$0x3] =	sbarrier.arrive $0xFFFF  }
0x243: {  	_ =	shalt  }

</sc_bundles>
